<compile_context>
chip_gen: v7x
topology: tpu7x:2x2x1
jax: 0.10.2.dev20260603
libtpu: 0.0.44.dev20260713+nightly
codegen_flags: <defaults>
</compile_context>

<pallas_src>
import jax
import jax.numpy as jnp
from jax import lax
from jax.experimental import pallas as pl
from jax.experimental.pallas import tpu as pltpu
from jax.experimental.pallas import tpu_sc as plsc

N = 100000
NPAD = 100352
TPN = NPAD // 16
SUB = TPN // 4
E = 3200000
EPAD = 3211264
PWE = EPAD // 32
G = 8
NCHUNK = PWE // (G * 128)

_f32 = jnp.float32
_i32 = jnp.int32

_CP = pltpu.CompilerParams(needs_layout_passes=False, use_tc_tiling_on_sc=False)


def _mesh():
    return plsc.VectorSubcoreMesh(
        core_axis_name="c", subcore_axis_name="s", num_cores=2, num_subcores=16
    )


def _prep_body(xw_hbm, w_hbm, f_out, wbuf, xbuf, zbuf):
    cid = lax.axis_index("c")
    tid = lax.axis_index("s")
    wid = tid * 2 + cid
    half = TPN // 2
    lanes = lax.iota(_i32, 16)

    pltpu.sync_copy(w_hbm, wbuf)
    wv = wbuf[...]
    w1 = [wv[4 + p] for p in range(4)]
    w2 = [wv[8 + p] for p in range(4)]

    @pl.loop(0, 2)
    def _sub(s):
        base = wid * half + s * SUB
        for r in range(8):
            pltpu.sync_copy(
                xw_hbm.at[pl.ds(r * NPAD + base, SUB)],
                xbuf.at[pl.ds(r * SUB, SUB)],
            )

        @pl.loop(0, SUB // 16)
        def _grp(i):
            off = i * 16
            fidx = (off + lanes) * 4
            for b in range(2):
                xv = [xbuf[pl.ds((4 * b + p) * SUB + off, 16)] for p in range(4)]
                z1 = xv[0] * w1[0] + xv[1] * w1[1] + xv[2] * w1[2] + xv[3] * w1[3]
                z2 = xv[0] * w2[0] + xv[1] * w2[1] + xv[2] * w2[2] + xv[3] * w2[3]
                plsc.store_scatter(zbuf, [fidx + b], z1)
                plsc.store_scatter(zbuf, [fidx + (2 + b)], z2)

        pltpu.sync_copy(zbuf, f_out.at[pl.ds(4 * base, 4 * SUB)])


def _prep(xwf, wflat):
    return pl.kernel(
        _prep_body,
        out_type=jax.ShapeDtypeStruct((4 * NPAD,), _f32),
        mesh=_mesh(),
        compiler_params=_CP,
        scratch_types=[
            pltpu.VMEM((16,), _f32),
            pltpu.VMEM((8 * SUB,), _f32),
            pltpu.VMEM((4 * SUB,), _f32),
        ],
        name="sine_gpvar_prep",
    )(xwf, wflat)


def _make_hop_body(C):
    def _hop_body(f_hbm, src_hbm, dst_hbm, zeros_hbm, g_out,
                  g_sp, sidx, didx, rows, gsem, ssem):
        cid = lax.axis_index("c")
        tid = lax.axis_index("s")
        wid = tid * 2 + cid
        n0 = tid * TPN

        pltpu.sync_copy(zeros_hbm, g_sp.at[pl.ds(n0, TPN)])
        plsc.subcore_barrier()

        e0 = wid * (PWE // 128)

        @pl.loop(0, NCHUNK)
        def _chunk(s):
            r0 = e0 + s * G
            pltpu.sync_copy(src_hbm.at[pl.ds(r0, G)], sidx)
            pltpu.sync_copy(dst_hbm.at[pl.ds(r0, G)], didx)
            gds = []
            for j in range(G):
                gds.append(
                    pltpu.async_copy(
                        f_hbm.at[sidx.at[j]],
                        rows.at[pl.ds(j * 128, 128)], gsem,
                    )
                )
            for d in gds:
                d.wait()
            sds = []
            for j in range(G):
                sds.append(
                    pltpu.async_copy(
                        rows.at[pl.ds(j * 128, 128)],
                        g_sp.at[didx.at[j]], ssem,
                        add=True,
                    )
                )
            for d in sds:
                d.wait()

        plsc.subcore_barrier()

        pltpu.sync_copy(g_sp.at[pl.ds(n0, TPN)], g_out.at[cid].at[pl.ds(n0, TPN)])

    return _hop_body


def _hop(C, fT, srcE, dstE, zerosT):
    return pl.kernel(
        _make_hop_body(C),
        out_type=jax.ShapeDtypeStruct((2, NPAD, C), _f32),
        mesh=_mesh(),
        compiler_params=_CP,
        scratch_types=[
            pltpu.VMEM_SHARED((NPAD, C), _f32),
            pltpu.VMEM((G, 128), _i32),
            pltpu.VMEM((G, 128), _i32),
            pltpu.VMEM((G * 128, C), _f32),
            pltpu.SemaphoreType.DMA,
            pltpu.SemaphoreType.DMA,
        ],
        name=f"sine_gpvar_hop{C}",
    )(fT, srcE, dstE, zerosT)


def _mid_body(a_ref, f2_ref):
    f2_ref[...] = a_ref[0:1] + a_ref[1:2]


def _mid(a):
    BL = 2048
    return pl.pallas_call(
        _mid_body,
        grid=((2 * NPAD) // BL,),
        in_specs=[pl.BlockSpec((2, BL), lambda i: (0, i))],
        out_specs=pl.BlockSpec((1, BL), lambda i: (0, i)),
        out_shape=jax.ShapeDtypeStruct((1, 2 * NPAD), _f32),
    )(a)


def _epi_body(xw_ref, w_ref, g1_ref, g2_ref, amp_ref, ph_ref, o_ref):
    w = w_ref[...]
    xw = xw_ref[...].reshape(2, 4, xw_ref.shape[1])
    z0 = (xw * w[0][None, :, None]).sum(axis=1)
    u = z0 + g1_ref[0:2] + g1_ref[2:4] + g2_ref[0:2] + g2_ref[2:4]
    sine = amp_ref[...] * jnp.sin(ph_ref[...])
    o_ref[...] = jnp.tanh(u) + sine


def _epilogue(xwp, weight, g1p, g2p, amp, ph):
    BL = 512
    return pl.pallas_call(
        _epi_body,
        grid=(NPAD // BL,),
        in_specs=[
            pl.BlockSpec((8, BL), lambda i: (0, i)),
            pl.BlockSpec((3, 4), lambda i: (0, 0)),
            pl.BlockSpec((4, BL), lambda i: (0, i)),
            pl.BlockSpec((4, BL), lambda i: (0, i)),
            pl.BlockSpec((1, BL), lambda i: (0, i)),
            pl.BlockSpec((1, BL), lambda i: (0, i)),
        ],
        out_specs=pl.BlockSpec((2, BL), lambda i: (0, i)),
        out_shape=jax.ShapeDtypeStruct((2, NPAD), _f32),
    )(xwp, weight, g1p, g2p, amp, ph)


def kernel(x, edge_index, weight, amplitude, phase, period):
    del period
    xw = x[:, 4:, :, 0].reshape(8, N)
    xwp = jnp.pad(xw, ((0, 0), (0, NPAD - N)))
    xwf = xwp.reshape(8 * NPAD)
    epad = jnp.full((EPAD - E,), N, _i32)
    srcE = jnp.concatenate([edge_index[0], epad]).reshape(EPAD // 128, 128)
    dstE = jnp.concatenate([edge_index[1], epad]).reshape(EPAD // 128, 128)
    zeros8 = jnp.zeros((TPN, 8), _f32)
    wflat = jnp.pad(weight.reshape(12), (0, 4))

    f1 = jnp.pad(_prep(xwf, wflat).reshape(NPAD, 4), ((0, 0), (0, 4)))
    g1 = _hop(8, f1, srcE, dstE, zeros8)
    f2 = _mid(g1[:, :, 2:4].reshape(2, 2 * NPAD)).reshape(NPAD, 2)
    f2 = jnp.pad(f2, ((0, 0), (0, 6)))
    g1p = jnp.transpose(g1[:, :, 0:2], (0, 2, 1)).reshape(4, NPAD)
    g2 = _hop(8, f2, srcE, dstE, zeros8)
    g2p = jnp.transpose(g2[:, :, 0:2], (0, 2, 1)).reshape(4, NPAD)
    amp = jnp.pad(amplitude[:, 0], (0, NPAD - N)).reshape(1, NPAD)
    ph = jnp.pad(phase[:, 0], (0, NPAD - N)).reshape(1, NPAD)
    y = _epilogue(xwp, weight, g1p, g2p, amp, ph)
    return y[:, :N][:, None, :, None]

# --- scband reference (transcript-rebuilt; emitter-appended) ---
"""Pipeline reference for scband-sine-gpvar-17781164606245 (READ-ONLY COPY).

The authoritative reference and input builder live on the scoring server;
editing this copy changes nothing except your own understanding.
"""

import math
import jax, jax.numpy as jnp
import numpy as np

N_NODES = 100000
N_EDGES = 3200000
TEMPORAL_ORDER = 4
SPATIAL_ORDER = 2
BATCH = 2
TIME = 8


def setup_inputs(seed: int = 0):
    key = jax.random.key(seed)
    k1, k2, k3, k4, k5, k6 = jax.random.split(key, 6)
    x = jax.random.normal(k1, (BATCH, TIME, N_NODES, 1), dtype=jnp.float32)
    edge_index = jax.random.randint(k2, (2, N_EDGES), 0, N_NODES, dtype=jnp.int32)
    # GraphPolyVAR.weight: xavier_uniform on [spatial_order+1, temporal_order]
    bound = math.sqrt(6.0 / ((SPATIAL_ORDER + 1) + TEMPORAL_ORDER))
    weight = jax.random.uniform(k3, (SPATIAL_ORDER + 1, TEMPORAL_ORDER), dtype=jnp.float32, minval=-bound, maxval=bound)
    # local sine params per reset_parameters()
    amplitude = jax.random.uniform(k4, (N_NODES, 1), dtype=jnp.float32, minval=0.0, maxval=1.0)
    phase = jax.random.uniform(k5, (N_NODES, 1), dtype=jnp.float32, minval=-math.pi, maxval=math.pi)
    period = jax.random.uniform(k6, (N_NODES, 1), dtype=jnp.float32, minval=1.0, maxval=12.0)
    return {"x": x, "edge_index": edge_index, "weight": weight,
            "amplitude": amplitude, "phase": phase, "period": period}


def _gpvar(x, edge_index, weight):
    # Polynomial spatiotemporal graph VAR filter (tsl GraphPolyVAR, norm='none'):
    #   out[b, n] = sum_{l=0..L} sum_{p=0..P-1} W[l, p] * (A^l X_window)[b, n, p]
    # where A x (PyG add-aggregation, source_to_target): out[dst] += x[src].
    P = weight.shape[1]
    L = weight.shape[0] - 1
    n = x.shape[-2]
    # [b, t, n, 1] -> last P steps -> [b, n, p]
    xw = jnp.transpose(jnp.squeeze(x[:, -P:, :, :], -1), (0, 2, 1))
    src = edge_index[0]
    dst = edge_index[1]
    outs = [xw]
    h = xw
    for _ in range(L):
        msg = jnp.take(h, src, axis=1)  # gather source node features [b, E, p]
        agg = jax.ops.segment_sum(jnp.transpose(msg, (1, 0, 2)), dst, num_segments=n)
        h = jnp.transpose(agg, (1, 0, 2))  # [b, n, p]
        outs.append(h)
    stacked = jnp.stack(outs, axis=-2)  # [b, n, L+1, p]
    out = jnp.einsum('bnlp,lp->bn', stacked, weight)
    return out[:, None, :, None]  # [b, 1, n, 1]


def reference(x, edge_index, weight, amplitude, phase, period):
    x_l = jnp.tanh(_gpvar(x, edge_index, weight))
    t = 0  # self.time_idx at first call
    sine = amplitude * jnp.sin(2.0 * math.pi * t / period + phase)  # [n, 1]
    sine = sine[None, None, :, :]  # rearrange 'n 1 -> 1 1 n 1'
    return x_l + sine

if __name__ == "__main__":
    import jax
    _d = setup_inputs()
    print(jax.jit(kernel)(*tuple(_d.values())))

</pallas_src>

<mosaic_0001>
#map = affine_map<(d0, d1) -> (0)>
module attributes {stable_mosaic.version = 14 : i64} {
  func.func @sine_gpvar_prep(%arg0: i32, %arg1: i32, %arg2: memref<802816xf32, #tpu.memory_space<hbm>>, %arg3: memref<16xf32, #tpu.memory_space<hbm>>, %arg4: memref<401408xf32, #tpu.memory_space<hbm>>, %arg5: memref<16xf32, #tpu.memory_space<vmem>>, %arg6: memref<12544xf32, #tpu.memory_space<vmem>>, %arg7: memref<6272xf32, #tpu.memory_space<vmem>>) attributes {dimension_semantics = [#tpu.dimension_semantics<core_parallel>, #tpu.dimension_semantics<subcore_parallel>], iteration_bounds = array<i64: 2, 16>, scalar_prefetch = 0 : i64, scratch_operands = 3 : i64, tpu.core_type = #tpu.core_type<sc_vector_subcore>, window_params = [{transform_indices = #map}, {transform_indices = #map}, {transform_indices = #map}]} {
    %mul3A = arith.constant 2 : i32
    %mul3A_0 = arith.muli %arg1, %mul3A : i32
    %add3A = arith.addi %mul3A_0, %arg0 : i32
    %iota3A = tpu.iota {dimensions = array<i32: 0>} : vector<16xi32>
    "tpu.region"() ({
      %run_scoped3A = tpu.sem_alloc : memref<!tpu.dma_semaphore, #tpu.memory_space<semaphore_mem>>
      tpu.enqueue_dma source(%arg3 : memref<16xf32, #tpu.memory_space<hbm>>) target(%arg5 : memref<16xf32, #tpu.memory_space<vmem>>) target_semaphore(%run_scoped3A : memref<!tpu.dma_semaphore, #tpu.memory_space<semaphore_mem>>)
      tpu.wait_dma2 semaphore(%run_scoped3A : memref<!tpu.dma_semaphore, #tpu.memory_space<semaphore_mem>>) src(%arg3 : memref<16xf32, #tpu.memory_space<hbm>>) dst(%arg5 : memref<16xf32, #tpu.memory_space<vmem>>)
      tpu.yield
    }) : () -> ()
    %get3A = arith.constant 0 : index
    %get3A_1 = tpu.vector_load %arg5[%get3A] {strides = array<i32>} : memref<16xf32, #tpu.memory_space<vmem>>, vector<16xf32>,
    %slice3A = vector.extract_strided_slice %get3A_1 {offsets = [4], sizes = [1], strides = [1]} : vector<16xf32> to vector<1xf32>
    %squeeze3A = vector.extract %slice3A[0] : f32 from vector<1xf32>
    %slice3A_2 = vector.extract_strided_slice %get3A_1 {offsets = [5], sizes = [1], strides = [1]} : vector<16xf32> to vector<1xf32>
    %squeeze3A_3 = vector.extract %slice3A_2[0] : f32 from vector<1xf32>
    %slice3A_4 = vector.extract_strided_slice %get3A_1 {offsets = [6], sizes = [1], strides = [1]} : vector<16xf32> to vector<1xf32>
    %squeeze3A_5 = vector.extract %slice3A_4[0] : f32 from vector<1xf32>
    %slice3A_6 = vector.extract_strided_slice %get3A_1 {offsets = [7], sizes = [1], strides = [1]} : vector<16xf32> to vector<1xf32>
    %squeeze3A_7 = vector.extract %slice3A_6[0] : f32 from vector<1xf32>
    %slice3A_8 = vector.extract_strided_slice %get3A_1 {offsets = [8], sizes = [1], strides = [1]} : vector<16xf32> to vector<1xf32>
    %squeeze3A_9 = vector.extract %slice3A_8[0] : f32 from vector<1xf32>
    %slice3A_10 = vector.extract_strided_slice %get3A_1 {offsets = [9], sizes = [1], strides = [1]} : vector<16xf32> to vector<1xf32>
    %squeeze3A_11 = vector.extract %slice3A_10[0] : f32 from vector<1xf32>
    %slice3A_12 = vector.extract_strided_slice %get3A_1 {offsets = [10], sizes = [1], strides = [1]} : vector<16xf32> to vector<1xf32>
    %squeeze3A_13 = vector.extract %slice3A_12[0] : f32 from vector<1xf32>
    %slice3A_14 = vector.extract_strided_slice %get3A_1 {offsets = [11], sizes = [1], strides = [1]} : vector<16xf32> to vector<1xf32>
    %squeeze3A_15 = vector.extract %slice3A_14[0] : f32 from vector<1xf32>
    %scan3A = arith.constant 0 : i32
    %scan3A_16 = arith.constant 2 : i32
    %scan3A_17 = arith.addi %scan3A, %scan3A_16 : i32
    %scan3A_18 = arith.constant 1 : i32
    scf.for %scan3A_20 = %scan3A to %scan3A_17 step %scan3A_18  : i32 {
      %mul3A_21 = arith.constant 1 : i32
      %mul3A_22 = arith.muli %scan3A_20, %mul3A_21 : i32
      %add3A_23 = arith.constant 0 : i32
      %add3A_24 = arith.addi %add3A_23, %mul3A_22 : i32
      %mul3A_25 = arith.constant 3136 : i32
      %mul3A_26 = arith.muli %add3A, %mul3A_25 : i32
      %mul3A_27 = arith.constant 1568 : i32
      %mul3A_28 = arith.muli %add3A_24, %mul3A_27 : i32
      %add3A_29 = arith.addi %mul3A_26, %mul3A_28 : i32
      %add3A_30 = arith.constant 0 : i32
      %add3A_31 = arith.addi %add3A_30, %add3A_29 : i32
      "tpu.region"() ({
        %run_scoped3A = tpu.sem_alloc : memref<!tpu.dma_semaphore, #tpu.memory_space<semaphore_mem>>
        %dma_start3A = arith.constant 0 : i32
        %dma_start3A_53 = tpu.memref_slice %arg6[%dma_start3A] : memref<12544xf32, #tpu.memory_space<vmem>> -> memref<1568xf32, #tpu.memory_space<vmem>>
        %dma_start3A_54 = tpu.memref_slice %arg2[%add3A_31] : memref<802816xf32, #tpu.memory_space<hbm>> -> memref<1568xf32, #tpu.memory_space<hbm>>
        %dma_start3A_55 = arith.constant 0 : i32
        %dma_start3A_56 = tpu.memref_slice %arg6[%dma_start3A_55] : memref<12544xf32, #tpu.memory_space<vmem>> -> memref<1568xf32, #tpu.memory_space<vmem>>
        %dma_start3A_57 = tpu.memref_slice %arg2[%add3A_31] : memref<802816xf32, #tpu.memory_space<hbm>> -> memref<1568xf32, #tpu.memory_space<hbm>>
        tpu.enqueue_dma source(%dma_start3A_57 : memref<1568xf32, #tpu.memory_space<hbm>>) target(%dma_start3A_56 : memref<1568xf32, #tpu.memory_space<vmem>>) target_semaphore(%run_scoped3A : memref<!tpu.dma_semaphore, #tpu.memory_space<semaphore_mem>>)
        %dma_wait3A = arith.constant 0 : i32
        %dma_wait3A_58 = tpu.memref_slice %arg6[%dma_wait3A] : memref<12544xf32, #tpu.memory_space<vmem>> -> memref<1568xf32, #tpu.memory_space<vmem>>
        %dma_wait3A_59 = tpu.memref_slice %arg2[%add3A_31] : memref<802816xf32, #tpu.memory_space<hbm>> -> memref<1568xf32, #tpu.memory_space<hbm>>
        %dma_wait3A_60 = arith.constant 0 : i32
        %dma_wait3A_61 = tpu.memref_slice %arg6[%dma_wait3A_60] : memref<12544xf32, #tpu.memory_space<vmem>> -> memref<1568xf32, #tpu.memory_space<vmem>>
        %dma_wait3A_62 = tpu.memref_slice %arg2[%add3A_31] : memref<802816xf32, #tpu.memory_space<hbm>> -> memref<1568xf32, #tpu.memory_space<hbm>>
        tpu.wait_dma2 semaphore(%run_scoped3A : memref<!tpu.dma_semaphore, #tpu.memory_space<semaphore_mem>>) src(%dma_wait3A_62 : memref<1568xf32, #tpu.memory_space<hbm>>) dst(%dma_wait3A_61 : memref<1568xf32, #tpu.memory_space<vmem>>)
        tpu.yield
      }) : () -> ()
      %add3A_32 = arith.constant 100352 : i32
      %add3A_33 = arith.addi %add3A_32, %add3A_29 : i32
      "tpu.region"() ({
        %run_scoped3A = tpu.sem_alloc : memref<!tpu.dma_semaphore, #tpu.memory_space<semaphore_mem>>
        %dma_start3A = arith.constant 1568 : i32
        %dma_start3A_53 = tpu.memref_slice %arg6[%dma_start3A] : memref<12544xf32, #tpu.memory_space<vmem>> -> memref<1568xf32, #tpu.memory_space<vmem>>
        %dma_start3A_54 = tpu.memref_slice %arg2[%add3A_33] : memref<802816xf32, #tpu.memory_space<hbm>> -> memref<1568xf32, #tpu.memory_space<hbm>>
        %dma_start3A_55 = arith.constant 1568 : i32
        %dma_start3A_56 = tpu.memref_slice %arg6[%dma_start3A_55] : memref<12544xf32, #tpu.memory_space<vmem>> -> memref<1568xf32, #tpu.memory_space<vmem>>
        %dma_start3A_57 = tpu.memref_slice %arg2[%add3A_33] : memref<802816xf32, #tpu.memory_space<hbm>> -> memref<1568xf32, #tpu.memory_space<hbm>>
        tpu.enqueue_dma source(%dma_start3A_57 : memref<1568xf32, #tpu.memory_space<hbm>>) target(%dma_start3A_56 : memref<1568xf32, #tpu.memory_space<vmem>>) target_semaphore(%run_scoped3A : memref<!tpu.dma_semaphore, #tpu.memory_space<semaphore_mem>>)
        %dma_wait3A = arith.constant 1568 : i32
        %dma_wait3A_58 = tpu.memref_slice %arg6[%dma_wait3A] : memref<12544xf32, #tpu.memory_space<vmem>> -> memref<1568xf32, #tpu.memory_space<vmem>>
        %dma_wait3A_59 = tpu.memref_slice %arg2[%add3A_33] : memref<802816xf32, #tpu.memory_space<hbm>> -> memref<1568xf32, #tpu.memory_space<hbm>>
        %dma_wait3A_60 = arith.constant 1568 : i32
        %dma_wait3A_61 = tpu.memref_slice %arg6[%dma_wait3A_60] : memref<12544xf32, #tpu.memory_space<vmem>> -> memref<1568xf32, #tpu.memory_space<vmem>>
        %dma_wait3A_62 = tpu.memref_slice %arg2[%add3A_33] : memref<802816xf32, #tpu.memory_space<hbm>> -> memref<1568xf32, #tpu.memory_space<hbm>>
        tpu.wait_dma2 semaphore(%run_scoped3A : memref<!tpu.dma_semaphore, #tpu.memory_space<semaphore_mem>>) src(%dma_wait3A_62 : memref<1568xf32, #tpu.memory_space<hbm>>) dst(%dma_wait3A_61 : memref<1568xf32, #tpu.memory_space<vmem>>)
        tpu.yield
      }) : () -> ()
      %add3A_34 = arith.constant 200704 : i32
      %add3A_35 = arith.addi %add3A_34, %add3A_29 : i32
      "tpu.region"() ({
        %run_scoped3A = tpu.sem_alloc : memref<!tpu.dma_semaphore, #tpu.memory_space<semaphore_mem>>
        %dma_start3A = arith.constant 3136 : i32
        %dma_start3A_53 = tpu.memref_slice %arg6[%dma_start3A] : memref<12544xf32, #tpu.memory_space<vmem>> -> memref<1568xf32, #tpu.memory_space<vmem>>
        %dma_start3A_54 = tpu.memref_slice %arg2[%add3A_35] : memref<802816xf32, #tpu.memory_space<hbm>> -> memref<1568xf32, #tpu.memory_space<hbm>>
        %dma_start3A_55 = arith.constant 3136 : i32
        %dma_start3A_56 = tpu.memref_slice %arg6[%dma_start3A_55] : memref<12544xf32, #tpu.memory_space<vmem>> -> memref<1568xf32, #tpu.memory_space<vmem>>
        %dma_start3A_57 = tpu.memref_slice %arg2[%add3A_35] : memref<802816xf32, #tpu.memory_space<hbm>> -> memref<1568xf32, #tpu.memory_space<hbm>>
        tpu.enqueue_dma source(%dma_start3A_57 : memref<1568xf32, #tpu.memory_space<hbm>>) target(%dma_start3A_56 : memref<1568xf32, #tpu.memory_space<vmem>>) target_semaphore(%run_scoped3A : memref<!tpu.dma_semaphore, #tpu.memory_space<semaphore_mem>>)
        %dma_wait3A = arith.constant 3136 : i32
        %dma_wait3A_58 = tpu.memref_slice %arg6[%dma_wait3A] : memref<12544xf32, #tpu.memory_space<vmem>> -> memref<1568xf32, #tpu.memory_space<vmem>>
        %dma_wait3A_59 = tpu.memref_slice %arg2[%add3A_35] : memref<802816xf32, #tpu.memory_space<hbm>> -> memref<1568xf32, #tpu.memory_space<hbm>>
        %dma_wait3A_60 = arith.constant 3136 : i32
        %dma_wait3A_61 = tpu.memref_slice %arg6[%dma_wait3A_60] : memref<12544xf32, #tpu.memory_space<vmem>> -> memref<1568xf32, #tpu.memory_space<vmem>>
        %dma_wait3A_62 = tpu.memref_slice %arg2[%add3A_35] : memref<802816xf32, #tpu.memory_space<hbm>> -> memref<1568xf32, #tpu.memory_space<hbm>>
        tpu.wait_dma2 semaphore(%run_scoped3A : memref<!tpu.dma_semaphore, #tpu.memory_space<semaphore_mem>>) src(%dma_wait3A_62 : memref<1568xf32, #tpu.memory_space<hbm>>) dst(%dma_wait3A_61 : memref<1568xf32, #tpu.memory_space<vmem>>)
        tpu.yield
      }) : () -> ()
      %add3A_36 = arith.constant 301056 : i32
      %add3A_37 = arith.addi %add3A_36, %add3A_29 : i32
      "tpu.region"() ({
        %run_scoped3A = tpu.sem_alloc : memref<!tpu.dma_semaphore, #tpu.memory_space<semaphore_mem>>
        %dma_start3A = arith.constant 4704 : i32
        %dma_start3A_53 = tpu.memref_slice %arg6[%dma_start3A] : memref<12544xf32, #tpu.memory_space<vmem>> -> memref<1568xf32, #tpu.memory_space<vmem>>
        %dma_start3A_54 = tpu.memref_slice %arg2[%add3A_37] : memref<802816xf32, #tpu.memory_space<hbm>> -> memref<1568xf32, #tpu.memory_space<hbm>>
        %dma_start3A_55 = arith.constant 4704 : i32
        %dma_start3A_56 = tpu.memref_slice %arg6[%dma_start3A_55] : memref<12544xf32, #tpu.memory_space<vmem>> -> memref<1568xf32, #tpu.memory_space<vmem>>
        %dma_start3A_57 = tpu.memref_slice %arg2[%add3A_37] : memref<802816xf32, #tpu.memory_space<hbm>> -> memref<1568xf32, #tpu.memory_space<hbm>>
        tpu.enqueue_dma source(%dma_start3A_57 : memref<1568xf32, #tpu.memory_space<hbm>>) target(%dma_start3A_56 : memref<1568xf32, #tpu.memory_space<vmem>>) target_semaphore(%run_scoped3A : memref<!tpu.dma_semaphore, #tpu.memory_space<semaphore_mem>>)
        %dma_wait3A = arith.constant 4704 : i32
        %dma_wait3A_58 = tpu.memref_slice %arg6[%dma_wait3A] : memref<12544xf32, #tpu.memory_space<vmem>> -> memref<1568xf32, #tpu.memory_space<vmem>>
        %dma_wait3A_59 = tpu.memref_slice %arg2[%add3A_37] : memref<802816xf32, #tpu.memory_space<hbm>> -> memref<1568xf32, #tpu.memory_space<hbm>>
        %dma_wait3A_60 = arith.constant 4704 : i32
        %dma_wait3A_61 = tpu.memref_slice %arg6[%dma_wait3A_60] : memref<12544xf32, #tpu.memory_space<vmem>> -> memref<1568xf32, #tpu.memory_space<vmem>>
        %dma_wait3A_62 = tpu.memref_slice %arg2[%add3A_37] : memref<802816xf32, #tpu.memory_space<hbm>> -> memref<1568xf32, #tpu.memory_space<hbm>>
        tpu.wait_dma2 semaphore(%run_scoped3A : memref<!tpu.dma_semaphore, #tpu.memory_space<semaphore_mem>>) src(%dma_wait3A_62 : memref<1568xf32, #tpu.memory_space<hbm>>) dst(%dma_wait3A_61 : memref<1568xf32, #tpu.memory_space<vmem>>)
        tpu.yield
      }) : () -> ()
      %add3A_38 = arith.constant 401408 : i32
      %add3A_39 = arith.addi %add3A_38, %add3A_29 : i32
      "tpu.region"() ({
        %run_scoped3A = tpu.sem_alloc : memref<!tpu.dma_semaphore, #tpu.memory_space<semaphore_mem>>
        %dma_start3A = arith.constant 6272 : i32
        %dma_start3A_53 = tpu.memref_slice %arg6[%dma_start3A] : memref<12544xf32, #tpu.memory_space<vmem>> -> memref<1568xf32, #tpu.memory_space<vmem>>
        %dma_start3A_54 = tpu.memref_slice %arg2[%add3A_39] : memref<802816xf32, #tpu.memory_space<hbm>> -> memref<1568xf32, #tpu.memory_space<hbm>>
        %dma_start3A_55 = arith.constant 6272 : i32
        %dma_start3A_56 = tpu.memref_slice %arg6[%dma_start3A_55] : memref<12544xf32, #tpu.memory_space<vmem>> -> memref<1568xf32, #tpu.memory_space<vmem>>
        %dma_start3A_57 = tpu.memref_slice %arg2[%add3A_39] : memref<802816xf32, #tpu.memory_space<hbm>> -> memref<1568xf32, #tpu.memory_space<hbm>>
        tpu.enqueue_dma source(%dma_start3A_57 : memref<1568xf32, #tpu.memory_space<hbm>>) target(%dma_start3A_56 : memref<1568xf32, #tpu.memory_space<vmem>>) target_semaphore(%run_scoped3A : memref<!tpu.dma_semaphore, #tpu.memory_space<semaphore_mem>>)
        %dma_wait3A = arith.constant 6272 : i32
        %dma_wait3A_58 = tpu.memref_slice %arg6[%dma_wait3A] : memref<12544xf32, #tpu.memory_space<vmem>> -> memref<1568xf32, #tpu.memory_space<vmem>>
        %dma_wait3A_59 = tpu.memref_slice %arg2[%add3A_39] : memref<802816xf32, #tpu.memory_space<hbm>> -> memref<1568xf32, #tpu.memory_space<hbm>>
        %dma_wait3A_60 = arith.constant 6272 : i32
        %dma_wait3A_61 = tpu.memref_slice %arg6[%dma_wait3A_60] : memref<12544xf32, #tpu.memory_space<vmem>> -> memref<1568xf32, #tpu.memory_space<vmem>>
        %dma_wait3A_62 = tpu.memref_slice %arg2[%add3A_39] : memref<802816xf32, #tpu.memory_space<hbm>> -> memref<1568xf32, #tpu.memory_space<hbm>>
        tpu.wait_dma2 semaphore(%run_scoped3A : memref<!tpu.dma_semaphore, #tpu.memory_space<semaphore_mem>>) src(%dma_wait3A_62 : memref<1568xf32, #tpu.memory_space<hbm>>) dst(%dma_wait3A_61 : memref<1568xf32, #tpu.memory_space<vmem>>)
        tpu.yield
      }) : () -> ()
      %add3A_40 = arith.constant 501760 : i32
      %add3A_41 = arith.addi %add3A_40, %add3A_29 : i32
      "tpu.region"() ({
        %run_scoped3A = tpu.sem_alloc : memref<!tpu.dma_semaphore, #tpu.memory_space<semaphore_mem>>
        %dma_start3A = arith.constant 7840 : i32
        %dma_start3A_53 = tpu.memref_slice %arg6[%dma_start3A] : memref<12544xf32, #tpu.memory_space<vmem>> -> memref<1568xf32, #tpu.memory_space<vmem>>
        %dma_start3A_54 = tpu.memref_slice %arg2[%add3A_41] : memref<802816xf32, #tpu.memory_space<hbm>> -> memref<1568xf32, #tpu.memory_space<hbm>>
        %dma_start3A_55 = arith.constant 7840 : i32
        %dma_start3A_56 = tpu.memref_slice %arg6[%dma_start3A_55] : memref<12544xf32, #tpu.memory_space<vmem>> -> memref<1568xf32, #tpu.memory_space<vmem>>
        %dma_start3A_57 = tpu.memref_slice %arg2[%add3A_41] : memref<802816xf32, #tpu.memory_space<hbm>> -> memref<1568xf32, #tpu.memory_space<hbm>>
        tpu.enqueue_dma source(%dma_start3A_57 : memref<1568xf32, #tpu.memory_space<hbm>>) target(%dma_start3A_56 : memref<1568xf32, #tpu.memory_space<vmem>>) target_semaphore(%run_scoped3A : memref<!tpu.dma_semaphore, #tpu.memory_space<semaphore_mem>>)
        %dma_wait3A = arith.constant 7840 : i32
        %dma_wait3A_58 = tpu.memref_slice %arg6[%dma_wait3A] : memref<12544xf32, #tpu.memory_space<vmem>> -> memref<1568xf32, #tpu.memory_space<vmem>>
        %dma_wait3A_59 = tpu.memref_slice %arg2[%add3A_41] : memref<802816xf32, #tpu.memory_space<hbm>> -> memref<1568xf32, #tpu.memory_space<hbm>>
        %dma_wait3A_60 = arith.constant 7840 : i32
        %dma_wait3A_61 = tpu.memref_slice %arg6[%dma_wait3A_60] : memref<12544xf32, #tpu.memory_space<vmem>> -> memref<1568xf32, #tpu.memory_space<vmem>>
        %dma_wait3A_62 = tpu.memref_slice %arg2[%add3A_41] : memref<802816xf32, #tpu.memory_space<hbm>> -> memref<1568xf32, #tpu.memory_space<hbm>>
        tpu.wait_dma2 semaphore(%run_scoped3A : memref<!tpu.dma_semaphore, #tpu.memory_space<semaphore_mem>>) src(%dma_wait3A_62 : memref<1568xf32, #tpu.memory_space<hbm>>) dst(%dma_wait3A_61 : memref<1568xf32, #tpu.memory_space<vmem>>)
        tpu.yield
      }) : () -> ()
      %add3A_42 = arith.constant 602112 : i32
      %add3A_43 = arith.addi %add3A_42, %add3A_29 : i32
      "tpu.region"() ({
        %run_scoped3A = tpu.sem_alloc : memref<!tpu.dma_semaphore, #tpu.memory_space<semaphore_mem>>
        %dma_start3A = arith.constant 9408 : i32
        %dma_start3A_53 = tpu.memref_slice %arg6[%dma_start3A] : memref<12544xf32, #tpu.memory_space<vmem>> -> memref<1568xf32, #tpu.memory_space<vmem>>
        %dma_start3A_54 = tpu.memref_slice %arg2[%add3A_43] : memref<802816xf32, #tpu.memory_space<hbm>> -> memref<1568xf32, #tpu.memory_space<hbm>>
        %dma_start3A_55 = arith.constant 9408 : i32
        %dma_start3A_56 = tpu.memref_slice %arg6[%dma_start3A_55] : memref<12544xf32, #tpu.memory_space<vmem>> -> memref<1568xf32, #tpu.memory_space<vmem>>
        %dma_start3A_57 = tpu.memref_slice %arg2[%add3A_43] : memref<802816xf32, #tpu.memory_space<hbm>> -> memref<1568xf32, #tpu.memory_space<hbm>>
        tpu.enqueue_dma source(%dma_start3A_57 : memref<1568xf32, #tpu.memory_space<hbm>>) target(%dma_start3A_56 : memref<1568xf32, #tpu.memory_space<vmem>>) target_semaphore(%run_scoped3A : memref<!tpu.dma_semaphore, #tpu.memory_space<semaphore_mem>>)
        %dma_wait3A = arith.constant 9408 : i32
        %dma_wait3A_58 = tpu.memref_slice %arg6[%dma_wait3A] : memref<12544xf32, #tpu.memory_space<vmem>> -> memref<1568xf32, #tpu.memory_space<vmem>>
        %dma_wait3A_59 = tpu.memref_slice %arg2[%add3A_43] : memref<802816xf32, #tpu.memory_space<hbm>> -> memref<1568xf32, #tpu.memory_space<hbm>>
        %dma_wait3A_60 = arith.constant 9408 : i32
        %dma_wait3A_61 = tpu.memref_slice %arg6[%dma_wait3A_60] : memref<12544xf32, #tpu.memory_space<vmem>> -> memref<1568xf32, #tpu.memory_space<vmem>>
        %dma_wait3A_62 = tpu.memref_slice %arg2[%add3A_43] : memref<802816xf32, #tpu.memory_space<hbm>> -> memref<1568xf32, #tpu.memory_space<hbm>>
        tpu.wait_dma2 semaphore(%run_scoped3A : memref<!tpu.dma_semaphore, #tpu.memory_space<semaphore_mem>>) src(%dma_wait3A_62 : memref<1568xf32, #tpu.memory_space<hbm>>) dst(%dma_wait3A_61 : memref<1568xf32, #tpu.memory_space<vmem>>)
        tpu.yield
      }) : () -> ()
      %add3A_44 = arith.constant 702464 : i32
      %add3A_45 = arith.addi %add3A_44, %add3A_29 : i32
      "tpu.region"() ({
        %run_scoped3A = tpu.sem_alloc : memref<!tpu.dma_semaphore, #tpu.memory_space<semaphore_mem>>
        %dma_start3A = arith.constant 10976 : i32
        %dma_start3A_53 = tpu.memref_slice %arg6[%dma_start3A] : memref<12544xf32, #tpu.memory_space<vmem>> -> memref<1568xf32, #tpu.memory_space<vmem>>
        %dma_start3A_54 = tpu.memref_slice %arg2[%add3A_45] : memref<802816xf32, #tpu.memory_space<hbm>> -> memref<1568xf32, #tpu.memory_space<hbm>>
        %dma_start3A_55 = arith.constant 10976 : i32
        %dma_start3A_56 = tpu.memref_slice %arg6[%dma_start3A_55] : memref<12544xf32, #tpu.memory_space<vmem>> -> memref<1568xf32, #tpu.memory_space<vmem>>
        %dma_start3A_57 = tpu.memref_slice %arg2[%add3A_45] : memref<802816xf32, #tpu.memory_space<hbm>> -> memref<1568xf32, #tpu.memory_space<hbm>>
        tpu.enqueue_dma source(%dma_start3A_57 : memref<1568xf32, #tpu.memory_space<hbm>>) target(%dma_start3A_56 : memref<1568xf32, #tpu.memory_space<vmem>>) target_semaphore(%run_scoped3A : memref<!tpu.dma_semaphore, #tpu.memory_space<semaphore_mem>>)
        %dma_wait3A = arith.constant 10976 : i32
        %dma_wait3A_58 = tpu.memref_slice %arg6[%dma_wait3A] : memref<12544xf32, #tpu.memory_space<vmem>> -> memref<1568xf32, #tpu.memory_space<vmem>>
        %dma_wait3A_59 = tpu.memref_slice %arg2[%add3A_45] : memref<802816xf32, #tpu.memory_space<hbm>> -> memref<1568xf32, #tpu.memory_space<hbm>>
        %dma_wait3A_60 = arith.constant 10976 : i32
        %dma_wait3A_61 = tpu.memref_slice %arg6[%dma_wait3A_60] : memref<12544xf32, #tpu.memory_space<vmem>> -> memref<1568xf32, #tpu.memory_space<vmem>>
        %dma_wait3A_62 = tpu.memref_slice %arg2[%add3A_45] : memref<802816xf32, #tpu.memory_space<hbm>> -> memref<1568xf32, #tpu.memory_space<hbm>>
        tpu.wait_dma2 semaphore(%run_scoped3A : memref<!tpu.dma_semaphore, #tpu.memory_space<semaphore_mem>>) src(%dma_wait3A_62 : memref<1568xf32, #tpu.memory_space<hbm>>) dst(%dma_wait3A_61 : memref<1568xf32, #tpu.memory_space<vmem>>)
        tpu.yield
      }) : () -> ()
      %scan3A_46 = arith.constant 0 : i32
      %scan3A_47 = arith.constant 98 : i32
      %scan3A_48 = arith.addi %scan3A_46, %scan3A_47 : i32
      %scan3A_49 = arith.constant 1 : i32
      scf.for %scan3A_53 = %scan3A_46 to %scan3A_48 step %scan3A_49  : i32 {
        %mul3A_54 = arith.constant 1 : i32
        %mul3A_55 = arith.muli %scan3A_53, %mul3A_54 : i32
        %add3A_56 = arith.constant 0 : i32
        %add3A_57 = arith.addi %add3A_56, %mul3A_55 : i32
        %mul3A_58 = arith.constant 16 : i32
        %mul3A_59 = arith.muli %add3A_57, %mul3A_58 : i32
        %add3A_60 = vector.broadcast %mul3A_59 : i32 to vector<16xi32>
        %add3A_61 = arith.addi %add3A_60, %iota3A : vector<16xi32>
        %mul3A_62 = arith.constant 4 : i32
        %mul3A_63 = vector.broadcast %mul3A_62 : i32 to vector<16xi32>
        %mul3A_64 = arith.muli %add3A_61, %mul3A_63 : vector<16xi32>
        %add3A_65 = arith.constant 0 : i32
        %add3A_66 = arith.addi %add3A_65, %mul3A_59 : i32
        %get3A_67 = arith.index_cast %add3A_66 : i32 to index
        %get3A_68 = tpu.vector_load %arg6[%get3A_67] {strides = array<i32>} : memref<12544xf32, #tpu.memory_space<vmem>>, vector<16xf32>,
        %add3A_69 = arith.constant 1568 : i32
        %add3A_70 = arith.addi %add3A_69, %mul3A_59 : i32
        %get3A_71 = arith.index_cast %add3A_70 : i32 to index
        %get3A_72 = tpu.vector_load %arg6[%get3A_71] {strides = array<i32>} : memref<12544xf32, #tpu.memory_space<vmem>>, vector<16xf32>,
        %add3A_73 = arith.constant 3136 : i32
        %add3A_74 = arith.addi %add3A_73, %mul3A_59 : i32
        %get3A_75 = arith.index_cast %add3A_74 : i32 to index
        %get3A_76 = tpu.vector_load %arg6[%get3A_75] {strides = array<i32>} : memref<12544xf32, #tpu.memory_space<vmem>>, vector<16xf32>,
        %add3A_77 = arith.constant 4704 : i32
        %add3A_78 = arith.addi %add3A_77, %mul3A_59 : i32
        %get3A_79 = arith.index_cast %add3A_78 : i32 to index
        %get3A_80 = tpu.vector_load %arg6[%get3A_79] {strides = array<i32>} : memref<12544xf32, #tpu.memory_space<vmem>>, vector<16xf32>,
        %mul3A_81 = vector.broadcast %squeeze3A : f32 to vector<16xf32>
        %mul3A_82 = arith.mulf %get3A_68, %mul3A_81 : vector<16xf32>
        %mul3A_83 = vector.broadcast %squeeze3A_3 : f32 to vector<16xf32>
        %mul3A_84 = arith.mulf %get3A_72, %mul3A_83 : vector<16xf32>
        %add3A_85 = arith.addf %mul3A_82, %mul3A_84 : vector<16xf32>
        %mul3A_86 = vector.broadcast %squeeze3A_5 : f32 to vector<16xf32>
        %mul3A_87 = arith.mulf %get3A_76, %mul3A_86 : vector<16xf32>
        %add3A_88 = arith.addf %add3A_85, %mul3A_87 : vector<16xf32>
        %mul3A_89 = vector.broadcast %squeeze3A_7 : f32 to vector<16xf32>
        %mul3A_90 = arith.mulf %get3A_80, %mul3A_89 : vector<16xf32>
        %add3A_91 = arith.addf %add3A_88, %mul3A_90 : vector<16xf32>
        %mul3A_92 = vector.broadcast %squeeze3A_9 : f32 to vector<16xf32>
        %mul3A_93 = arith.mulf %get3A_68, %mul3A_92 : vector<16xf32>
        %mul3A_94 = vector.broadcast %squeeze3A_11 : f32 to vector<16xf32>
        %mul3A_95 = arith.mulf %get3A_72, %mul3A_94 : vector<16xf32>
        %add3A_96 = arith.addf %mul3A_93, %mul3A_95 : vector<16xf32>
        %mul3A_97 = vector.broadcast %squeeze3A_13 : f32 to vector<16xf32>
        %mul3A_98 = arith.mulf %get3A_76, %mul3A_97 : vector<16xf32>
        %add3A_99 = arith.addf %add3A_96, %mul3A_98 : vector<16xf32>
        %mul3A_100 = vector.broadcast %squeeze3A_15 : f32 to vector<16xf32>
        %mul3A_101 = arith.mulf %get3A_80, %mul3A_100 : vector<16xf32>
        %add3A_102 = arith.addf %add3A_99, %mul3A_101 : vector<16xf32>
        %add3A_103 = arith.constant 0 : i32
        %add3A_104 = vector.broadcast %add3A_103 : i32 to vector<16xi32>
        %add3A_105 = arith.addi %mul3A_64, %add3A_104 : vector<16xi32>
        tpu.vector_store_idx %arg7[%add3A_105], %add3A_91 : memref<6272xf32, #tpu.memory_space<vmem>>[vector<16xi32>], vector<16xf32>,
        %add3A_106 = arith.constant 2 : i32
        %add3A_107 = vector.broadcast %add3A_106 : i32 to vector<16xi32>
        %add3A_108 = arith.addi %mul3A_64, %add3A_107 : vector<16xi32>
        tpu.vector_store_idx %arg7[%add3A_108], %add3A_102 : memref<6272xf32, #tpu.memory_space<vmem>>[vector<16xi32>], vector<16xf32>,
        %add3A_109 = arith.constant 6272 : i32
        %add3A_110 = arith.addi %add3A_109, %mul3A_59 : i32
        %get3A_111 = arith.index_cast %add3A_110 : i32 to index
        %get3A_112 = tpu.vector_load %arg6[%get3A_111] {strides = array<i32>} : memref<12544xf32, #tpu.memory_space<vmem>>, vector<16xf32>,
        %add3A_113 = arith.constant 7840 : i32
        %add3A_114 = arith.addi %add3A_113, %mul3A_59 : i32
        %get3A_115 = arith.index_cast %add3A_114 : i32 to index
        %get3A_116 = tpu.vector_load %arg6[%get3A_115] {strides = array<i32>} : memref<12544xf32, #tpu.memory_space<vmem>>, vector<16xf32>,
        %add3A_117 = arith.constant 9408 : i32
        %add3A_118 = arith.addi %add3A_117, %mul3A_59 : i32
        %get3A_119 = arith.index_cast %add3A_118 : i32 to index
        %get3A_120 = tpu.vector_load %arg6[%get3A_119] {strides = array<i32>} : memref<12544xf32, #tpu.memory_space<vmem>>, vector<16xf32>,
        %add3A_121 = arith.constant 10976 : i32
        %add3A_122 = arith.addi %add3A_121, %mul3A_59 : i32
        %get3A_123 = arith.index_cast %add3A_122 : i32 to index
        %get3A_124 = tpu.vector_load %arg6[%get3A_123] {strides = array<i32>} : memref<12544xf32, #tpu.memory_space<vmem>>, vector<16xf32>,
        %mul3A_125 = vector.broadcast %squeeze3A : f32 to vector<16xf32>
        %mul3A_126 = arith.mulf %get3A_112, %mul3A_125 : vector<16xf32>
        %mul3A_127 = vector.broadcast %squeeze3A_3 : f32 to vector<16xf32>
        %mul3A_128 = arith.mulf %get3A_116, %mul3A_127 : vector<16xf32>
        %add3A_129 = arith.addf %mul3A_126, %mul3A_128 : vector<16xf32>
        %mul3A_130 = vector.broadcast %squeeze3A_5 : f32 to vector<16xf32>
        %mul3A_131 = arith.mulf %get3A_120, %mul3A_130 : vector<16xf32>
        %add3A_132 = arith.addf %add3A_129, %mul3A_131 : vector<16xf32>
        %mul3A_133 = vector.broadcast %squeeze3A_7 : f32 to vector<16xf32>
        %mul3A_134 = arith.mulf %get3A_124, %mul3A_133 : vector<16xf32>
        %add3A_135 = arith.addf %add3A_132, %mul3A_134 : vector<16xf32>
        %mul3A_136 = vector.broadcast %squeeze3A_9 : f32 to vector<16xf32>
        %mul3A_137 = arith.mulf %get3A_112, %mul3A_136 : vector<16xf32>
        %mul3A_138 = vector.broadcast %squeeze3A_11 : f32 to vector<16xf32>
        %mul3A_139 = arith.mulf %get3A_116, %mul3A_138 : vector<16xf32>
        %add3A_140 = arith.addf %mul3A_137, %mul3A_139 : vector<16xf32>
        %mul3A_141 = vector.broadcast %squeeze3A_13 : f32 to vector<16xf32>
        %mul3A_142 = arith.mulf %get3A_120, %mul3A_141 : vector<16xf32>
        %add3A_143 = arith.addf %add3A_140, %mul3A_142 : vector<16xf32>
        %mul3A_144 = vector.broadcast %squeeze3A_15 : f32 to vector<16xf32>
        %mul3A_145 = arith.mulf %get3A_124, %mul3A_144 : vector<16xf32>
        %add3A_146 = arith.addf %add3A_143, %mul3A_145 : vector<16xf32>
        %add3A_147 = arith.constant 1 : i32
        %add3A_148 = vector.broadcast %add3A_147 : i32 to vector<16xi32>
        %add3A_149 = arith.addi %mul3A_64, %add3A_148 : vector<16xi32>
        tpu.vector_store_idx %arg7[%add3A_149], %add3A_135 : memref<6272xf32, #tpu.memory_space<vmem>>[vector<16xi32>], vector<16xf32>,
        %add3A_150 = arith.constant 3 : i32
        %add3A_151 = vector.broadcast %add3A_150 : i32 to vector<16xi32>
        %add3A_152 = arith.addi %mul3A_64, %add3A_151 : vector<16xi32>
        tpu.vector_store_idx %arg7[%add3A_152], %add3A_146 : memref<6272xf32, #tpu.memory_space<vmem>>[vector<16xi32>], vector<16xf32>,
      }
      %scan3A_50 = arith.constant 98 : i32
      %mul3A_51 = arith.constant 4 : i32
      %mul3A_52 = arith.muli %mul3A_51, %add3A_29 : i32
      "tpu.region"() ({
        %run_scoped3A = tpu.sem_alloc : memref<!tpu.dma_semaphore, #tpu.memory_space<semaphore_mem>>
        %dma_start3A = tpu.memref_slice %arg4[%mul3A_52] : memref<401408xf32, #tpu.memory_space<hbm>> -> memref<6272xf32, #tpu.memory_space<hbm>>
        %dma_start3A_53 = tpu.memref_slice %arg4[%mul3A_52] : memref<401408xf32, #tpu.memory_space<hbm>> -> memref<6272xf32, #tpu.memory_space<hbm>>
        tpu.enqueue_dma source(%arg7 : memref<6272xf32, #tpu.memory_space<vmem>>) target(%dma_start3A_53 : memref<6272xf32, #tpu.memory_space<hbm>>) target_semaphore(%run_scoped3A : memref<!tpu.dma_semaphore, #tpu.memory_space<semaphore_mem>>)
        %dma_wait3A = tpu.memref_slice %arg4[%mul3A_52] : memref<401408xf32, #tpu.memory_space<hbm>> -> memref<6272xf32, #tpu.memory_space<hbm>>
        %dma_wait3A_54 = tpu.memref_slice %arg4[%mul3A_52] : memref<401408xf32, #tpu.memory_space<hbm>> -> memref<6272xf32, #tpu.memory_space<hbm>>
        tpu.wait_dma2 semaphore(%run_scoped3A : memref<!tpu.dma_semaphore, #tpu.memory_space<semaphore_mem>>) src(%arg7 : memref<6272xf32, #tpu.memory_space<vmem>>) dst(%dma_wait3A_54 : memref<6272xf32, #tpu.memory_space<hbm>>)
        tpu.yield
      }) : () -> ()
    }
    %scan3A_19 = arith.constant 2 : i32
    return
  }
}

#map = affine_map<(d0, d1) -> (0, 0)>
#map1 = affine_map<(d0, d1) -> (0, 0, 0)>
module attributes {stable_mosaic.version = 14 : i64} {
  func.func @sine_gpvar_hop8(%arg0: i32, %arg1: i32, %arg2: memref<100352x8xf32, #tpu.memory_space<hbm>>, %arg3: memref<25088x128xi32, #tpu.memory_space<hbm>>, %arg4: memref<25088x128xi32, #tpu.memory_space<hbm>>, %arg5: memref<6272x8xf32, #tpu.memory_space<hbm>>, %arg6: memref<2x100352x8xf32, #tpu.memory_space<hbm>>, %arg7: memref<100352x8xf32, #tpu.memory_space<vmem_shared>>, %arg8: memref<8x128xi32, #tpu.memory_space<vmem>>, %arg9: memref<8x128xi32, #tpu.memory_space<vmem>>, %arg10: memref<1024x8xf32, #tpu.memory_space<vmem>>, %arg11: memref<!tpu.dma_semaphore, #tpu.memory_space<semaphore_mem>>, %arg12: memref<!tpu.dma_semaphore, #tpu.memory_space<semaphore_mem>>) attributes {dimension_semantics = [#tpu.dimension_semantics<core_parallel>, #tpu.dimension_semantics<subcore_parallel>], iteration_bounds = array<i64: 2, 16>, scalar_prefetch = 0 : i64, scratch_operands = 6 : i64, tpu.core_type = #tpu.core_type<sc_vector_subcore>, window_params = [{transform_indices = #map}, {transform_indices = #map}, {transform_indices = #map}, {transform_indices = #map}, {transform_indices = #map1}]} {
    %mul3A = arith.constant 2 : i32
    %mul3A_0 = arith.muli %arg1, %mul3A : i32
    %add3A = arith.addi %mul3A_0, %arg0 : i32
    %mul3A_1 = arith.constant 6272 : i32
    %mul3A_2 = arith.muli %arg1, %mul3A_1 : i32
    "tpu.region"() ({
      %run_scoped3A = tpu.sem_alloc : memref<!tpu.dma_semaphore, #tpu.memory_space<semaphore_mem>>
      %dma_start3A = arith.constant 0 : i32
      %dma_start3A_10 = tpu.memref_slice %arg7[%mul3A_2, %dma_start3A] : memref<100352x8xf32, #tpu.memory_space<vmem_shared>> -> memref<6272x8xf32, #tpu.memory_space<vmem_shared>>
      tpu.enqueue_dma source(%arg5 : memref<6272x8xf32, #tpu.memory_space<hbm>>) target(%dma_start3A_10 : memref<6272x8xf32, #tpu.memory_space<vmem_shared>>) target_semaphore(%run_scoped3A : memref<!tpu.dma_semaphore, #tpu.memory_space<semaphore_mem>>)
      %dma_wait3A = arith.constant 0 : i32
      %dma_wait3A_11 = tpu.memref_slice %arg7[%mul3A_2, %dma_wait3A] : memref<100352x8xf32, #tpu.memory_space<vmem_shared>> -> memref<6272x8xf32, #tpu.memory_space<vmem_shared>>
      tpu.wait_dma2 semaphore(%run_scoped3A : memref<!tpu.dma_semaphore, #tpu.memory_space<semaphore_mem>>) src(%arg5 : memref<6272x8xf32, #tpu.memory_space<hbm>>) dst(%dma_wait3A_11 : memref<6272x8xf32, #tpu.memory_space<vmem_shared>>)
      tpu.yield
    }) : () -> ()
    %barrier3A = arith.constant 0 : index
    tpu.barrier barrier_id(%barrier3A)
    %mul3A_3 = arith.constant 784 : i32
    %mul3A_4 = arith.muli %add3A, %mul3A_3 : i32
    %scan3A = arith.constant 0 : i32
    %scan3A_5 = arith.constant 98 : i32
    %scan3A_6 = arith.addi %scan3A, %scan3A_5 : i32
    %scan3A_7 = arith.constant 1 : i32
    scf.for %scan3A_10 = %scan3A to %scan3A_6 step %scan3A_7  : i32 {
      %mul3A_11 = arith.constant 1 : i32
      %mul3A_12 = arith.muli %scan3A_10, %mul3A_11 : i32
      %add3A_13 = arith.constant 0 : i32
      %add3A_14 = arith.addi %add3A_13, %mul3A_12 : i32
      %mul3A_15 = arith.constant 8 : i32
      %mul3A_16 = arith.muli %add3A_14, %mul3A_15 : i32
      %add3A_17 = arith.addi %mul3A_4, %mul3A_16 : i32
      "tpu.region"() ({
        %run_scoped3A = tpu.sem_alloc : memref<!tpu.dma_semaphore, #tpu.memory_space<semaphore_mem>>
        %dma_start3A_336 = arith.constant 0 : i32
        %dma_start3A_337 = tpu.memref_slice %arg3[%add3A_17, %dma_start3A_336] : memref<25088x128xi32, #tpu.memory_space<hbm>> -> memref<8x128xi32, #tpu.memory_space<hbm>>
        %dma_start3A_338 = arith.constant 0 : i32
        %dma_start3A_339 = tpu.memref_slice %arg3[%add3A_17, %dma_start3A_338] : memref<25088x128xi32, #tpu.memory_space<hbm>> -> memref<8x128xi32, #tpu.memory_space<hbm>>
        tpu.enqueue_dma source(%dma_start3A_339 : memref<8x128xi32, #tpu.memory_space<hbm>>) target(%arg8 : memref<8x128xi32, #tpu.memory_space<vmem>>) target_semaphore(%run_scoped3A : memref<!tpu.dma_semaphore, #tpu.memory_space<semaphore_mem>>)
        %dma_wait3A_340 = arith.constant 0 : i32
        %dma_wait3A_341 = tpu.memref_slice %arg3[%add3A_17, %dma_wait3A_340] : memref<25088x128xi32, #tpu.memory_space<hbm>> -> memref<8x128xi32, #tpu.memory_space<hbm>>
        %dma_wait3A_342 = arith.constant 0 : i32
        %dma_wait3A_343 = tpu.memref_slice %arg3[%add3A_17, %dma_wait3A_342] : memref<25088x128xi32, #tpu.memory_space<hbm>> -> memref<8x128xi32, #tpu.memory_space<hbm>>
        tpu.wait_dma2 semaphore(%run_scoped3A : memref<!tpu.dma_semaphore, #tpu.memory_space<semaphore_mem>>) src(%dma_wait3A_343 : memref<8x128xi32, #tpu.memory_space<hbm>>) dst(%arg8 : memref<8x128xi32, #tpu.memory_space<vmem>>)
        tpu.yield
      }) : () -> ()
      "tpu.region"() ({
        %run_scoped3A = tpu.sem_alloc : memref<!tpu.dma_semaphore, #tpu.memory_space<semaphore_mem>>
        %dma_start3A_336 = arith.constant 0 : i32
        %dma_start3A_337 = tpu.memref_slice %arg4[%add3A_17, %dma_start3A_336] : memref<25088x128xi32, #tpu.memory_space<hbm>> -> memref<8x128xi32, #tpu.memory_space<hbm>>
        %dma_start3A_338 = arith.constant 0 : i32
        %dma_start3A_339 = tpu.memref_slice %arg4[%add3A_17, %dma_start3A_338] : memref<25088x128xi32, #tpu.memory_space<hbm>> -> memref<8x128xi32, #tpu.memory_space<hbm>>
        tpu.enqueue_dma source(%dma_start3A_339 : memref<8x128xi32, #tpu.memory_space<hbm>>) target(%arg9 : memref<8x128xi32, #tpu.memory_space<vmem>>) target_semaphore(%run_scoped3A : memref<!tpu.dma_semaphore, #tpu.memory_space<semaphore_mem>>)
        %dma_wait3A_340 = arith.constant 0 : i32
        %dma_wait3A_341 = tpu.memref_slice %arg4[%add3A_17, %dma_wait3A_340] : memref<25088x128xi32, #tpu.memory_space<hbm>> -> memref<8x128xi32, #tpu.memory_space<hbm>>
        %dma_wait3A_342 = arith.constant 0 : i32
        %dma_wait3A_343 = tpu.memref_slice %arg4[%add3A_17, %dma_wait3A_342] : memref<25088x128xi32, #tpu.memory_space<hbm>> -> memref<8x128xi32, #tpu.memory_space<hbm>>
        tpu.wait_dma2 semaphore(%run_scoped3A : memref<!tpu.dma_semaphore, #tpu.memory_space<semaphore_mem>>) src(%dma_wait3A_343 : memref<8x128xi32, #tpu.memory_space<hbm>>) dst(%arg9 : memref<8x128xi32, #tpu.memory_space<vmem>>)
        tpu.yield
      }) : () -> ()
      %dma_start3A = arith.constant 0 : i32
      %dma_start3A_18 = arith.constant 0 : i32
      %dma_start3A_19 = arith.constant 0 : i32
      %dma_start3A_20 = tpu.memref_slice %arg10[%dma_start3A_18, %dma_start3A_19] : memref<1024x8xf32, #tpu.memory_space<vmem>> -> memref<128x8xf32, #tpu.memory_space<vmem>>
      %dma_start3A_21 = arith.constant 0 : i32
      %dma_start3A_22 = tpu.memref_slice %arg8[%dma_start3A, %dma_start3A_21] : memref<8x128xi32, #tpu.memory_space<vmem>> -> memref<1x128xi32, #tpu.memory_space<vmem>>
      %dma_start3A_23 = tpu.memref_squeeze %dma_start3A_22 : memref<1x128xi32, #tpu.memory_space<vmem>> -> memref<128xi32, #tpu.memory_space<vmem>>
      %dma_start3A_24 = arith.constant 0 : i32
      %dma_start3A_25 = arith.constant 0 : i32
      %dma_start3A_26 = tpu.memref_slice %arg2[%dma_start3A_24, %dma_start3A_25] : memref<100352x8xf32, #tpu.memory_space<hbm>> -> memref<100352x8xf32, #tpu.memory_space<hbm>>
      tpu.enqueue_indirect_dma source(%dma_start3A_26 : memref<100352x8xf32, #tpu.memory_space<hbm>>) target(%dma_start3A_20 : memref<128x8xf32, #tpu.memory_space<vmem>>) offsets(%dma_start3A_23 : memref<128xi32, #tpu.memory_space<vmem>>) semaphore(%arg11 : memref<!tpu.dma_semaphore, #tpu.memory_space<semaphore_mem>>)
      %dma_start3A_27 = arith.constant 1 : i32
      %dma_start3A_28 = arith.constant 128 : i32
      %dma_start3A_29 = arith.constant 0 : i32
      %dma_start3A_30 = tpu.memref_slice %arg10[%dma_start3A_28, %dma_start3A_29] : memref<1024x8xf32, #tpu.memory_space<vmem>> -> memref<128x8xf32, #tpu.memory_space<vmem>>
      %dma_start3A_31 = arith.constant 0 : i32
      %dma_start3A_32 = tpu.memref_slice %arg8[%dma_start3A_27, %dma_start3A_31] : memref<8x128xi32, #tpu.memory_space<vmem>> -> memref<1x128xi32, #tpu.memory_space<vmem>>
      %dma_start3A_33 = tpu.memref_squeeze %dma_start3A_32 : memref<1x128xi32, #tpu.memory_space<vmem>> -> memref<128xi32, #tpu.memory_space<vmem>>
      %dma_start3A_34 = arith.constant 0 : i32
      %dma_start3A_35 = arith.constant 0 : i32
      %dma_start3A_36 = tpu.memref_slice %arg2[%dma_start3A_34, %dma_start3A_35] : memref<100352x8xf32, #tpu.memory_space<hbm>> -> memref<100352x8xf32, #tpu.memory_space<hbm>>
      tpu.enqueue_indirect_dma source(%dma_start3A_36 : memref<100352x8xf32, #tpu.memory_space<hbm>>) target(%dma_start3A_30 : memref<128x8xf32, #tpu.memory_space<vmem>>) offsets(%dma_start3A_33 : memref<128xi32, #tpu.memory_space<vmem>>) semaphore(%arg11 : memref<!tpu.dma_semaphore, #tpu.memory_space<semaphore_mem>>)
      %dma_start3A_37 = arith.constant 2 : i32
      %dma_start3A_38 = arith.constant 256 : i32
      %dma_start3A_39 = arith.constant 0 : i32
      %dma_start3A_40 = tpu.memref_slice %arg10[%dma_start3A_38, %dma_start3A_39] : memref<1024x8xf32, #tpu.memory_space<vmem>> -> memref<128x8xf32, #tpu.memory_space<vmem>>
      %dma_start3A_41 = arith.constant 0 : i32
      %dma_start3A_42 = tpu.memref_slice %arg8[%dma_start3A_37, %dma_start3A_41] : memref<8x128xi32, #tpu.memory_space<vmem>> -> memref<1x128xi32, #tpu.memory_space<vmem>>
      %dma_start3A_43 = tpu.memref_squeeze %dma_start3A_42 : memref<1x128xi32, #tpu.memory_space<vmem>> -> memref<128xi32, #tpu.memory_space<vmem>>
      %dma_start3A_44 = arith.constant 0 : i32
      %dma_start3A_45 = arith.constant 0 : i32
      %dma_start3A_46 = tpu.memref_slice %arg2[%dma_start3A_44, %dma_start3A_45] : memref<100352x8xf32, #tpu.memory_space<hbm>> -> memref<100352x8xf32, #tpu.memory_space<hbm>>
      tpu.enqueue_indirect_dma source(%dma_start3A_46 : memref<100352x8xf32, #tpu.memory_space<hbm>>) target(%dma_start3A_40 : memref<128x8xf32, #tpu.memory_space<vmem>>) offsets(%dma_start3A_43 : memref<128xi32, #tpu.memory_space<vmem>>) semaphore(%arg11 : memref<!tpu.dma_semaphore, #tpu.memory_space<semaphore_mem>>)
      %dma_start3A_47 = arith.constant 3 : i32
      %dma_start3A_48 = arith.constant 384 : i32
      %dma_start3A_49 = arith.constant 0 : i32
      %dma_start3A_50 = tpu.memref_slice %arg10[%dma_start3A_48, %dma_start3A_49] : memref<1024x8xf32, #tpu.memory_space<vmem>> -> memref<128x8xf32, #tpu.memory_space<vmem>>
      %dma_start3A_51 = arith.constant 0 : i32
      %dma_start3A_52 = tpu.memref_slice %arg8[%dma_start3A_47, %dma_start3A_51] : memref<8x128xi32, #tpu.memory_space<vmem>> -> memref<1x128xi32, #tpu.memory_space<vmem>>
      %dma_start3A_53 = tpu.memref_squeeze %dma_start3A_52 : memref<1x128xi32, #tpu.memory_space<vmem>> -> memref<128xi32, #tpu.memory_space<vmem>>
      %dma_start3A_54 = arith.constant 0 : i32
      %dma_start3A_55 = arith.constant 0 : i32
      %dma_start3A_56 = tpu.memref_slice %arg2[%dma_start3A_54, %dma_start3A_55] : memref<100352x8xf32, #tpu.memory_space<hbm>> -> memref<100352x8xf32, #tpu.memory_space<hbm>>
      tpu.enqueue_indirect_dma source(%dma_start3A_56 : memref<100352x8xf32, #tpu.memory_space<hbm>>) target(%dma_start3A_50 : memref<128x8xf32, #tpu.memory_space<vmem>>) offsets(%dma_start3A_53 : memref<128xi32, #tpu.memory_space<vmem>>) semaphore(%arg11 : memref<!tpu.dma_semaphore, #tpu.memory_space<semaphore_mem>>)
      %dma_start3A_57 = arith.constant 4 : i32
      %dma_start3A_58 = arith.constant 512 : i32
      %dma_start3A_59 = arith.constant 0 : i32
      %dma_start3A_60 = tpu.memref_slice %arg10[%dma_start3A_58, %dma_start3A_59] : memref<1024x8xf32, #tpu.memory_space<vmem>> -> memref<128x8xf32, #tpu.memory_space<vmem>>
      %dma_start3A_61 = arith.constant 0 : i32
      %dma_start3A_62 = tpu.memref_slice %arg8[%dma_start3A_57, %dma_start3A_61] : memref<8x128xi32, #tpu.memory_space<vmem>> -> memref<1x128xi32, #tpu.memory_space<vmem>>
      %dma_start3A_63 = tpu.memref_squeeze %dma_start3A_62 : memref<1x128xi32, #tpu.memory_space<vmem>> -> memref<128xi32, #tpu.memory_space<vmem>>
      %dma_start3A_64 = arith.constant 0 : i32
      %dma_start3A_65 = arith.constant 0 : i32
      %dma_start3A_66 = tpu.memref_slice %arg2[%dma_start3A_64, %dma_start3A_65] : memref<100352x8xf32, #tpu.memory_space<hbm>> -> memref<100352x8xf32, #tpu.memory_space<hbm>>
      tpu.enqueue_indirect_dma source(%dma_start3A_66 : memref<100352x8xf32, #tpu.memory_space<hbm>>) target(%dma_start3A_60 : memref<128x8xf32, #tpu.memory_space<vmem>>) offsets(%dma_start3A_63 : memref<128xi32, #tpu.memory_space<vmem>>) semaphore(%arg11 : memref<!tpu.dma_semaphore, #tpu.memory_space<semaphore_mem>>)
      %dma_start3A_67 = arith.constant 5 : i32
      %dma_start3A_68 = arith.constant 640 : i32
      %dma_start3A_69 = arith.constant 0 : i32
      %dma_start3A_70 = tpu.memref_slice %arg10[%dma_start3A_68, %dma_start3A_69] : memref<1024x8xf32, #tpu.memory_space<vmem>> -> memref<128x8xf32, #tpu.memory_space<vmem>>
      %dma_start3A_71 = arith.constant 0 : i32
      %dma_start3A_72 = tpu.memref_slice %arg8[%dma_start3A_67, %dma_start3A_71] : memref<8x128xi32, #tpu.memory_space<vmem>> -> memref<1x128xi32, #tpu.memory_space<vmem>>
      %dma_start3A_73 = tpu.memref_squeeze %dma_start3A_72 : memref<1x128xi32, #tpu.memory_space<vmem>> -> memref<128xi32, #tpu.memory_space<vmem>>
      %dma_start3A_74 = arith.constant 0 : i32
      %dma_start3A_75 = arith.constant 0 : i32
      %dma_start3A_76 = tpu.memref_slice %arg2[%dma_start3A_74, %dma_start3A_75] : memref<100352x8xf32, #tpu.memory_space<hbm>> -> memref<100352x8xf32, #tpu.memory_space<hbm>>
      tpu.enqueue_indirect_dma source(%dma_start3A_76 : memref<100352x8xf32, #tpu.memory_space<hbm>>) target(%dma_start3A_70 : memref<128x8xf32, #tpu.memory_space<vmem>>) offsets(%dma_start3A_73 : memref<128xi32, #tpu.memory_space<vmem>>) semaphore(%arg11 : memref<!tpu.dma_semaphore, #tpu.memory_space<semaphore_mem>>)
      %dma_start3A_77 = arith.constant 6 : i32
      %dma_start3A_78 = arith.constant 768 : i32
      %dma_start3A_79 = arith.constant 0 : i32
      %dma_start3A_80 = tpu.memref_slice %arg10[%dma_start3A_78, %dma_start3A_79] : memref<1024x8xf32, #tpu.memory_space<vmem>> -> memref<128x8xf32, #tpu.memory_space<vmem>>
      %dma_start3A_81 = arith.constant 0 : i32
      %dma_start3A_82 = tpu.memref_slice %arg8[%dma_start3A_77, %dma_start3A_81] : memref<8x128xi32, #tpu.memory_space<vmem>> -> memref<1x128xi32, #tpu.memory_space<vmem>>
      %dma_start3A_83 = tpu.memref_squeeze %dma_start3A_82 : memref<1x128xi32, #tpu.memory_space<vmem>> -> memref<128xi32, #tpu.memory_space<vmem>>
      %dma_start3A_84 = arith.constant 0 : i32
      %dma_start3A_85 = arith.constant 0 : i32
      %dma_start3A_86 = tpu.memref_slice %arg2[%dma_start3A_84, %dma_start3A_85] : memref<100352x8xf32, #tpu.memory_space<hbm>> -> memref<100352x8xf32, #tpu.memory_space<hbm>>
      tpu.enqueue_indirect_dma source(%dma_start3A_86 : memref<100352x8xf32, #tpu.memory_space<hbm>>) target(%dma_start3A_80 : memref<128x8xf32, #tpu.memory_space<vmem>>) offsets(%dma_start3A_83 : memref<128xi32, #tpu.memory_space<vmem>>) semaphore(%arg11 : memref<!tpu.dma_semaphore, #tpu.memory_space<semaphore_mem>>)
      %dma_start3A_87 = arith.constant 7 : i32
      %dma_start3A_88 = arith.constant 896 : i32
      %dma_start3A_89 = arith.constant 0 : i32
      %dma_start3A_90 = tpu.memref_slice %arg10[%dma_start3A_88, %dma_start3A_89] : memref<1024x8xf32, #tpu.memory_space<vmem>> -> memref<128x8xf32, #tpu.memory_space<vmem>>
      %dma_start3A_91 = arith.constant 0 : i32
      %dma_start3A_92 = tpu.memref_slice %arg8[%dma_start3A_87, %dma_start3A_91] : memref<8x128xi32, #tpu.memory_space<vmem>> -> memref<1x128xi32, #tpu.memory_space<vmem>>
      %dma_start3A_93 = tpu.memref_squeeze %dma_start3A_92 : memref<1x128xi32, #tpu.memory_space<vmem>> -> memref<128xi32, #tpu.memory_space<vmem>>
      %dma_start3A_94 = arith.constant 0 : i32
      %dma_start3A_95 = arith.constant 0 : i32
      %dma_start3A_96 = tpu.memref_slice %arg2[%dma_start3A_94, %dma_start3A_95] : memref<100352x8xf32, #tpu.memory_space<hbm>> -> memref<100352x8xf32, #tpu.memory_space<hbm>>
      tpu.enqueue_indirect_dma source(%dma_start3A_96 : memref<100352x8xf32, #tpu.memory_space<hbm>>) target(%dma_start3A_90 : memref<128x8xf32, #tpu.memory_space<vmem>>) offsets(%dma_start3A_93 : memref<128xi32, #tpu.memory_space<vmem>>) semaphore(%arg11 : memref<!tpu.dma_semaphore, #tpu.memory_space<semaphore_mem>>)
      %dma_wait3A = arith.constant 0 : i32
      %dma_wait3A_97 = arith.constant 0 : i32
      %dma_wait3A_98 = arith.constant 0 : i32
      %dma_wait3A_99 = tpu.memref_slice %arg10[%dma_wait3A_97, %dma_wait3A_98] : memref<1024x8xf32, #tpu.memory_space<vmem>> -> memref<128x8xf32, #tpu.memory_space<vmem>>
      %dma_wait3A_100 = arith.constant 0 : i32
      %dma_wait3A_101 = tpu.memref_slice %arg8[%dma_wait3A, %dma_wait3A_100] : memref<8x128xi32, #tpu.memory_space<vmem>> -> memref<1x128xi32, #tpu.memory_space<vmem>>
      %dma_wait3A_102 = tpu.memref_squeeze %dma_wait3A_101 : memref<1x128xi32, #tpu.memory_space<vmem>> -> memref<128xi32, #tpu.memory_space<vmem>>
      %dma_wait3A_103 = arith.constant 0 : i32
      %dma_wait3A_104 = arith.constant 0 : i32
      %dma_wait3A_105 = tpu.memref_slice %arg2[%dma_wait3A_103, %dma_wait3A_104] : memref<100352x8xf32, #tpu.memory_space<hbm>> -> memref<100352x8xf32, #tpu.memory_space<hbm>>
      tpu.wait_indirect_dma semaphore(%arg11 : memref<!tpu.dma_semaphore, #tpu.memory_space<semaphore_mem>>) src(%dma_wait3A_105 : memref<100352x8xf32, #tpu.memory_space<hbm>>) dst(%dma_wait3A_99 : memref<128x8xf32, #tpu.memory_space<vmem>>)
      %dma_wait3A_106 = arith.constant 1 : i32
      %dma_wait3A_107 = arith.constant 128 : i32
      %dma_wait3A_108 = arith.constant 0 : i32
      %dma_wait3A_109 = tpu.memref_slice %arg10[%dma_wait3A_107, %dma_wait3A_108] : memref<1024x8xf32, #tpu.memory_space<vmem>> -> memref<128x8xf32, #tpu.memory_space<vmem>>
      %dma_wait3A_110 = arith.constant 0 : i32
      %dma_wait3A_111 = tpu.memref_slice %arg8[%dma_wait3A_106, %dma_wait3A_110] : memref<8x128xi32, #tpu.memory_space<vmem>> -> memref<1x128xi32, #tpu.memory_space<vmem>>
      %dma_wait3A_112 = tpu.memref_squeeze %dma_wait3A_111 : memref<1x128xi32, #tpu.memory_space<vmem>> -> memref<128xi32, #tpu.memory_space<vmem>>
      %dma_wait3A_113 = arith.constant 0 : i32
      %dma_wait3A_114 = arith.constant 0 : i32
      %dma_wait3A_115 = tpu.memref_slice %arg2[%dma_wait3A_113, %dma_wait3A_114] : memref<100352x8xf32, #tpu.memory_space<hbm>> -> memref<100352x8xf32, #tpu.memory_space<hbm>>
      tpu.wait_indirect_dma semaphore(%arg11 : memref<!tpu.dma_semaphore, #tpu.memory_space<semaphore_mem>>) src(%dma_wait3A_115 : memref<100352x8xf32, #tpu.memory_space<hbm>>) dst(%dma_wait3A_109 : memref<128x8xf32, #tpu.memory_space<vmem>>)
      %dma_wait3A_116 = arith.constant 2 : i32
      %dma_wait3A_117 = arith.constant 256 : i32
      %dma_wait3A_118 = arith.constant 0 : i32
      %dma_wait3A_119 = tpu.memref_slice %arg10[%dma_wait3A_117, %dma_wait3A_118] : memref<1024x8xf32, #tpu.memory_space<vmem>> -> memref<128x8xf32, #tpu.memory_space<vmem>>
      %dma_wait3A_120 = arith.constant 0 : i32
      %dma_wait3A_121 = tpu.memref_slice %arg8[%dma_wait3A_116, %dma_wait3A_120] : memref<8x128xi32, #tpu.memory_space<vmem>> -> memref<1x128xi32, #tpu.memory_space<vmem>>
      %dma_wait3A_122 = tpu.memref_squeeze %dma_wait3A_121 : memref<1x128xi32, #tpu.memory_space<vmem>> -> memref<128xi32, #tpu.memory_space<vmem>>
      %dma_wait3A_123 = arith.constant 0 : i32
      %dma_wait3A_124 = arith.constant 0 : i32
      %dma_wait3A_125 = tpu.memref_slice %arg2[%dma_wait3A_123, %dma_wait3A_124] : memref<100352x8xf32, #tpu.memory_space<hbm>> -> memref<100352x8xf32, #tpu.memory_space<hbm>>
      tpu.wait_indirect_dma semaphore(%arg11 : memref<!tpu.dma_semaphore, #tpu.memory_space<semaphore_mem>>) src(%dma_wait3A_125 : memref<100352x8xf32, #tpu.memory_space<hbm>>) dst(%dma_wait3A_119 : memref<128x8xf32, #tpu.memory_space<vmem>>)
      %dma_wait3A_126 = arith.constant 3 : i32
      %dma_wait3A_127 = arith.constant 384 : i32
      %dma_wait3A_128 = arith.constant 0 : i32
      %dma_wait3A_129 = tpu.memref_slice %arg10[%dma_wait3A_127, %dma_wait3A_128] : memref<1024x8xf32, #tpu.memory_space<vmem>> -> memref<128x8xf32, #tpu.memory_space<vmem>>
      %dma_wait3A_130 = arith.constant 0 : i32
      %dma_wait3A_131 = tpu.memref_slice %arg8[%dma_wait3A_126, %dma_wait3A_130] : memref<8x128xi32, #tpu.memory_space<vmem>> -> memref<1x128xi32, #tpu.memory_space<vmem>>
      %dma_wait3A_132 = tpu.memref_squeeze %dma_wait3A_131 : memref<1x128xi32, #tpu.memory_space<vmem>> -> memref<128xi32, #tpu.memory_space<vmem>>
      %dma_wait3A_133 = arith.constant 0 : i32
      %dma_wait3A_134 = arith.constant 0 : i32
      %dma_wait3A_135 = tpu.memref_slice %arg2[%dma_wait3A_133, %dma_wait3A_134] : memref<100352x8xf32, #tpu.memory_space<hbm>> -> memref<100352x8xf32, #tpu.memory_space<hbm>>
      tpu.wait_indirect_dma semaphore(%arg11 : memref<!tpu.dma_semaphore, #tpu.memory_space<semaphore_mem>>) src(%dma_wait3A_135 : memref<100352x8xf32, #tpu.memory_space<hbm>>) dst(%dma_wait3A_129 : memref<128x8xf32, #tpu.memory_space<vmem>>)
      %dma_wait3A_136 = arith.constant 4 : i32
      %dma_wait3A_137 = arith.constant 512 : i32
      %dma_wait3A_138 = arith.constant 0 : i32
      %dma_wait3A_139 = tpu.memref_slice %arg10[%dma_wait3A_137, %dma_wait3A_138] : memref<1024x8xf32, #tpu.memory_space<vmem>> -> memref<128x8xf32, #tpu.memory_space<vmem>>
      %dma_wait3A_140 = arith.constant 0 : i32
      %dma_wait3A_141 = tpu.memref_slice %arg8[%dma_wait3A_136, %dma_wait3A_140] : memref<8x128xi32, #tpu.memory_space<vmem>> -> memref<1x128xi32, #tpu.memory_space<vmem>>
      %dma_wait3A_142 = tpu.memref_squeeze %dma_wait3A_141 : memref<1x128xi32, #tpu.memory_space<vmem>> -> memref<128xi32, #tpu.memory_space<vmem>>
      %dma_wait3A_143 = arith.constant 0 : i32
      %dma_wait3A_144 = arith.constant 0 : i32
      %dma_wait3A_145 = tpu.memref_slice %arg2[%dma_wait3A_143, %dma_wait3A_144] : memref<100352x8xf32, #tpu.memory_space<hbm>> -> memref<100352x8xf32, #tpu.memory_space<hbm>>
      tpu.wait_indirect_dma semaphore(%arg11 : memref<!tpu.dma_semaphore, #tpu.memory_space<semaphore_mem>>) src(%dma_wait3A_145 : memref<100352x8xf32, #tpu.memory_space<hbm>>) dst(%dma_wait3A_139 : memref<128x8xf32, #tpu.memory_space<vmem>>)
      %dma_wait3A_146 = arith.constant 5 : i32
      %dma_wait3A_147 = arith.constant 640 : i32
      %dma_wait3A_148 = arith.constant 0 : i32
      %dma_wait3A_149 = tpu.memref_slice %arg10[%dma_wait3A_147, %dma_wait3A_148] : memref<1024x8xf32, #tpu.memory_space<vmem>> -> memref<128x8xf32, #tpu.memory_space<vmem>>
      %dma_wait3A_150 = arith.constant 0 : i32
      %dma_wait3A_151 = tpu.memref_slice %arg8[%dma_wait3A_146, %dma_wait3A_150] : memref<8x128xi32, #tpu.memory_space<vmem>> -> memref<1x128xi32, #tpu.memory_space<vmem>>
      %dma_wait3A_152 = tpu.memref_squeeze %dma_wait3A_151 : memref<1x128xi32, #tpu.memory_space<vmem>> -> memref<128xi32, #tpu.memory_space<vmem>>
      %dma_wait3A_153 = arith.constant 0 : i32
      %dma_wait3A_154 = arith.constant 0 : i32
      %dma_wait3A_155 = tpu.memref_slice %arg2[%dma_wait3A_153, %dma_wait3A_154] : memref<100352x8xf32, #tpu.memory_space<hbm>> -> memref<100352x8xf32, #tpu.memory_space<hbm>>
      tpu.wait_indirect_dma semaphore(%arg11 : memref<!tpu.dma_semaphore, #tpu.memory_space<semaphore_mem>>) src(%dma_wait3A_155 : memref<100352x8xf32, #tpu.memory_space<hbm>>) dst(%dma_wait3A_149 : memref<128x8xf32, #tpu.memory_space<vmem>>)
      %dma_wait3A_156 = arith.constant 6 : i32
      %dma_wait3A_157 = arith.constant 768 : i32
      %dma_wait3A_158 = arith.constant 0 : i32
      %dma_wait3A_159 = tpu.memref_slice %arg10[%dma_wait3A_157, %dma_wait3A_158] : memref<1024x8xf32, #tpu.memory_space<vmem>> -> memref<128x8xf32, #tpu.memory_space<vmem>>
      %dma_wait3A_160 = arith.constant 0 : i32
      %dma_wait3A_161 = tpu.memref_slice %arg8[%dma_wait3A_156, %dma_wait3A_160] : memref<8x128xi32, #tpu.memory_space<vmem>> -> memref<1x128xi32, #tpu.memory_space<vmem>>
      %dma_wait3A_162 = tpu.memref_squeeze %dma_wait3A_161 : memref<1x128xi32, #tpu.memory_space<vmem>> -> memref<128xi32, #tpu.memory_space<vmem>>
      %dma_wait3A_163 = arith.constant 0 : i32
      %dma_wait3A_164 = arith.constant 0 : i32
      %dma_wait3A_165 = tpu.memref_slice %arg2[%dma_wait3A_163, %dma_wait3A_164] : memref<100352x8xf32, #tpu.memory_space<hbm>> -> memref<100352x8xf32, #tpu.memory_space<hbm>>
      tpu.wait_indirect_dma semaphore(%arg11 : memref<!tpu.dma_semaphore, #tpu.memory_space<semaphore_mem>>) src(%dma_wait3A_165 : memref<100352x8xf32, #tpu.memory_space<hbm>>) dst(%dma_wait3A_159 : memref<128x8xf32, #tpu.memory_space<vmem>>)
      %dma_wait3A_166 = arith.constant 7 : i32
      %dma_wait3A_167 = arith.constant 896 : i32
      %dma_wait3A_168 = arith.constant 0 : i32
      %dma_wait3A_169 = tpu.memref_slice %arg10[%dma_wait3A_167, %dma_wait3A_168] : memref<1024x8xf32, #tpu.memory_space<vmem>> -> memref<128x8xf32, #tpu.memory_space<vmem>>
      %dma_wait3A_170 = arith.constant 0 : i32
      %dma_wait3A_171 = tpu.memref_slice %arg8[%dma_wait3A_166, %dma_wait3A_170] : memref<8x128xi32, #tpu.memory_space<vmem>> -> memref<1x128xi32, #tpu.memory_space<vmem>>
      %dma_wait3A_172 = tpu.memref_squeeze %dma_wait3A_171 : memref<1x128xi32, #tpu.memory_space<vmem>> -> memref<128xi32, #tpu.memory_space<vmem>>
      %dma_wait3A_173 = arith.constant 0 : i32
      %dma_wait3A_174 = arith.constant 0 : i32
      %dma_wait3A_175 = tpu.memref_slice %arg2[%dma_wait3A_173, %dma_wait3A_174] : memref<100352x8xf32, #tpu.memory_space<hbm>> -> memref<100352x8xf32, #tpu.memory_space<hbm>>
      tpu.wait_indirect_dma semaphore(%arg11 : memref<!tpu.dma_semaphore, #tpu.memory_space<semaphore_mem>>) src(%dma_wait3A_175 : memref<100352x8xf32, #tpu.memory_space<hbm>>) dst(%dma_wait3A_169 : memref<128x8xf32, #tpu.memory_space<vmem>>)
      %dma_start3A_176 = arith.constant 0 : i32
      %dma_start3A_177 = arith.constant 0 : i32
      %dma_start3A_178 = arith.constant 0 : i32
      %dma_start3A_179 = tpu.memref_slice %arg10[%dma_start3A_177, %dma_start3A_178] : memref<1024x8xf32, #tpu.memory_space<vmem>> -> memref<128x8xf32, #tpu.memory_space<vmem>>
      %dma_start3A_180 = arith.constant 0 : i32
      %dma_start3A_181 = tpu.memref_slice %arg9[%dma_start3A_176, %dma_start3A_180] : memref<8x128xi32, #tpu.memory_space<vmem>> -> memref<1x128xi32, #tpu.memory_space<vmem>>
      %dma_start3A_182 = tpu.memref_squeeze %dma_start3A_181 : memref<1x128xi32, #tpu.memory_space<vmem>> -> memref<128xi32, #tpu.memory_space<vmem>>
      %dma_start3A_183 = arith.constant 0 : i32
      %dma_start3A_184 = arith.constant 0 : i32
      %dma_start3A_185 = tpu.memref_slice %arg7[%dma_start3A_183, %dma_start3A_184] : memref<100352x8xf32, #tpu.memory_space<vmem_shared>> -> memref<100352x8xf32, #tpu.memory_space<vmem_shared>>
      tpu.enqueue_indirect_dma source(%dma_start3A_179 : memref<128x8xf32, #tpu.memory_space<vmem>>) target(%dma_start3A_185 : memref<100352x8xf32, #tpu.memory_space<vmem_shared>>) offsets(%dma_start3A_182 : memref<128xi32, #tpu.memory_space<vmem>>) semaphore(%arg12 : memref<!tpu.dma_semaphore, #tpu.memory_space<semaphore_mem>>) {add = true}
      %dma_start3A_186 = arith.constant 1 : i32
      %dma_start3A_187 = arith.constant 128 : i32
      %dma_start3A_188 = arith.constant 0 : i32
      %dma_start3A_189 = tpu.memref_slice %arg10[%dma_start3A_187, %dma_start3A_188] : memref<1024x8xf32, #tpu.memory_space<vmem>> -> memref<128x8xf32, #tpu.memory_space<vmem>>
      %dma_start3A_190 = arith.constant 0 : i32
      %dma_start3A_191 = tpu.memref_slice %arg9[%dma_start3A_186, %dma_start3A_190] : memref<8x128xi32, #tpu.memory_space<vmem>> -> memref<1x128xi32, #tpu.memory_space<vmem>>
      %dma_start3A_192 = tpu.memref_squeeze %dma_start3A_191 : memref<1x128xi32, #tpu.memory_space<vmem>> -> memref<128xi32, #tpu.memory_space<vmem>>
      %dma_start3A_193 = arith.constant 0 : i32
      %dma_start3A_194 = arith.constant 0 : i32
      %dma_start3A_195 = tpu.memref_slice %arg7[%dma_start3A_193, %dma_start3A_194] : memref<100352x8xf32, #tpu.memory_space<vmem_shared>> -> memref<100352x8xf32, #tpu.memory_space<vmem_shared>>
      tpu.enqueue_indirect_dma source(%dma_start3A_189 : memref<128x8xf32, #tpu.memory_space<vmem>>) target(%dma_start3A_195 : memref<100352x8xf32, #tpu.memory_space<vmem_shared>>) offsets(%dma_start3A_192 : memref<128xi32, #tpu.memory_space<vmem>>) semaphore(%arg12 : memref<!tpu.dma_semaphore, #tpu.memory_space<semaphore_mem>>) {add = true}
      %dma_start3A_196 = arith.constant 2 : i32
      %dma_start3A_197 = arith.constant 256 : i32
      %dma_start3A_198 = arith.constant 0 : i32
      %dma_start3A_199 = tpu.memref_slice %arg10[%dma_start3A_197, %dma_start3A_198] : memref<1024x8xf32, #tpu.memory_space<vmem>> -> memref<128x8xf32, #tpu.memory_space<vmem>>
      %dma_start3A_200 = arith.constant 0 : i32
      %dma_start3A_201 = tpu.memref_slice %arg9[%dma_start3A_196, %dma_start3A_200] : memref<8x128xi32, #tpu.memory_space<vmem>> -> memref<1x128xi32, #tpu.memory_space<vmem>>
      %dma_start3A_202 = tpu.memref_squeeze %dma_start3A_201 : memref<1x128xi32, #tpu.memory_space<vmem>> -> memref<128xi32, #tpu.memory_space<vmem>>
      %dma_start3A_203 = arith.constant 0 : i32
      %dma_start3A_204 = arith.constant 0 : i32
      %dma_start3A_205 = tpu.memref_slice %arg7[%dma_start3A_203, %dma_start3A_204] : memref<100352x8xf32, #tpu.memory_space<vmem_shared>> -> memref<100352x8xf32, #tpu.memory_space<vmem_shared>>
      tpu.enqueue_indirect_dma source(%dma_start3A_199 : memref<128x8xf32, #tpu.memory_space<vmem>>) target(%dma_start3A_205 : memref<100352x8xf32, #tpu.memory_space<vmem_shared>>) offsets(%dma_start3A_202 : memref<128xi32, #tpu.memory_space<vmem>>) semaphore(%arg12 : memref<!tpu.dma_semaphore, #tpu.memory_space<semaphore_mem>>) {add = true}
      %dma_start3A_206 = arith.constant 3 : i32
      %dma_start3A_207 = arith.constant 384 : i32
      %dma_start3A_208 = arith.constant 0 : i32
      %dma_start3A_209 = tpu.memref_slice %arg10[%dma_start3A_207, %dma_start3A_208] : memref<1024x8xf32, #tpu.memory_space<vmem>> -> memref<128x8xf32, #tpu.memory_space<vmem>>
      %dma_start3A_210 = arith.constant 0 : i32
      %dma_start3A_211 = tpu.memref_slice %arg9[%dma_start3A_206, %dma_start3A_210] : memref<8x128xi32, #tpu.memory_space<vmem>> -> memref<1x128xi32, #tpu.memory_space<vmem>>
      %dma_start3A_212 = tpu.memref_squeeze %dma_start3A_211 : memref<1x128xi32, #tpu.memory_space<vmem>> -> memref<128xi32, #tpu.memory_space<vmem>>
      %dma_start3A_213 = arith.constant 0 : i32
      %dma_start3A_214 = arith.constant 0 : i32
      %dma_start3A_215 = tpu.memref_slice %arg7[%dma_start3A_213, %dma_start3A_214] : memref<100352x8xf32, #tpu.memory_space<vmem_shared>> -> memref<100352x8xf32, #tpu.memory_space<vmem_shared>>
      tpu.enqueue_indirect_dma source(%dma_start3A_209 : memref<128x8xf32, #tpu.memory_space<vmem>>) target(%dma_start3A_215 : memref<100352x8xf32, #tpu.memory_space<vmem_shared>>) offsets(%dma_start3A_212 : memref<128xi32, #tpu.memory_space<vmem>>) semaphore(%arg12 : memref<!tpu.dma_semaphore, #tpu.memory_space<semaphore_mem>>) {add = true}
      %dma_start3A_216 = arith.constant 4 : i32
      %dma_start3A_217 = arith.constant 512 : i32
      %dma_start3A_218 = arith.constant 0 : i32
      %dma_start3A_219 = tpu.memref_slice %arg10[%dma_start3A_217, %dma_start3A_218] : memref<1024x8xf32, #tpu.memory_space<vmem>> -> memref<128x8xf32, #tpu.memory_space<vmem>>
      %dma_start3A_220 = arith.constant 0 : i32
      %dma_start3A_221 = tpu.memref_slice %arg9[%dma_start3A_216, %dma_start3A_220] : memref<8x128xi32, #tpu.memory_space<vmem>> -> memref<1x128xi32, #tpu.memory_space<vmem>>
      %dma_start3A_222 = tpu.memref_squeeze %dma_start3A_221 : memref<1x128xi32, #tpu.memory_space<vmem>> -> memref<128xi32, #tpu.memory_space<vmem>>
      %dma_start3A_223 = arith.constant 0 : i32
      %dma_start3A_224 = arith.constant 0 : i32
      %dma_start3A_225 = tpu.memref_slice %arg7[%dma_start3A_223, %dma_start3A_224] : memref<100352x8xf32, #tpu.memory_space<vmem_shared>> -> memref<100352x8xf32, #tpu.memory_space<vmem_shared>>
      tpu.enqueue_indirect_dma source(%dma_start3A_219 : memref<128x8xf32, #tpu.memory_space<vmem>>) target(%dma_start3A_225 : memref<100352x8xf32, #tpu.memory_space<vmem_shared>>) offsets(%dma_start3A_222 : memref<128xi32, #tpu.memory_space<vmem>>) semaphore(%arg12 : memref<!tpu.dma_semaphore, #tpu.memory_space<semaphore_mem>>) {add = true}
      %dma_start3A_226 = arith.constant 5 : i32
      %dma_start3A_227 = arith.constant 640 : i32
      %dma_start3A_228 = arith.constant 0 : i32
      %dma_start3A_229 = tpu.memref_slice %arg10[%dma_start3A_227, %dma_start3A_228] : memref<1024x8xf32, #tpu.memory_space<vmem>> -> memref<128x8xf32, #tpu.memory_space<vmem>>
      %dma_start3A_230 = arith.constant 0 : i32
      %dma_start3A_231 = tpu.memref_slice %arg9[%dma_start3A_226, %dma_start3A_230] : memref<8x128xi32, #tpu.memory_space<vmem>> -> memref<1x128xi32, #tpu.memory_space<vmem>>
      %dma_start3A_232 = tpu.memref_squeeze %dma_start3A_231 : memref<1x128xi32, #tpu.memory_space<vmem>> -> memref<128xi32, #tpu.memory_space<vmem>>
      %dma_start3A_233 = arith.constant 0 : i32
      %dma_start3A_234 = arith.constant 0 : i32
      %dma_start3A_235 = tpu.memref_slice %arg7[%dma_start3A_233, %dma_start3A_234] : memref<100352x8xf32, #tpu.memory_space<vmem_shared>> -> memref<100352x8xf32, #tpu.memory_space<vmem_shared>>
      tpu.enqueue_indirect_dma source(%dma_start3A_229 : memref<128x8xf32, #tpu.memory_space<vmem>>) target(%dma_start3A_235 : memref<100352x8xf32, #tpu.memory_space<vmem_shared>>) offsets(%dma_start3A_232 : memref<128xi32, #tpu.memory_space<vmem>>) semaphore(%arg12 : memref<!tpu.dma_semaphore, #tpu.memory_space<semaphore_mem>>) {add = true}
      %dma_start3A_236 = arith.constant 6 : i32
      %dma_start3A_237 = arith.constant 768 : i32
      %dma_start3A_238 = arith.constant 0 : i32
      %dma_start3A_239 = tpu.memref_slice %arg10[%dma_start3A_237, %dma_start3A_238] : memref<1024x8xf32, #tpu.memory_space<vmem>> -> memref<128x8xf32, #tpu.memory_space<vmem>>
      %dma_start3A_240 = arith.constant 0 : i32
      %dma_start3A_241 = tpu.memref_slice %arg9[%dma_start3A_236, %dma_start3A_240] : memref<8x128xi32, #tpu.memory_space<vmem>> -> memref<1x128xi32, #tpu.memory_space<vmem>>
      %dma_start3A_242 = tpu.memref_squeeze %dma_start3A_241 : memref<1x128xi32, #tpu.memory_space<vmem>> -> memref<128xi32, #tpu.memory_space<vmem>>
      %dma_start3A_243 = arith.constant 0 : i32
      %dma_start3A_244 = arith.constant 0 : i32
      %dma_start3A_245 = tpu.memref_slice %arg7[%dma_start3A_243, %dma_start3A_244] : memref<100352x8xf32, #tpu.memory_space<vmem_shared>> -> memref<100352x8xf32, #tpu.memory_space<vmem_shared>>
      tpu.enqueue_indirect_dma source(%dma_start3A_239 : memref<128x8xf32, #tpu.memory_space<vmem>>) target(%dma_start3A_245 : memref<100352x8xf32, #tpu.memory_space<vmem_shared>>) offsets(%dma_start3A_242 : memref<128xi32, #tpu.memory_space<vmem>>) semaphore(%arg12 : memref<!tpu.dma_semaphore, #tpu.memory_space<semaphore_mem>>) {add = true}
      %dma_start3A_246 = arith.constant 7 : i32
      %dma_start3A_247 = arith.constant 896 : i32
      %dma_start3A_248 = arith.constant 0 : i32
      %dma_start3A_249 = tpu.memref_slice %arg10[%dma_start3A_247, %dma_start3A_248] : memref<1024x8xf32, #tpu.memory_space<vmem>> -> memref<128x8xf32, #tpu.memory_space<vmem>>
      %dma_start3A_250 = arith.constant 0 : i32
      %dma_start3A_251 = tpu.memref_slice %arg9[%dma_start3A_246, %dma_start3A_250] : memref<8x128xi32, #tpu.memory_space<vmem>> -> memref<1x128xi32, #tpu.memory_space<vmem>>
      %dma_start3A_252 = tpu.memref_squeeze %dma_start3A_251 : memref<1x128xi32, #tpu.memory_space<vmem>> -> memref<128xi32, #tpu.memory_space<vmem>>
      %dma_start3A_253 = arith.constant 0 : i32
      %dma_start3A_254 = arith.constant 0 : i32
      %dma_start3A_255 = tpu.memref_slice %arg7[%dma_start3A_253, %dma_start3A_254] : memref<100352x8xf32, #tpu.memory_space<vmem_shared>> -> memref<100352x8xf32, #tpu.memory_space<vmem_shared>>
      tpu.enqueue_indirect_dma source(%dma_start3A_249 : memref<128x8xf32, #tpu.memory_space<vmem>>) target(%dma_start3A_255 : memref<100352x8xf32, #tpu.memory_space<vmem_shared>>) offsets(%dma_start3A_252 : memref<128xi32, #tpu.memory_space<vmem>>) semaphore(%arg12 : memref<!tpu.dma_semaphore, #tpu.memory_space<semaphore_mem>>) {add = true}
      %dma_wait3A_256 = arith.constant 0 : i32
      %dma_wait3A_257 = arith.constant 0 : i32
      %dma_wait3A_258 = arith.constant 0 : i32
      %dma_wait3A_259 = tpu.memref_slice %arg10[%dma_wait3A_257, %dma_wait3A_258] : memref<1024x8xf32, #tpu.memory_space<vmem>> -> memref<128x8xf32, #tpu.memory_space<vmem>>
      %dma_wait3A_260 = arith.constant 0 : i32
      %dma_wait3A_261 = tpu.memref_slice %arg9[%dma_wait3A_256, %dma_wait3A_260] : memref<8x128xi32, #tpu.memory_space<vmem>> -> memref<1x128xi32, #tpu.memory_space<vmem>>
      %dma_wait3A_262 = tpu.memref_squeeze %dma_wait3A_261 : memref<1x128xi32, #tpu.memory_space<vmem>> -> memref<128xi32, #tpu.memory_space<vmem>>
      %dma_wait3A_263 = arith.constant 0 : i32
      %dma_wait3A_264 = arith.constant 0 : i32
      %dma_wait3A_265 = tpu.memref_slice %arg7[%dma_wait3A_263, %dma_wait3A_264] : memref<100352x8xf32, #tpu.memory_space<vmem_shared>> -> memref<100352x8xf32, #tpu.memory_space<vmem_shared>>
      tpu.wait_indirect_dma semaphore(%arg12 : memref<!tpu.dma_semaphore, #tpu.memory_space<semaphore_mem>>) src(%dma_wait3A_259 : memref<128x8xf32, #tpu.memory_space<vmem>>) dst(%dma_wait3A_265 : memref<100352x8xf32, #tpu.memory_space<vmem_shared>>)
      %dma_wait3A_266 = arith.constant 1 : i32
      %dma_wait3A_267 = arith.constant 128 : i32
      %dma_wait3A_268 = arith.constant 0 : i32
      %dma_wait3A_269 = tpu.memref_slice %arg10[%dma_wait3A_267, %dma_wait3A_268] : memref<1024x8xf32, #tpu.memory_space<vmem>> -> memref<128x8xf32, #tpu.memory_space<vmem>>
      %dma_wait3A_270 = arith.constant 0 : i32
      %dma_wait3A_271 = tpu.memref_slice %arg9[%dma_wait3A_266, %dma_wait3A_270] : memref<8x128xi32, #tpu.memory_space<vmem>> -> memref<1x128xi32, #tpu.memory_space<vmem>>
      %dma_wait3A_272 = tpu.memref_squeeze %dma_wait3A_271 : memref<1x128xi32, #tpu.memory_space<vmem>> -> memref<128xi32, #tpu.memory_space<vmem>>
      %dma_wait3A_273 = arith.constant 0 : i32
      %dma_wait3A_274 = arith.constant 0 : i32
      %dma_wait3A_275 = tpu.memref_slice %arg7[%dma_wait3A_273, %dma_wait3A_274] : memref<100352x8xf32, #tpu.memory_space<vmem_shared>> -> memref<100352x8xf32, #tpu.memory_space<vmem_shared>>
      tpu.wait_indirect_dma semaphore(%arg12 : memref<!tpu.dma_semaphore, #tpu.memory_space<semaphore_mem>>) src(%dma_wait3A_269 : memref<128x8xf32, #tpu.memory_space<vmem>>) dst(%dma_wait3A_275 : memref<100352x8xf32, #tpu.memory_space<vmem_shared>>)
      %dma_wait3A_276 = arith.constant 2 : i32
      %dma_wait3A_277 = arith.constant 256 : i32
      %dma_wait3A_278 = arith.constant 0 : i32
      %dma_wait3A_279 = tpu.memref_slice %arg10[%dma_wait3A_277, %dma_wait3A_278] : memref<1024x8xf32, #tpu.memory_space<vmem>> -> memref<128x8xf32, #tpu.memory_space<vmem>>
      %dma_wait3A_280 = arith.constant 0 : i32
      %dma_wait3A_281 = tpu.memref_slice %arg9[%dma_wait3A_276, %dma_wait3A_280] : memref<8x128xi32, #tpu.memory_space<vmem>> -> memref<1x128xi32, #tpu.memory_space<vmem>>
      %dma_wait3A_282 = tpu.memref_squeeze %dma_wait3A_281 : memref<1x128xi32, #tpu.memory_space<vmem>> -> memref<128xi32, #tpu.memory_space<vmem>>
      %dma_wait3A_283 = arith.constant 0 : i32
      %dma_wait3A_284 = arith.constant 0 : i32
      %dma_wait3A_285 = tpu.memref_slice %arg7[%dma_wait3A_283, %dma_wait3A_284] : memref<100352x8xf32, #tpu.memory_space<vmem_shared>> -> memref<100352x8xf32, #tpu.memory_space<vmem_shared>>
      tpu.wait_indirect_dma semaphore(%arg12 : memref<!tpu.dma_semaphore, #tpu.memory_space<semaphore_mem>>) src(%dma_wait3A_279 : memref<128x8xf32, #tpu.memory_space<vmem>>) dst(%dma_wait3A_285 : memref<100352x8xf32, #tpu.memory_space<vmem_shared>>)
      %dma_wait3A_286 = arith.constant 3 : i32
      %dma_wait3A_287 = arith.constant 384 : i32
      %dma_wait3A_288 = arith.constant 0 : i32
      %dma_wait3A_289 = tpu.memref_slice %arg10[%dma_wait3A_287, %dma_wait3A_288] : memref<1024x8xf32, #tpu.memory_space<vmem>> -> memref<128x8xf32, #tpu.memory_space<vmem>>
      %dma_wait3A_290 = arith.constant 0 : i32
      %dma_wait3A_291 = tpu.memref_slice %arg9[%dma_wait3A_286, %dma_wait3A_290] : memref<8x128xi32, #tpu.memory_space<vmem>> -> memref<1x128xi32, #tpu.memory_space<vmem>>
      %dma_wait3A_292 = tpu.memref_squeeze %dma_wait3A_291 : memref<1x128xi32, #tpu.memory_space<vmem>> -> memref<128xi32, #tpu.memory_space<vmem>>
      %dma_wait3A_293 = arith.constant 0 : i32
      %dma_wait3A_294 = arith.constant 0 : i32
      %dma_wait3A_295 = tpu.memref_slice %arg7[%dma_wait3A_293, %dma_wait3A_294] : memref<100352x8xf32, #tpu.memory_space<vmem_shared>> -> memref<100352x8xf32, #tpu.memory_space<vmem_shared>>
      tpu.wait_indirect_dma semaphore(%arg12 : memref<!tpu.dma_semaphore, #tpu.memory_space<semaphore_mem>>) src(%dma_wait3A_289 : memref<128x8xf32, #tpu.memory_space<vmem>>) dst(%dma_wait3A_295 : memref<100352x8xf32, #tpu.memory_space<vmem_shared>>)
      %dma_wait3A_296 = arith.constant 4 : i32
      %dma_wait3A_297 = arith.constant 512 : i32
      %dma_wait3A_298 = arith.constant 0 : i32
      %dma_wait3A_299 = tpu.memref_slice %arg10[%dma_wait3A_297, %dma_wait3A_298] : memref<1024x8xf32, #tpu.memory_space<vmem>> -> memref<128x8xf32, #tpu.memory_space<vmem>>
      %dma_wait3A_300 = arith.constant 0 : i32
      %dma_wait3A_301 = tpu.memref_slice %arg9[%dma_wait3A_296, %dma_wait3A_300] : memref<8x128xi32, #tpu.memory_space<vmem>> -> memref<1x128xi32, #tpu.memory_space<vmem>>
      %dma_wait3A_302 = tpu.memref_squeeze %dma_wait3A_301 : memref<1x128xi32, #tpu.memory_space<vmem>> -> memref<128xi32, #tpu.memory_space<vmem>>
      %dma_wait3A_303 = arith.constant 0 : i32
      %dma_wait3A_304 = arith.constant 0 : i32
      %dma_wait3A_305 = tpu.memref_slice %arg7[%dma_wait3A_303, %dma_wait3A_304] : memref<100352x8xf32, #tpu.memory_space<vmem_shared>> -> memref<100352x8xf32, #tpu.memory_space<vmem_shared>>
      tpu.wait_indirect_dma semaphore(%arg12 : memref<!tpu.dma_semaphore, #tpu.memory_space<semaphore_mem>>) src(%dma_wait3A_299 : memref<128x8xf32, #tpu.memory_space<vmem>>) dst(%dma_wait3A_305 : memref<100352x8xf32, #tpu.memory_space<vmem_shared>>)
      %dma_wait3A_306 = arith.constant 5 : i32
      %dma_wait3A_307 = arith.constant 640 : i32
      %dma_wait3A_308 = arith.constant 0 : i32
      %dma_wait3A_309 = tpu.memref_slice %arg10[%dma_wait3A_307, %dma_wait3A_308] : memref<1024x8xf32, #tpu.memory_space<vmem>> -> memref<128x8xf32, #tpu.memory_space<vmem>>
      %dma_wait3A_310 = arith.constant 0 : i32
      %dma_wait3A_311 = tpu.memref_slice %arg9[%dma_wait3A_306, %dma_wait3A_310] : memref<8x128xi32, #tpu.memory_space<vmem>> -> memref<1x128xi32, #tpu.memory_space<vmem>>
      %dma_wait3A_312 = tpu.memref_squeeze %dma_wait3A_311 : memref<1x128xi32, #tpu.memory_space<vmem>> -> memref<128xi32, #tpu.memory_space<vmem>>
      %dma_wait3A_313 = arith.constant 0 : i32
      %dma_wait3A_314 = arith.constant 0 : i32
      %dma_wait3A_315 = tpu.memref_slice %arg7[%dma_wait3A_313, %dma_wait3A_314] : memref<100352x8xf32, #tpu.memory_space<vmem_shared>> -> memref<100352x8xf32, #tpu.memory_space<vmem_shared>>
      tpu.wait_indirect_dma semaphore(%arg12 : memref<!tpu.dma_semaphore, #tpu.memory_space<semaphore_mem>>) src(%dma_wait3A_309 : memref<128x8xf32, #tpu.memory_space<vmem>>) dst(%dma_wait3A_315 : memref<100352x8xf32, #tpu.memory_space<vmem_shared>>)
      %dma_wait3A_316 = arith.constant 6 : i32
      %dma_wait3A_317 = arith.constant 768 : i32
      %dma_wait3A_318 = arith.constant 0 : i32
      %dma_wait3A_319 = tpu.memref_slice %arg10[%dma_wait3A_317, %dma_wait3A_318] : memref<1024x8xf32, #tpu.memory_space<vmem>> -> memref<128x8xf32, #tpu.memory_space<vmem>>
      %dma_wait3A_320 = arith.constant 0 : i32
      %dma_wait3A_321 = tpu.memref_slice %arg9[%dma_wait3A_316, %dma_wait3A_320] : memref<8x128xi32, #tpu.memory_space<vmem>> -> memref<1x128xi32, #tpu.memory_space<vmem>>
      %dma_wait3A_322 = tpu.memref_squeeze %dma_wait3A_321 : memref<1x128xi32, #tpu.memory_space<vmem>> -> memref<128xi32, #tpu.memory_space<vmem>>
      %dma_wait3A_323 = arith.constant 0 : i32
      %dma_wait3A_324 = arith.constant 0 : i32
      %dma_wait3A_325 = tpu.memref_slice %arg7[%dma_wait3A_323, %dma_wait3A_324] : memref<100352x8xf32, #tpu.memory_space<vmem_shared>> -> memref<100352x8xf32, #tpu.memory_space<vmem_shared>>
      tpu.wait_indirect_dma semaphore(%arg12 : memref<!tpu.dma_semaphore, #tpu.memory_space<semaphore_mem>>) src(%dma_wait3A_319 : memref<128x8xf32, #tpu.memory_space<vmem>>) dst(%dma_wait3A_325 : memref<100352x8xf32, #tpu.memory_space<vmem_shared>>)
      %dma_wait3A_326 = arith.constant 7 : i32
      %dma_wait3A_327 = arith.constant 896 : i32
      %dma_wait3A_328 = arith.constant 0 : i32
      %dma_wait3A_329 = tpu.memref_slice %arg10[%dma_wait3A_327, %dma_wait3A_328] : memref<1024x8xf32, #tpu.memory_space<vmem>> -> memref<128x8xf32, #tpu.memory_space<vmem>>
      %dma_wait3A_330 = arith.constant 0 : i32
      %dma_wait3A_331 = tpu.memref_slice %arg9[%dma_wait3A_326, %dma_wait3A_330] : memref<8x128xi32, #tpu.memory_space<vmem>> -> memref<1x128xi32, #tpu.memory_space<vmem>>
      %dma_wait3A_332 = tpu.memref_squeeze %dma_wait3A_331 : memref<1x128xi32, #tpu.memory_space<vmem>> -> memref<128xi32, #tpu.memory_space<vmem>>
      %dma_wait3A_333 = arith.constant 0 : i32
      %dma_wait3A_334 = arith.constant 0 : i32
      %dma_wait3A_335 = tpu.memref_slice %arg7[%dma_wait3A_333, %dma_wait3A_334] : memref<100352x8xf32, #tpu.memory_space<vmem_shared>> -> memref<100352x8xf32, #tpu.memory_space<vmem_shared>>
      tpu.wait_indirect_dma semaphore(%arg12 : memref<!tpu.dma_semaphore, #tpu.memory_space<semaphore_mem>>) src(%dma_wait3A_329 : memref<128x8xf32, #tpu.memory_space<vmem>>) dst(%dma_wait3A_335 : memref<100352x8xf32, #tpu.memory_space<vmem_shared>>)
    }
    %scan3A_8 = arith.constant 98 : i32
    %barrier3A_9 = arith.constant 0 : index
    tpu.barrier barrier_id(%barrier3A_9)
    "tpu.region"() ({
      %run_scoped3A = tpu.sem_alloc : memref<!tpu.dma_semaphore, #tpu.memory_space<semaphore_mem>>
      %dma_start3A = arith.constant 0 : i32
      %dma_start3A_10 = arith.constant 0 : i32
      %dma_start3A_11 = tpu.memref_slice %arg6[%arg0, %dma_start3A, %dma_start3A_10] : memref<2x100352x8xf32, #tpu.memory_space<hbm>> -> memref<1x100352x8xf32, #tpu.memory_space<hbm>>
      %dma_start3A_12 = tpu.memref_squeeze %dma_start3A_11 : memref<1x100352x8xf32, #tpu.memory_space<hbm>> -> memref<100352x8xf32, #tpu.memory_space<hbm>>
      %dma_start3A_13 = arith.constant 0 : i32
      %dma_start3A_14 = tpu.memref_slice %dma_start3A_12[%mul3A_2, %dma_start3A_13] : memref<100352x8xf32, #tpu.memory_space<hbm>> -> memref<6272x8xf32, #tpu.memory_space<hbm>>
      %dma_start3A_15 = arith.constant 0 : i32
      %dma_start3A_16 = tpu.memref_slice %arg7[%mul3A_2, %dma_start3A_15] : memref<100352x8xf32, #tpu.memory_space<vmem_shared>> -> memref<6272x8xf32, #tpu.memory_space<vmem_shared>>
      tpu.enqueue_dma source(%dma_start3A_16 : memref<6272x8xf32, #tpu.memory_space<vmem_shared>>) target(%dma_start3A_14 : memref<6272x8xf32, #tpu.memory_space<hbm>>) target_semaphore(%run_scoped3A : memref<!tpu.dma_semaphore, #tpu.memory_space<semaphore_mem>>)
      %dma_wait3A = arith.constant 0 : i32
      %dma_wait3A_17 = arith.constant 0 : i32
      %dma_wait3A_18 = tpu.memref_slice %arg6[%arg0, %dma_wait3A, %dma_wait3A_17] : memref<2x100352x8xf32, #tpu.memory_space<hbm>> -> memref<1x100352x8xf32, #tpu.memory_space<hbm>>
      %dma_wait3A_19 = tpu.memref_squeeze %dma_wait3A_18 : memref<1x100352x8xf32, #tpu.memory_space<hbm>> -> memref<100352x8xf32, #tpu.memory_space<hbm>>
      %dma_wait3A_20 = arith.constant 0 : i32
      %dma_wait3A_21 = tpu.memref_slice %dma_wait3A_19[%mul3A_2, %dma_wait3A_20] : memref<100352x8xf32, #tpu.memory_space<hbm>> -> memref<6272x8xf32, #tpu.memory_space<hbm>>
      %dma_wait3A_22 = arith.constant 0 : i32
      %dma_wait3A_23 = tpu.memref_slice %arg7[%mul3A_2, %dma_wait3A_22] : memref<100352x8xf32, #tpu.memory_space<vmem_shared>> -> memref<6272x8xf32, #tpu.memory_space<vmem_shared>>
      tpu.wait_dma2 semaphore(%run_scoped3A : memref<!tpu.dma_semaphore, #tpu.memory_space<semaphore_mem>>) src(%dma_wait3A_23 : memref<6272x8xf32, #tpu.memory_space<vmem_shared>>) dst(%dma_wait3A_21 : memref<6272x8xf32, #tpu.memory_space<hbm>>)
      tpu.yield
    }) : () -> ()
    return
  }
}

#map = affine_map<(d0, d1) -> (0, 0)>
#map1 = affine_map<(d0, d1) -> (0, 0, 0)>
module attributes {stable_mosaic.version = 14 : i64} {
  func.func @sine_gpvar_hop8(%arg0: i32, %arg1: i32, %arg2: memref<100352x8xf32, #tpu.memory_space<hbm>>, %arg3: memref<25088x128xi32, #tpu.memory_space<hbm>>, %arg4: memref<25088x128xi32, #tpu.memory_space<hbm>>, %arg5: memref<6272x8xf32, #tpu.memory_space<hbm>>, %arg6: memref<2x100352x8xf32, #tpu.memory_space<hbm>>, %arg7: memref<100352x8xf32, #tpu.memory_space<vmem_shared>>, %arg8: memref<8x128xi32, #tpu.memory_space<vmem>>, %arg9: memref<8x128xi32, #tpu.memory_space<vmem>>, %arg10: memref<1024x8xf32, #tpu.memory_space<vmem>>, %arg11: memref<!tpu.dma_semaphore, #tpu.memory_space<semaphore_mem>>, %arg12: memref<!tpu.dma_semaphore, #tpu.memory_space<semaphore_mem>>) attributes {dimension_semantics = [#tpu.dimension_semantics<core_parallel>, #tpu.dimension_semantics<subcore_parallel>], iteration_bounds = array<i64: 2, 16>, scalar_prefetch = 0 : i64, scratch_operands = 6 : i64, tpu.core_type = #tpu.core_type<sc_vector_subcore>, window_params = [{transform_indices = #map}, {transform_indices = #map}, {transform_indices = #map}, {transform_indices = #map}, {transform_indices = #map1}]} {
    %mul3A = arith.constant 2 : i32
    %mul3A_0 = arith.muli %arg1, %mul3A : i32
    %add3A = arith.addi %mul3A_0, %arg0 : i32
    %mul3A_1 = arith.constant 6272 : i32
    %mul3A_2 = arith.muli %arg1, %mul3A_1 : i32
    "tpu.region"() ({
      %run_scoped3A = tpu.sem_alloc : memref<!tpu.dma_semaphore, #tpu.memory_space<semaphore_mem>>
      %dma_start3A = arith.constant 0 : i32
      %dma_start3A_10 = tpu.memref_slice %arg7[%mul3A_2, %dma_start3A] : memref<100352x8xf32, #tpu.memory_space<vmem_shared>> -> memref<6272x8xf32, #tpu.memory_space<vmem_shared>>
      tpu.enqueue_dma source(%arg5 : memref<6272x8xf32, #tpu.memory_space<hbm>>) target(%dma_start3A_10 : memref<6272x8xf32, #tpu.memory_space<vmem_shared>>) target_semaphore(%run_scoped3A : memref<!tpu.dma_semaphore, #tpu.memory_space<semaphore_mem>>)
      %dma_wait3A = arith.constant 0 : i32
      %dma_wait3A_11 = tpu.memref_slice %arg7[%mul3A_2, %dma_wait3A] : memref<100352x8xf32, #tpu.memory_space<vmem_shared>> -> memref<6272x8xf32, #tpu.memory_space<vmem_shared>>
      tpu.wait_dma2 semaphore(%run_scoped3A : memref<!tpu.dma_semaphore, #tpu.memory_space<semaphore_mem>>) src(%arg5 : memref<6272x8xf32, #tpu.memory_space<hbm>>) dst(%dma_wait3A_11 : memref<6272x8xf32, #tpu.memory_space<vmem_shared>>)
      tpu.yield
    }) : () -> ()
    %barrier3A = arith.constant 0 : index
    tpu.barrier barrier_id(%barrier3A)
    %mul3A_3 = arith.constant 784 : i32
    %mul3A_4 = arith.muli %add3A, %mul3A_3 : i32
    %scan3A = arith.constant 0 : i32
    %scan3A_5 = arith.constant 98 : i32
    %scan3A_6 = arith.addi %scan3A, %scan3A_5 : i32
    %scan3A_7 = arith.constant 1 : i32
    scf.for %scan3A_10 = %scan3A to %scan3A_6 step %scan3A_7  : i32 {
      %mul3A_11 = arith.constant 1 : i32
      %mul3A_12 = arith.muli %scan3A_10, %mul3A_11 : i32
      %add3A_13 = arith.constant 0 : i32
      %add3A_14 = arith.addi %add3A_13, %mul3A_12 : i32
      %mul3A_15 = arith.constant 8 : i32
      %mul3A_16 = arith.muli %add3A_14, %mul3A_15 : i32
      %add3A_17 = arith.addi %mul3A_4, %mul3A_16 : i32
      "tpu.region"() ({
        %run_scoped3A = tpu.sem_alloc : memref<!tpu.dma_semaphore, #tpu.memory_space<semaphore_mem>>
        %dma_start3A_336 = arith.constant 0 : i32
        %dma_start3A_337 = tpu.memref_slice %arg3[%add3A_17, %dma_start3A_336] : memref<25088x128xi32, #tpu.memory_space<hbm>> -> memref<8x128xi32, #tpu.memory_space<hbm>>
        %dma_start3A_338 = arith.constant 0 : i32
        %dma_start3A_339 = tpu.memref_slice %arg3[%add3A_17, %dma_start3A_338] : memref<25088x128xi32, #tpu.memory_space<hbm>> -> memref<8x128xi32, #tpu.memory_space<hbm>>
        tpu.enqueue_dma source(%dma_start3A_339 : memref<8x128xi32, #tpu.memory_space<hbm>>) target(%arg8 : memref<8x128xi32, #tpu.memory_space<vmem>>) target_semaphore(%run_scoped3A : memref<!tpu.dma_semaphore, #tpu.memory_space<semaphore_mem>>)
        %dma_wait3A_340 = arith.constant 0 : i32
        %dma_wait3A_341 = tpu.memref_slice %arg3[%add3A_17, %dma_wait3A_340] : memref<25088x128xi32, #tpu.memory_space<hbm>> -> memref<8x128xi32, #tpu.memory_space<hbm>>
        %dma_wait3A_342 = arith.constant 0 : i32
        %dma_wait3A_343 = tpu.memref_slice %arg3[%add3A_17, %dma_wait3A_342] : memref<25088x128xi32, #tpu.memory_space<hbm>> -> memref<8x128xi32, #tpu.memory_space<hbm>>
        tpu.wait_dma2 semaphore(%run_scoped3A : memref<!tpu.dma_semaphore, #tpu.memory_space<semaphore_mem>>) src(%dma_wait3A_343 : memref<8x128xi32, #tpu.memory_space<hbm>>) dst(%arg8 : memref<8x128xi32, #tpu.memory_space<vmem>>)
        tpu.yield
      }) : () -> ()
      "tpu.region"() ({
        %run_scoped3A = tpu.sem_alloc : memref<!tpu.dma_semaphore, #tpu.memory_space<semaphore_mem>>
        %dma_start3A_336 = arith.constant 0 : i32
        %dma_start3A_337 = tpu.memref_slice %arg4[%add3A_17, %dma_start3A_336] : memref<25088x128xi32, #tpu.memory_space<hbm>> -> memref<8x128xi32, #tpu.memory_space<hbm>>
        %dma_start3A_338 = arith.constant 0 : i32
        %dma_start3A_339 = tpu.memref_slice %arg4[%add3A_17, %dma_start3A_338] : memref<25088x128xi32, #tpu.memory_space<hbm>> -> memref<8x128xi32, #tpu.memory_space<hbm>>
        tpu.enqueue_dma source(%dma_start3A_339 : memref<8x128xi32, #tpu.memory_space<hbm>>) target(%arg9 : memref<8x128xi32, #tpu.memory_space<vmem>>) target_semaphore(%run_scoped3A : memref<!tpu.dma_semaphore, #tpu.memory_space<semaphore_mem>>)
        %dma_wait3A_340 = arith.constant 0 : i32
        %dma_wait3A_341 = tpu.memref_slice %arg4[%add3A_17, %dma_wait3A_340] : memref<25088x128xi32, #tpu.memory_space<hbm>> -> memref<8x128xi32, #tpu.memory_space<hbm>>
        %dma_wait3A_342 = arith.constant 0 : i32
        %dma_wait3A_343 = tpu.memref_slice %arg4[%add3A_17, %dma_wait3A_342] : memref<25088x128xi32, #tpu.memory_space<hbm>> -> memref<8x128xi32, #tpu.memory_space<hbm>>
        tpu.wait_dma2 semaphore(%run_scoped3A : memref<!tpu.dma_semaphore, #tpu.memory_space<semaphore_mem>>) src(%dma_wait3A_343 : memref<8x128xi32, #tpu.memory_space<hbm>>) dst(%arg9 : memref<8x128xi32, #tpu.memory_space<vmem>>)
        tpu.yield
      }) : () -> ()
      %dma_start3A = arith.constant 0 : i32
      %dma_start3A_18 = arith.constant 0 : i32
      %dma_start3A_19 = arith.constant 0 : i32
      %dma_start3A_20 = tpu.memref_slice %arg10[%dma_start3A_18, %dma_start3A_19] : memref<1024x8xf32, #tpu.memory_space<vmem>> -> memref<128x8xf32, #tpu.memory_space<vmem>>
      %dma_start3A_21 = arith.constant 0 : i32
      %dma_start3A_22 = tpu.memref_slice %arg8[%dma_start3A, %dma_start3A_21] : memref<8x128xi32, #tpu.memory_space<vmem>> -> memref<1x128xi32, #tpu.memory_space<vmem>>
      %dma_start3A_23 = tpu.memref_squeeze %dma_start3A_22 : memref<1x128xi32, #tpu.memory_space<vmem>> -> memref<128xi32, #tpu.memory_space<vmem>>
      %dma_start3A_24 = arith.constant 0 : i32
      %dma_start3A_25 = arith.constant 0 : i32
      %dma_start3A_26 = tpu.memref_slice %arg2[%dma_start3A_24, %dma_start3A_25] : memref<100352x8xf32, #tpu.memory_space<hbm>> -> memref<100352x8xf32, #tpu.memory_space<hbm>>
      tpu.enqueue_indirect_dma source(%dma_start3A_26 : memref<100352x8xf32, #tpu.memory_space<hbm>>) target(%dma_start3A_20 : memref<128x8xf32, #tpu.memory_space<vmem>>) offsets(%dma_start3A_23 : memref<128xi32, #tpu.memory_space<vmem>>) semaphore(%arg11 : memref<!tpu.dma_semaphore, #tpu.memory_space<semaphore_mem>>)
      %dma_start3A_27 = arith.constant 1 : i32
      %dma_start3A_28 = arith.constant 128 : i32
      %dma_start3A_29 = arith.constant 0 : i32
      %dma_start3A_30 = tpu.memref_slice %arg10[%dma_start3A_28, %dma_start3A_29] : memref<1024x8xf32, #tpu.memory_space<vmem>> -> memref<128x8xf32, #tpu.memory_space<vmem>>
      %dma_start3A_31 = arith.constant 0 : i32
      %dma_start3A_32 = tpu.memref_slice %arg8[%dma_start3A_27, %dma_start3A_31] : memref<8x128xi32, #tpu.memory_space<vmem>> -> memref<1x128xi32, #tpu.memory_space<vmem>>
      %dma_start3A_33 = tpu.memref_squeeze %dma_start3A_32 : memref<1x128xi32, #tpu.memory_space<vmem>> -> memref<128xi32, #tpu.memory_space<vmem>>
      %dma_start3A_34 = arith.constant 0 : i32
      %dma_start3A_35 = arith.constant 0 : i32
      %dma_start3A_36 = tpu.memref_slice %arg2[%dma_start3A_34, %dma_start3A_35] : memref<100352x8xf32, #tpu.memory_space<hbm>> -> memref<100352x8xf32, #tpu.memory_space<hbm>>
      tpu.enqueue_indirect_dma source(%dma_start3A_36 : memref<100352x8xf32, #tpu.memory_space<hbm>>) target(%dma_start3A_30 : memref<128x8xf32, #tpu.memory_space<vmem>>) offsets(%dma_start3A_33 : memref<128xi32, #tpu.memory_space<vmem>>) semaphore(%arg11 : memref<!tpu.dma_semaphore, #tpu.memory_space<semaphore_mem>>)
      %dma_start3A_37 = arith.constant 2 : i32
      %dma_start3A_38 = arith.constant 256 : i32
      %dma_start3A_39 = arith.constant 0 : i32
      %dma_start3A_40 = tpu.memref_slice %arg10[%dma_start3A_38, %dma_start3A_39] : memref<1024x8xf32, #tpu.memory_space<vmem>> -> memref<128x8xf32, #tpu.memory_space<vmem>>
      %dma_start3A_41 = arith.constant 0 : i32
      %dma_start3A_42 = tpu.memref_slice %arg8[%dma_start3A_37, %dma_start3A_41] : memref<8x128xi32, #tpu.memory_space<vmem>> -> memref<1x128xi32, #tpu.memory_space<vmem>>
      %dma_start3A_43 = tpu.memref_squeeze %dma_start3A_42 : memref<1x128xi32, #tpu.memory_space<vmem>> -> memref<128xi32, #tpu.memory_space<vmem>>
      %dma_start3A_44 = arith.constant 0 : i32
      %dma_start3A_45 = arith.constant 0 : i32
      %dma_start3A_46 = tpu.memref_slice %arg2[%dma_start3A_44, %dma_start3A_45] : memref<100352x8xf32, #tpu.memory_space<hbm>> -> memref<100352x8xf32, #tpu.memory_space<hbm>>
      tpu.enqueue_indirect_dma source(%dma_start3A_46 : memref<100352x8xf32, #tpu.memory_space<hbm>>) target(%dma_start3A_40 : memref<128x8xf32, #tpu.memory_space<vmem>>) offsets(%dma_start3A_43 : memref<128xi32, #tpu.memory_space<vmem>>) semaphore(%arg11 : memref<!tpu.dma_semaphore, #tpu.memory_space<semaphore_mem>>)
      %dma_start3A_47 = arith.constant 3 : i32
      %dma_start3A_48 = arith.constant 384 : i32
      %dma_start3A_49 = arith.constant 0 : i32
      %dma_start3A_50 = tpu.memref_slice %arg10[%dma_start3A_48, %dma_start3A_49] : memref<1024x8xf32, #tpu.memory_space<vmem>> -> memref<128x8xf32, #tpu.memory_space<vmem>>
      %dma_start3A_51 = arith.constant 0 : i32
      %dma_start3A_52 = tpu.memref_slice %arg8[%dma_start3A_47, %dma_start3A_51] : memref<8x128xi32, #tpu.memory_space<vmem>> -> memref<1x128xi32, #tpu.memory_space<vmem>>
      %dma_start3A_53 = tpu.memref_squeeze %dma_start3A_52 : memref<1x128xi32, #tpu.memory_space<vmem>> -> memref<128xi32, #tpu.memory_space<vmem>>
      %dma_start3A_54 = arith.constant 0 : i32
      %dma_start3A_55 = arith.constant 0 : i32
      %dma_start3A_56 = tpu.memref_slice %arg2[%dma_start3A_54, %dma_start3A_55] : memref<100352x8xf32, #tpu.memory_space<hbm>> -> memref<100352x8xf32, #tpu.memory_space<hbm>>
      tpu.enqueue_indirect_dma source(%dma_start3A_56 : memref<100352x8xf32, #tpu.memory_space<hbm>>) target(%dma_start3A_50 : memref<128x8xf32, #tpu.memory_space<vmem>>) offsets(%dma_start3A_53 : memref<128xi32, #tpu.memory_space<vmem>>) semaphore(%arg11 : memref<!tpu.dma_semaphore, #tpu.memory_space<semaphore_mem>>)
      %dma_start3A_57 = arith.constant 4 : i32
      %dma_start3A_58 = arith.constant 512 : i32
      %dma_start3A_59 = arith.constant 0 : i32
      %dma_start3A_60 = tpu.memref_slice %arg10[%dma_start3A_58, %dma_start3A_59] : memref<1024x8xf32, #tpu.memory_space<vmem>> -> memref<128x8xf32, #tpu.memory_space<vmem>>
      %dma_start3A_61 = arith.constant 0 : i32
      %dma_start3A_62 = tpu.memref_slice %arg8[%dma_start3A_57, %dma_start3A_61] : memref<8x128xi32, #tpu.memory_space<vmem>> -> memref<1x128xi32, #tpu.memory_space<vmem>>
      %dma_start3A_63 = tpu.memref_squeeze %dma_start3A_62 : memref<1x128xi32, #tpu.memory_space<vmem>> -> memref<128xi32, #tpu.memory_space<vmem>>
      %dma_start3A_64 = arith.constant 0 : i32
      %dma_start3A_65 = arith.constant 0 : i32
      %dma_start3A_66 = tpu.memref_slice %arg2[%dma_start3A_64, %dma_start3A_65] : memref<100352x8xf32, #tpu.memory_space<hbm>> -> memref<100352x8xf32, #tpu.memory_space<hbm>>
      tpu.enqueue_indirect_dma source(%dma_start3A_66 : memref<100352x8xf32, #tpu.memory_space<hbm>>) target(%dma_start3A_60 : memref<128x8xf32, #tpu.memory_space<vmem>>) offsets(%dma_start3A_63 : memref<128xi32, #tpu.memory_space<vmem>>) semaphore(%arg11 : memref<!tpu.dma_semaphore, #tpu.memory_space<semaphore_mem>>)
      %dma_start3A_67 = arith.constant 5 : i32
      %dma_start3A_68 = arith.constant 640 : i32
      %dma_start3A_69 = arith.constant 0 : i32
      %dma_start3A_70 = tpu.memref_slice %arg10[%dma_start3A_68, %dma_start3A_69] : memref<1024x8xf32, #tpu.memory_space<vmem>> -> memref<128x8xf32, #tpu.memory_space<vmem>>
      %dma_start3A_71 = arith.constant 0 : i32
      %dma_start3A_72 = tpu.memref_slice %arg8[%dma_start3A_67, %dma_start3A_71] : memref<8x128xi32, #tpu.memory_space<vmem>> -> memref<1x128xi32, #tpu.memory_space<vmem>>
      %dma_start3A_73 = tpu.memref_squeeze %dma_start3A_72 : memref<1x128xi32, #tpu.memory_space<vmem>> -> memref<128xi32, #tpu.memory_space<vmem>>
      %dma_start3A_74 = arith.constant 0 : i32
      %dma_start3A_75 = arith.constant 0 : i32
      %dma_start3A_76 = tpu.memref_slice %arg2[%dma_start3A_74, %dma_start3A_75] : memref<100352x8xf32, #tpu.memory_space<hbm>> -> memref<100352x8xf32, #tpu.memory_space<hbm>>
      tpu.enqueue_indirect_dma source(%dma_start3A_76 : memref<100352x8xf32, #tpu.memory_space<hbm>>) target(%dma_start3A_70 : memref<128x8xf32, #tpu.memory_space<vmem>>) offsets(%dma_start3A_73 : memref<128xi32, #tpu.memory_space<vmem>>) semaphore(%arg11 : memref<!tpu.dma_semaphore, #tpu.memory_space<semaphore_mem>>)
      %dma_start3A_77 = arith.constant 6 : i32
      %dma_start3A_78 = arith.constant 768 : i32
      %dma_start3A_79 = arith.constant 0 : i32
      %dma_start3A_80 = tpu.memref_slice %arg10[%dma_start3A_78, %dma_start3A_79] : memref<1024x8xf32, #tpu.memory_space<vmem>> -> memref<128x8xf32, #tpu.memory_space<vmem>>
      %dma_start3A_81 = arith.constant 0 : i32
      %dma_start3A_82 = tpu.memref_slice %arg8[%dma_start3A_77, %dma_start3A_81] : memref<8x128xi32, #tpu.memory_space<vmem>> -> memref<1x128xi32, #tpu.memory_space<vmem>>
      %dma_start3A_83 = tpu.memref_squeeze %dma_start3A_82 : memref<1x128xi32, #tpu.memory_space<vmem>> -> memref<128xi32, #tpu.memory_space<vmem>>
      %dma_start3A_84 = arith.constant 0 : i32
      %dma_start3A_85 = arith.constant 0 : i32
      %dma_start3A_86 = tpu.memref_slice %arg2[%dma_start3A_84, %dma_start3A_85] : memref<100352x8xf32, #tpu.memory_space<hbm>> -> memref<100352x8xf32, #tpu.memory_space<hbm>>
      tpu.enqueue_indirect_dma source(%dma_start3A_86 : memref<100352x8xf32, #tpu.memory_space<hbm>>) target(%dma_start3A_80 : memref<128x8xf32, #tpu.memory_space<vmem>>) offsets(%dma_start3A_83 : memref<128xi32, #tpu.memory_space<vmem>>) semaphore(%arg11 : memref<!tpu.dma_semaphore, #tpu.memory_space<semaphore_mem>>)
      %dma_start3A_87 = arith.constant 7 : i32
      %dma_start3A_88 = arith.constant 896 : i32
      %dma_start3A_89 = arith.constant 0 : i32
      %dma_start3A_90 = tpu.memref_slice %arg10[%dma_start3A_88, %dma_start3A_89] : memref<1024x8xf32, #tpu.memory_space<vmem>> -> memref<128x8xf32, #tpu.memory_space<vmem>>
      %dma_start3A_91 = arith.constant 0 : i32
      %dma_start3A_92 = tpu.memref_slice %arg8[%dma_start3A_87, %dma_start3A_91] : memref<8x128xi32, #tpu.memory_space<vmem>> -> memref<1x128xi32, #tpu.memory_space<vmem>>
      %dma_start3A_93 = tpu.memref_squeeze %dma_start3A_92 : memref<1x128xi32, #tpu.memory_space<vmem>> -> memref<128xi32, #tpu.memory_space<vmem>>
      %dma_start3A_94 = arith.constant 0 : i32
      %dma_start3A_95 = arith.constant 0 : i32
      %dma_start3A_96 = tpu.memref_slice %arg2[%dma_start3A_94, %dma_start3A_95] : memref<100352x8xf32, #tpu.memory_space<hbm>> -> memref<100352x8xf32, #tpu.memory_space<hbm>>
      tpu.enqueue_indirect_dma source(%dma_start3A_96 : memref<100352x8xf32, #tpu.memory_space<hbm>>) target(%dma_start3A_90 : memref<128x8xf32, #tpu.memory_space<vmem>>) offsets(%dma_start3A_93 : memref<128xi32, #tpu.memory_space<vmem>>) semaphore(%arg11 : memref<!tpu.dma_semaphore, #tpu.memory_space<semaphore_mem>>)
      %dma_wait3A = arith.constant 0 : i32
      %dma_wait3A_97 = arith.constant 0 : i32
      %dma_wait3A_98 = arith.constant 0 : i32
      %dma_wait3A_99 = tpu.memref_slice %arg10[%dma_wait3A_97, %dma_wait3A_98] : memref<1024x8xf32, #tpu.memory_space<vmem>> -> memref<128x8xf32, #tpu.memory_space<vmem>>
      %dma_wait3A_100 = arith.constant 0 : i32
      %dma_wait3A_101 = tpu.memref_slice %arg8[%dma_wait3A, %dma_wait3A_100] : memref<8x128xi32, #tpu.memory_space<vmem>> -> memref<1x128xi32, #tpu.memory_space<vmem>>
      %dma_wait3A_102 = tpu.memref_squeeze %dma_wait3A_101 : memref<1x128xi32, #tpu.memory_space<vmem>> -> memref<128xi32, #tpu.memory_space<vmem>>
      %dma_wait3A_103 = arith.constant 0 : i32
      %dma_wait3A_104 = arith.constant 0 : i32
      %dma_wait3A_105 = tpu.memref_slice %arg2[%dma_wait3A_103, %dma_wait3A_104] : memref<100352x8xf32, #tpu.memory_space<hbm>> -> memref<100352x8xf32, #tpu.memory_space<hbm>>
      tpu.wait_indirect_dma semaphore(%arg11 : memref<!tpu.dma_semaphore, #tpu.memory_space<semaphore_mem>>) src(%dma_wait3A_105 : memref<100352x8xf32, #tpu.memory_space<hbm>>) dst(%dma_wait3A_99 : memref<128x8xf32, #tpu.memory_space<vmem>>)
      %dma_wait3A_106 = arith.constant 1 : i32
      %dma_wait3A_107 = arith.constant 128 : i32
      %dma_wait3A_108 = arith.constant 0 : i32
      %dma_wait3A_109 = tpu.memref_slice %arg10[%dma_wait3A_107, %dma_wait3A_108] : memref<1024x8xf32, #tpu.memory_space<vmem>> -> memref<128x8xf32, #tpu.memory_space<vmem>>
      %dma_wait3A_110 = arith.constant 0 : i32
      %dma_wait3A_111 = tpu.memref_slice %arg8[%dma_wait3A_106, %dma_wait3A_110] : memref<8x128xi32, #tpu.memory_space<vmem>> -> memref<1x128xi32, #tpu.memory_space<vmem>>
      %dma_wait3A_112 = tpu.memref_squeeze %dma_wait3A_111 : memref<1x128xi32, #tpu.memory_space<vmem>> -> memref<128xi32, #tpu.memory_space<vmem>>
      %dma_wait3A_113 = arith.constant 0 : i32
      %dma_wait3A_114 = arith.constant 0 : i32
      %dma_wait3A_115 = tpu.memref_slice %arg2[%dma_wait3A_113, %dma_wait3A_114] : memref<100352x8xf32, #tpu.memory_space<hbm>> -> memref<100352x8xf32, #tpu.memory_space<hbm>>
      tpu.wait_indirect_dma semaphore(%arg11 : memref<!tpu.dma_semaphore, #tpu.memory_space<semaphore_mem>>) src(%dma_wait3A_115 : memref<100352x8xf32, #tpu.memory_space<hbm>>) dst(%dma_wait3A_109 : memref<128x8xf32, #tpu.memory_space<vmem>>)
      %dma_wait3A_116 = arith.constant 2 : i32
      %dma_wait3A_117 = arith.constant 256 : i32
      %dma_wait3A_118 = arith.constant 0 : i32
      %dma_wait3A_119 = tpu.memref_slice %arg10[%dma_wait3A_117, %dma_wait3A_118] : memref<1024x8xf32, #tpu.memory_space<vmem>> -> memref<128x8xf32, #tpu.memory_space<vmem>>
      %dma_wait3A_120 = arith.constant 0 : i32
      %dma_wait3A_121 = tpu.memref_slice %arg8[%dma_wait3A_116, %dma_wait3A_120] : memref<8x128xi32, #tpu.memory_space<vmem>> -> memref<1x128xi32, #tpu.memory_space<vmem>>
      %dma_wait3A_122 = tpu.memref_squeeze %dma_wait3A_121 : memref<1x128xi32, #tpu.memory_space<vmem>> -> memref<128xi32, #tpu.memory_space<vmem>>
      %dma_wait3A_123 = arith.constant 0 : i32
      %dma_wait3A_124 = arith.constant 0 : i32
      %dma_wait3A_125 = tpu.memref_slice %arg2[%dma_wait3A_123, %dma_wait3A_124] : memref<100352x8xf32, #tpu.memory_space<hbm>> -> memref<100352x8xf32, #tpu.memory_space<hbm>>
      tpu.wait_indirect_dma semaphore(%arg11 : memref<!tpu.dma_semaphore, #tpu.memory_space<semaphore_mem>>) src(%dma_wait3A_125 : memref<100352x8xf32, #tpu.memory_space<hbm>>) dst(%dma_wait3A_119 : memref<128x8xf32, #tpu.memory_space<vmem>>)
      %dma_wait3A_126 = arith.constant 3 : i32
      %dma_wait3A_127 = arith.constant 384 : i32
      %dma_wait3A_128 = arith.constant 0 : i32
      %dma_wait3A_129 = tpu.memref_slice %arg10[%dma_wait3A_127, %dma_wait3A_128] : memref<1024x8xf32, #tpu.memory_space<vmem>> -> memref<128x8xf32, #tpu.memory_space<vmem>>
      %dma_wait3A_130 = arith.constant 0 : i32
      %dma_wait3A_131 = tpu.memref_slice %arg8[%dma_wait3A_126, %dma_wait3A_130] : memref<8x128xi32, #tpu.memory_space<vmem>> -> memref<1x128xi32, #tpu.memory_space<vmem>>
      %dma_wait3A_132 = tpu.memref_squeeze %dma_wait3A_131 : memref<1x128xi32, #tpu.memory_space<vmem>> -> memref<128xi32, #tpu.memory_space<vmem>>
      %dma_wait3A_133 = arith.constant 0 : i32
      %dma_wait3A_134 = arith.constant 0 : i32
      %dma_wait3A_135 = tpu.memref_slice %arg2[%dma_wait3A_133, %dma_wait3A_134] : memref<100352x8xf32, #tpu.memory_space<hbm>> -> memref<100352x8xf32, #tpu.memory_space<hbm>>
      tpu.wait_indirect_dma semaphore(%arg11 : memref<!tpu.dma_semaphore, #tpu.memory_space<semaphore_mem>>) src(%dma_wait3A_135 : memref<100352x8xf32, #tpu.memory_space<hbm>>) dst(%dma_wait3A_129 : memref<128x8xf32, #tpu.memory_space<vmem>>)
      %dma_wait3A_136 = arith.constant 4 : i32
      %dma_wait3A_137 = arith.constant 512 : i32
      %dma_wait3A_138 = arith.constant 0 : i32
      %dma_wait3A_139 = tpu.memref_slice %arg10[%dma_wait3A_137, %dma_wait3A_138] : memref<1024x8xf32, #tpu.memory_space<vmem>> -> memref<128x8xf32, #tpu.memory_space<vmem>>
      %dma_wait3A_140 = arith.constant 0 : i32
      %dma_wait3A_141 = tpu.memref_slice %arg8[%dma_wait3A_136, %dma_wait3A_140] : memref<8x128xi32, #tpu.memory_space<vmem>> -> memref<1x128xi32, #tpu.memory_space<vmem>>
      %dma_wait3A_142 = tpu.memref_squeeze %dma_wait3A_141 : memref<1x128xi32, #tpu.memory_space<vmem>> -> memref<128xi32, #tpu.memory_space<vmem>>
      %dma_wait3A_143 = arith.constant 0 : i32
      %dma_wait3A_144 = arith.constant 0 : i32
      %dma_wait3A_145 = tpu.memref_slice %arg2[%dma_wait3A_143, %dma_wait3A_144] : memref<100352x8xf32, #tpu.memory_space<hbm>> -> memref<100352x8xf32, #tpu.memory_space<hbm>>
      tpu.wait_indirect_dma semaphore(%arg11 : memref<!tpu.dma_semaphore, #tpu.memory_space<semaphore_mem>>) src(%dma_wait3A_145 : memref<100352x8xf32, #tpu.memory_space<hbm>>) dst(%dma_wait3A_139 : memref<128x8xf32, #tpu.memory_space<vmem>>)
      %dma_wait3A_146 = arith.constant 5 : i32
      %dma_wait3A_147 = arith.constant 640 : i32
      %dma_wait3A_148 = arith.constant 0 : i32
      %dma_wait3A_149 = tpu.memref_slice %arg10[%dma_wait3A_147, %dma_wait3A_148] : memref<1024x8xf32, #tpu.memory_space<vmem>> -> memref<128x8xf32, #tpu.memory_space<vmem>>
      %dma_wait3A_150 = arith.constant 0 : i32
      %dma_wait3A_151 = tpu.memref_slice %arg8[%dma_wait3A_146, %dma_wait3A_150] : memref<8x128xi32, #tpu.memory_space<vmem>> -> memref<1x128xi32, #tpu.memory_space<vmem>>
      %dma_wait3A_152 = tpu.memref_squeeze %dma_wait3A_151 : memref<1x128xi32, #tpu.memory_space<vmem>> -> memref<128xi32, #tpu.memory_space<vmem>>
      %dma_wait3A_153 = arith.constant 0 : i32
      %dma_wait3A_154 = arith.constant 0 : i32
      %dma_wait3A_155 = tpu.memref_slice %arg2[%dma_wait3A_153, %dma_wait3A_154] : memref<100352x8xf32, #tpu.memory_space<hbm>> -> memref<100352x8xf32, #tpu.memory_space<hbm>>
      tpu.wait_indirect_dma semaphore(%arg11 : memref<!tpu.dma_semaphore, #tpu.memory_space<semaphore_mem>>) src(%dma_wait3A_155 : memref<100352x8xf32, #tpu.memory_space<hbm>>) dst(%dma_wait3A_149 : memref<128x8xf32, #tpu.memory_space<vmem>>)
      %dma_wait3A_156 = arith.constant 6 : i32
      %dma_wait3A_157 = arith.constant 768 : i32
      %dma_wait3A_158 = arith.constant 0 : i32
      %dma_wait3A_159 = tpu.memref_slice %arg10[%dma_wait3A_157, %dma_wait3A_158] : memref<1024x8xf32, #tpu.memory_space<vmem>> -> memref<128x8xf32, #tpu.memory_space<vmem>>
      %dma_wait3A_160 = arith.constant 0 : i32
      %dma_wait3A_161 = tpu.memref_slice %arg8[%dma_wait3A_156, %dma_wait3A_160] : memref<8x128xi32, #tpu.memory_space<vmem>> -> memref<1x128xi32, #tpu.memory_space<vmem>>
      %dma_wait3A_162 = tpu.memref_squeeze %dma_wait3A_161 : memref<1x128xi32, #tpu.memory_space<vmem>> -> memref<128xi32, #tpu.memory_space<vmem>>
      %dma_wait3A_163 = arith.constant 0 : i32
      %dma_wait3A_164 = arith.constant 0 : i32
      %dma_wait3A_165 = tpu.memref_slice %arg2[%dma_wait3A_163, %dma_wait3A_164] : memref<100352x8xf32, #tpu.memory_space<hbm>> -> memref<100352x8xf32, #tpu.memory_space<hbm>>
      tpu.wait_indirect_dma semaphore(%arg11 : memref<!tpu.dma_semaphore, #tpu.memory_space<semaphore_mem>>) src(%dma_wait3A_165 : memref<100352x8xf32, #tpu.memory_space<hbm>>) dst(%dma_wait3A_159 : memref<128x8xf32, #tpu.memory_space<vmem>>)
      %dma_wait3A_166 = arith.constant 7 : i32
      %dma_wait3A_167 = arith.constant 896 : i32
      %dma_wait3A_168 = arith.constant 0 : i32
      %dma_wait3A_169 = tpu.memref_slice %arg10[%dma_wait3A_167, %dma_wait3A_168] : memref<1024x8xf32, #tpu.memory_space<vmem>> -> memref<128x8xf32, #tpu.memory_space<vmem>>
      %dma_wait3A_170 = arith.constant 0 : i32
      %dma_wait3A_171 = tpu.memref_slice %arg8[%dma_wait3A_166, %dma_wait3A_170] : memref<8x128xi32, #tpu.memory_space<vmem>> -> memref<1x128xi32, #tpu.memory_space<vmem>>
      %dma_wait3A_172 = tpu.memref_squeeze %dma_wait3A_171 : memref<1x128xi32, #tpu.memory_space<vmem>> -> memref<128xi32, #tpu.memory_space<vmem>>
      %dma_wait3A_173 = arith.constant 0 : i32
      %dma_wait3A_174 = arith.constant 0 : i32
      %dma_wait3A_175 = tpu.memref_slice %arg2[%dma_wait3A_173, %dma_wait3A_174] : memref<100352x8xf32, #tpu.memory_space<hbm>> -> memref<100352x8xf32, #tpu.memory_space<hbm>>
      tpu.wait_indirect_dma semaphore(%arg11 : memref<!tpu.dma_semaphore, #tpu.memory_space<semaphore_mem>>) src(%dma_wait3A_175 : memref<100352x8xf32, #tpu.memory_space<hbm>>) dst(%dma_wait3A_169 : memref<128x8xf32, #tpu.memory_space<vmem>>)
      %dma_start3A_176 = arith.constant 0 : i32
      %dma_start3A_177 = arith.constant 0 : i32
      %dma_start3A_178 = arith.constant 0 : i32
      %dma_start3A_179 = tpu.memref_slice %arg10[%dma_start3A_177, %dma_start3A_178] : memref<1024x8xf32, #tpu.memory_space<vmem>> -> memref<128x8xf32, #tpu.memory_space<vmem>>
      %dma_start3A_180 = arith.constant 0 : i32
      %dma_start3A_181 = tpu.memref_slice %arg9[%dma_start3A_176, %dma_start3A_180] : memref<8x128xi32, #tpu.memory_space<vmem>> -> memref<1x128xi32, #tpu.memory_space<vmem>>
      %dma_start3A_182 = tpu.memref_squeeze %dma_start3A_181 : memref<1x128xi32, #tpu.memory_space<vmem>> -> memref<128xi32, #tpu.memory_space<vmem>>
      %dma_start3A_183 = arith.constant 0 : i32
      %dma_start3A_184 = arith.constant 0 : i32
      %dma_start3A_185 = tpu.memref_slice %arg7[%dma_start3A_183, %dma_start3A_184] : memref<100352x8xf32, #tpu.memory_space<vmem_shared>> -> memref<100352x8xf32, #tpu.memory_space<vmem_shared>>
      tpu.enqueue_indirect_dma source(%dma_start3A_179 : memref<128x8xf32, #tpu.memory_space<vmem>>) target(%dma_start3A_185 : memref<100352x8xf32, #tpu.memory_space<vmem_shared>>) offsets(%dma_start3A_182 : memref<128xi32, #tpu.memory_space<vmem>>) semaphore(%arg12 : memref<!tpu.dma_semaphore, #tpu.memory_space<semaphore_mem>>) {add = true}
      %dma_start3A_186 = arith.constant 1 : i32
      %dma_start3A_187 = arith.constant 128 : i32
      %dma_start3A_188 = arith.constant 0 : i32
      %dma_start3A_189 = tpu.memref_slice %arg10[%dma_start3A_187, %dma_start3A_188] : memref<1024x8xf32, #tpu.memory_space<vmem>> -> memref<128x8xf32, #tpu.memory_space<vmem>>
      %dma_start3A_190 = arith.constant 0 : i32
      %dma_start3A_191 = tpu.memref_slice %arg9[%dma_start3A_186, %dma_start3A_190] : memref<8x128xi32, #tpu.memory_space<vmem>> -> memref<1x128xi32, #tpu.memory_space<vmem>>
      %dma_start3A_192 = tpu.memref_squeeze %dma_start3A_191 : memref<1x128xi32, #tpu.memory_space<vmem>> -> memref<128xi32, #tpu.memory_space<vmem>>
      %dma_start3A_193 = arith.constant 0 : i32
      %dma_start3A_194 = arith.constant 0 : i32
      %dma_start3A_195 = tpu.memref_slice %arg7[%dma_start3A_193, %dma_start3A_194] : memref<100352x8xf32, #tpu.memory_space<vmem_shared>> -> memref<100352x8xf32, #tpu.memory_space<vmem_shared>>
      tpu.enqueue_indirect_dma source(%dma_start3A_189 : memref<128x8xf32, #tpu.memory_space<vmem>>) target(%dma_start3A_195 : memref<100352x8xf32, #tpu.memory_space<vmem_shared>>) offsets(%dma_start3A_192 : memref<128xi32, #tpu.memory_space<vmem>>) semaphore(%arg12 : memref<!tpu.dma_semaphore, #tpu.memory_space<semaphore_mem>>) {add = true}
      %dma_start3A_196 = arith.constant 2 : i32
      %dma_start3A_197 = arith.constant 256 : i32
      %dma_start3A_198 = arith.constant 0 : i32
      %dma_start3A_199 = tpu.memref_slice %arg10[%dma_start3A_197, %dma_start3A_198] : memref<1024x8xf32, #tpu.memory_space<vmem>> -> memref<128x8xf32, #tpu.memory_space<vmem>>
      %dma_start3A_200 = arith.constant 0 : i32
      %dma_start3A_201 = tpu.memref_slice %arg9[%dma_start3A_196, %dma_start3A_200] : memref<8x128xi32, #tpu.memory_space<vmem>> -> memref<1x128xi32, #tpu.memory_space<vmem>>
      %dma_start3A_202 = tpu.memref_squeeze %dma_start3A_201 : memref<1x128xi32, #tpu.memory_space<vmem>> -> memref<128xi32, #tpu.memory_space<vmem>>
      %dma_start3A_203 = arith.constant 0 : i32
      %dma_start3A_204 = arith.constant 0 : i32
      %dma_start3A_205 = tpu.memref_slice %arg7[%dma_start3A_203, %dma_start3A_204] : memref<100352x8xf32, #tpu.memory_space<vmem_shared>> -> memref<100352x8xf32, #tpu.memory_space<vmem_shared>>
      tpu.enqueue_indirect_dma source(%dma_start3A_199 : memref<128x8xf32, #tpu.memory_space<vmem>>) target(%dma_start3A_205 : memref<100352x8xf32, #tpu.memory_space<vmem_shared>>) offsets(%dma_start3A_202 : memref<128xi32, #tpu.memory_space<vmem>>) semaphore(%arg12 : memref<!tpu.dma_semaphore, #tpu.memory_space<semaphore_mem>>) {add = true}
      %dma_start3A_206 = arith.constant 3 : i32
      %dma_start3A_207 = arith.constant 384 : i32
      %dma_start3A_208 = arith.constant 0 : i32
      %dma_start3A_209 = tpu.memref_slice %arg10[%dma_start3A_207, %dma_start3A_208] : memref<1024x8xf32, #tpu.memory_space<vmem>> -> memref<128x8xf32, #tpu.memory_space<vmem>>
      %dma_start3A_210 = arith.constant 0 : i32
      %dma_start3A_211 = tpu.memref_slice %arg9[%dma_start3A_206, %dma_start3A_210] : memref<8x128xi32, #tpu.memory_space<vmem>> -> memref<1x128xi32, #tpu.memory_space<vmem>>
      %dma_start3A_212 = tpu.memref_squeeze %dma_start3A_211 : memref<1x128xi32, #tpu.memory_space<vmem>> -> memref<128xi32, #tpu.memory_space<vmem>>
      %dma_start3A_213 = arith.constant 0 : i32
      %dma_start3A_214 = arith.constant 0 : i32
      %dma_start3A_215 = tpu.memref_slice %arg7[%dma_start3A_213, %dma_start3A_214] : memref<100352x8xf32, #tpu.memory_space<vmem_shared>> -> memref<100352x8xf32, #tpu.memory_space<vmem_shared>>
      tpu.enqueue_indirect_dma source(%dma_start3A_209 : memref<128x8xf32, #tpu.memory_space<vmem>>) target(%dma_start3A_215 : memref<100352x8xf32, #tpu.memory_space<vmem_shared>>) offsets(%dma_start3A_212 : memref<128xi32, #tpu.memory_space<vmem>>) semaphore(%arg12 : memref<!tpu.dma_semaphore, #tpu.memory_space<semaphore_mem>>) {add = true}
      %dma_start3A_216 = arith.constant 4 : i32
      %dma_start3A_217 = arith.constant 512 : i32
      %dma_start3A_218 = arith.constant 0 : i32
      %dma_start3A_219 = tpu.memref_slice %arg10[%dma_start3A_217, %dma_start3A_218] : memref<1024x8xf32, #tpu.memory_space<vmem>> -> memref<128x8xf32, #tpu.memory_space<vmem>>
      %dma_start3A_220 = arith.constant 0 : i32
      %dma_start3A_221 = tpu.memref_slice %arg9[%dma_start3A_216, %dma_start3A_220] : memref<8x128xi32, #tpu.memory_space<vmem>> -> memref<1x128xi32, #tpu.memory_space<vmem>>
      %dma_start3A_222 = tpu.memref_squeeze %dma_start3A_221 : memref<1x128xi32, #tpu.memory_space<vmem>> -> memref<128xi32, #tpu.memory_space<vmem>>
      %dma_start3A_223 = arith.constant 0 : i32
      %dma_start3A_224 = arith.constant 0 : i32
      %dma_start3A_225 = tpu.memref_slice %arg7[%dma_start3A_223, %dma_start3A_224] : memref<100352x8xf32, #tpu.memory_space<vmem_shared>> -> memref<100352x8xf32, #tpu.memory_space<vmem_shared>>
      tpu.enqueue_indirect_dma source(%dma_start3A_219 : memref<128x8xf32, #tpu.memory_space<vmem>>) target(%dma_start3A_225 : memref<100352x8xf32, #tpu.memory_space<vmem_shared>>) offsets(%dma_start3A_222 : memref<128xi32, #tpu.memory_space<vmem>>) semaphore(%arg12 : memref<!tpu.dma_semaphore, #tpu.memory_space<semaphore_mem>>) {add = true}
      %dma_start3A_226 = arith.constant 5 : i32
      %dma_start3A_227 = arith.constant 640 : i32
      %dma_start3A_228 = arith.constant 0 : i32
      %dma_start3A_229 = tpu.memref_slice %arg10[%dma_start3A_227, %dma_start3A_228] : memref<1024x8xf32, #tpu.memory_space<vmem>> -> memref<128x8xf32, #tpu.memory_space<vmem>>
      %dma_start3A_230 = arith.constant 0 : i32
      %dma_start3A_231 = tpu.memref_slice %arg9[%dma_start3A_226, %dma_start3A_230] : memref<8x128xi32, #tpu.memory_space<vmem>> -> memref<1x128xi32, #tpu.memory_space<vmem>>
      %dma_start3A_232 = tpu.memref_squeeze %dma_start3A_231 : memref<1x128xi32, #tpu.memory_space<vmem>> -> memref<128xi32, #tpu.memory_space<vmem>>
      %dma_start3A_233 = arith.constant 0 : i32
      %dma_start3A_234 = arith.constant 0 : i32
      %dma_start3A_235 = tpu.memref_slice %arg7[%dma_start3A_233, %dma_start3A_234] : memref<100352x8xf32, #tpu.memory_space<vmem_shared>> -> memref<100352x8xf32, #tpu.memory_space<vmem_shared>>
      tpu.enqueue_indirect_dma source(%dma_start3A_229 : memref<128x8xf32, #tpu.memory_space<vmem>>) target(%dma_start3A_235 : memref<100352x8xf32, #tpu.memory_space<vmem_shared>>) offsets(%dma_start3A_232 : memref<128xi32, #tpu.memory_space<vmem>>) semaphore(%arg12 : memref<!tpu.dma_semaphore, #tpu.memory_space<semaphore_mem>>) {add = true}
      %dma_start3A_236 = arith.constant 6 : i32
      %dma_start3A_237 = arith.constant 768 : i32
      %dma_start3A_238 = arith.constant 0 : i32
      %dma_start3A_239 = tpu.memref_slice %arg10[%dma_start3A_237, %dma_start3A_238] : memref<1024x8xf32, #tpu.memory_space<vmem>> -> memref<128x8xf32, #tpu.memory_space<vmem>>
      %dma_start3A_240 = arith.constant 0 : i32
      %dma_start3A_241 = tpu.memref_slice %arg9[%dma_start3A_236, %dma_start3A_240] : memref<8x128xi32, #tpu.memory_space<vmem>> -> memref<1x128xi32, #tpu.memory_space<vmem>>
      %dma_start3A_242 = tpu.memref_squeeze %dma_start3A_241 : memref<1x128xi32, #tpu.memory_space<vmem>> -> memref<128xi32, #tpu.memory_space<vmem>>
      %dma_start3A_243 = arith.constant 0 : i32
      %dma_start3A_244 = arith.constant 0 : i32
      %dma_start3A_245 = tpu.memref_slice %arg7[%dma_start3A_243, %dma_start3A_244] : memref<100352x8xf32, #tpu.memory_space<vmem_shared>> -> memref<100352x8xf32, #tpu.memory_space<vmem_shared>>
      tpu.enqueue_indirect_dma source(%dma_start3A_239 : memref<128x8xf32, #tpu.memory_space<vmem>>) target(%dma_start3A_245 : memref<100352x8xf32, #tpu.memory_space<vmem_shared>>) offsets(%dma_start3A_242 : memref<128xi32, #tpu.memory_space<vmem>>) semaphore(%arg12 : memref<!tpu.dma_semaphore, #tpu.memory_space<semaphore_mem>>) {add = true}
      %dma_start3A_246 = arith.constant 7 : i32
      %dma_start3A_247 = arith.constant 896 : i32
      %dma_start3A_248 = arith.constant 0 : i32
      %dma_start3A_249 = tpu.memref_slice %arg10[%dma_start3A_247, %dma_start3A_248] : memref<1024x8xf32, #tpu.memory_space<vmem>> -> memref<128x8xf32, #tpu.memory_space<vmem>>
      %dma_start3A_250 = arith.constant 0 : i32
      %dma_start3A_251 = tpu.memref_slice %arg9[%dma_start3A_246, %dma_start3A_250] : memref<8x128xi32, #tpu.memory_space<vmem>> -> memref<1x128xi32, #tpu.memory_space<vmem>>
      %dma_start3A_252 = tpu.memref_squeeze %dma_start3A_251 : memref<1x128xi32, #tpu.memory_space<vmem>> -> memref<128xi32, #tpu.memory_space<vmem>>
      %dma_start3A_253 = arith.constant 0 : i32
      %dma_start3A_254 = arith.constant 0 : i32
      %dma_start3A_255 = tpu.memref_slice %arg7[%dma_start3A_253, %dma_start3A_254] : memref<100352x8xf32, #tpu.memory_space<vmem_shared>> -> memref<100352x8xf32, #tpu.memory_space<vmem_shared>>
      tpu.enqueue_indirect_dma source(%dma_start3A_249 : memref<128x8xf32, #tpu.memory_space<vmem>>) target(%dma_start3A_255 : memref<100352x8xf32, #tpu.memory_space<vmem_shared>>) offsets(%dma_start3A_252 : memref<128xi32, #tpu.memory_space<vmem>>) semaphore(%arg12 : memref<!tpu.dma_semaphore, #tpu.memory_space<semaphore_mem>>) {add = true}
      %dma_wait3A_256 = arith.constant 0 : i32
      %dma_wait3A_257 = arith.constant 0 : i32
      %dma_wait3A_258 = arith.constant 0 : i32
      %dma_wait3A_259 = tpu.memref_slice %arg10[%dma_wait3A_257, %dma_wait3A_258] : memref<1024x8xf32, #tpu.memory_space<vmem>> -> memref<128x8xf32, #tpu.memory_space<vmem>>
      %dma_wait3A_260 = arith.constant 0 : i32
      %dma_wait3A_261 = tpu.memref_slice %arg9[%dma_wait3A_256, %dma_wait3A_260] : memref<8x128xi32, #tpu.memory_space<vmem>> -> memref<1x128xi32, #tpu.memory_space<vmem>>
      %dma_wait3A_262 = tpu.memref_squeeze %dma_wait3A_261 : memref<1x128xi32, #tpu.memory_space<vmem>> -> memref<128xi32, #tpu.memory_space<vmem>>
      %dma_wait3A_263 = arith.constant 0 : i32
      %dma_wait3A_264 = arith.constant 0 : i32
      %dma_wait3A_265 = tpu.memref_slice %arg7[%dma_wait3A_263, %dma_wait3A_264] : memref<100352x8xf32, #tpu.memory_space<vmem_shared>> -> memref<100352x8xf32, #tpu.memory_space<vmem_shared>>
      tpu.wait_indirect_dma semaphore(%arg12 : memref<!tpu.dma_semaphore, #tpu.memory_space<semaphore_mem>>) src(%dma_wait3A_259 : memref<128x8xf32, #tpu.memory_space<vmem>>) dst(%dma_wait3A_265 : memref<100352x8xf32, #tpu.memory_space<vmem_shared>>)
      %dma_wait3A_266 = arith.constant 1 : i32
      %dma_wait3A_267 = arith.constant 128 : i32
      %dma_wait3A_268 = arith.constant 0 : i32
      %dma_wait3A_269 = tpu.memref_slice %arg10[%dma_wait3A_267, %dma_wait3A_268] : memref<1024x8xf32, #tpu.memory_space<vmem>> -> memref<128x8xf32, #tpu.memory_space<vmem>>
      %dma_wait3A_270 = arith.constant 0 : i32
      %dma_wait3A_271 = tpu.memref_slice %arg9[%dma_wait3A_266, %dma_wait3A_270] : memref<8x128xi32, #tpu.memory_space<vmem>> -> memref<1x128xi32, #tpu.memory_space<vmem>>
      %dma_wait3A_272 = tpu.memref_squeeze %dma_wait3A_271 : memref<1x128xi32, #tpu.memory_space<vmem>> -> memref<128xi32, #tpu.memory_space<vmem>>
      %dma_wait3A_273 = arith.constant 0 : i32
      %dma_wait3A_274 = arith.constant 0 : i32
      %dma_wait3A_275 = tpu.memref_slice %arg7[%dma_wait3A_273, %dma_wait3A_274] : memref<100352x8xf32, #tpu.memory_space<vmem_shared>> -> memref<100352x8xf32, #tpu.memory_space<vmem_shared>>
      tpu.wait_indirect_dma semaphore(%arg12 : memref<!tpu.dma_semaphore, #tpu.memory_space<semaphore_mem>>) src(%dma_wait3A_269 : memref<128x8xf32, #tpu.memory_space<vmem>>) dst(%dma_wait3A_275 : memref<100352x8xf32, #tpu.memory_space<vmem_shared>>)
      %dma_wait3A_276 = arith.constant 2 : i32
      %dma_wait3A_277 = arith.constant 256 : i32
      %dma_wait3A_278 = arith.constant 0 : i32
      %dma_wait3A_279 = tpu.memref_slice %arg10[%dma_wait3A_277, %dma_wait3A_278] : memref<1024x8xf32, #tpu.memory_space<vmem>> -> memref<128x8xf32, #tpu.memory_space<vmem>>
      %dma_wait3A_280 = arith.constant 0 : i32
      %dma_wait3A_281 = tpu.memref_slice %arg9[%dma_wait3A_276, %dma_wait3A_280] : memref<8x128xi32, #tpu.memory_space<vmem>> -> memref<1x128xi32, #tpu.memory_space<vmem>>
      %dma_wait3A_282 = tpu.memref_squeeze %dma_wait3A_281 : memref<1x128xi32, #tpu.memory_space<vmem>> -> memref<128xi32, #tpu.memory_space<vmem>>
      %dma_wait3A_283 = arith.constant 0 : i32
      %dma_wait3A_284 = arith.constant 0 : i32
      %dma_wait3A_285 = tpu.memref_slice %arg7[%dma_wait3A_283, %dma_wait3A_284] : memref<100352x8xf32, #tpu.memory_space<vmem_shared>> -> memref<100352x8xf32, #tpu.memory_space<vmem_shared>>
      tpu.wait_indirect_dma semaphore(%arg12 : memref<!tpu.dma_semaphore, #tpu.memory_space<semaphore_mem>>) src(%dma_wait3A_279 : memref<128x8xf32, #tpu.memory_space<vmem>>) dst(%dma_wait3A_285 : memref<100352x8xf32, #tpu.memory_space<vmem_shared>>)
      %dma_wait3A_286 = arith.constant 3 : i32
      %dma_wait3A_287 = arith.constant 384 : i32
      %dma_wait3A_288 = arith.constant 0 : i32
      %dma_wait3A_289 = tpu.memref_slice %arg10[%dma_wait3A_287, %dma_wait3A_288] : memref<1024x8xf32, #tpu.memory_space<vmem>> -> memref<128x8xf32, #tpu.memory_space<vmem>>
      %dma_wait3A_290 = arith.constant 0 : i32
      %dma_wait3A_291 = tpu.memref_slice %arg9[%dma_wait3A_286, %dma_wait3A_290] : memref<8x128xi32, #tpu.memory_space<vmem>> -> memref<1x128xi32, #tpu.memory_space<vmem>>
      %dma_wait3A_292 = tpu.memref_squeeze %dma_wait3A_291 : memref<1x128xi32, #tpu.memory_space<vmem>> -> memref<128xi32, #tpu.memory_space<vmem>>
      %dma_wait3A_293 = arith.constant 0 : i32
      %dma_wait3A_294 = arith.constant 0 : i32
      %dma_wait3A_295 = tpu.memref_slice %arg7[%dma_wait3A_293, %dma_wait3A_294] : memref<100352x8xf32, #tpu.memory_space<vmem_shared>> -> memref<100352x8xf32, #tpu.memory_space<vmem_shared>>
      tpu.wait_indirect_dma semaphore(%arg12 : memref<!tpu.dma_semaphore, #tpu.memory_space<semaphore_mem>>) src(%dma_wait3A_289 : memref<128x8xf32, #tpu.memory_space<vmem>>) dst(%dma_wait3A_295 : memref<100352x8xf32, #tpu.memory_space<vmem_shared>>)
      %dma_wait3A_296 = arith.constant 4 : i32
      %dma_wait3A_297 = arith.constant 512 : i32
      %dma_wait3A_298 = arith.constant 0 : i32
      %dma_wait3A_299 = tpu.memref_slice %arg10[%dma_wait3A_297, %dma_wait3A_298] : memref<1024x8xf32, #tpu.memory_space<vmem>> -> memref<128x8xf32, #tpu.memory_space<vmem>>
      %dma_wait3A_300 = arith.constant 0 : i32
      %dma_wait3A_301 = tpu.memref_slice %arg9[%dma_wait3A_296, %dma_wait3A_300] : memref<8x128xi32, #tpu.memory_space<vmem>> -> memref<1x128xi32, #tpu.memory_space<vmem>>
      %dma_wait3A_302 = tpu.memref_squeeze %dma_wait3A_301 : memref<1x128xi32, #tpu.memory_space<vmem>> -> memref<128xi32, #tpu.memory_space<vmem>>
      %dma_wait3A_303 = arith.constant 0 : i32
      %dma_wait3A_304 = arith.constant 0 : i32
      %dma_wait3A_305 = tpu.memref_slice %arg7[%dma_wait3A_303, %dma_wait3A_304] : memref<100352x8xf32, #tpu.memory_space<vmem_shared>> -> memref<100352x8xf32, #tpu.memory_space<vmem_shared>>
      tpu.wait_indirect_dma semaphore(%arg12 : memref<!tpu.dma_semaphore, #tpu.memory_space<semaphore_mem>>) src(%dma_wait3A_299 : memref<128x8xf32, #tpu.memory_space<vmem>>) dst(%dma_wait3A_305 : memref<100352x8xf32, #tpu.memory_space<vmem_shared>>)
      %dma_wait3A_306 = arith.constant 5 : i32
      %dma_wait3A_307 = arith.constant 640 : i32
      %dma_wait3A_308 = arith.constant 0 : i32
      %dma_wait3A_309 = tpu.memref_slice %arg10[%dma_wait3A_307, %dma_wait3A_308] : memref<1024x8xf32, #tpu.memory_space<vmem>> -> memref<128x8xf32, #tpu.memory_space<vmem>>
      %dma_wait3A_310 = arith.constant 0 : i32
      %dma_wait3A_311 = tpu.memref_slice %arg9[%dma_wait3A_306, %dma_wait3A_310] : memref<8x128xi32, #tpu.memory_space<vmem>> -> memref<1x128xi32, #tpu.memory_space<vmem>>
      %dma_wait3A_312 = tpu.memref_squeeze %dma_wait3A_311 : memref<1x128xi32, #tpu.memory_space<vmem>> -> memref<128xi32, #tpu.memory_space<vmem>>
      %dma_wait3A_313 = arith.constant 0 : i32
      %dma_wait3A_314 = arith.constant 0 : i32
      %dma_wait3A_315 = tpu.memref_slice %arg7[%dma_wait3A_313, %dma_wait3A_314] : memref<100352x8xf32, #tpu.memory_space<vmem_shared>> -> memref<100352x8xf32, #tpu.memory_space<vmem_shared>>
      tpu.wait_indirect_dma semaphore(%arg12 : memref<!tpu.dma_semaphore, #tpu.memory_space<semaphore_mem>>) src(%dma_wait3A_309 : memref<128x8xf32, #tpu.memory_space<vmem>>) dst(%dma_wait3A_315 : memref<100352x8xf32, #tpu.memory_space<vmem_shared>>)
      %dma_wait3A_316 = arith.constant 6 : i32
      %dma_wait3A_317 = arith.constant 768 : i32
      %dma_wait3A_318 = arith.constant 0 : i32
      %dma_wait3A_319 = tpu.memref_slice %arg10[%dma_wait3A_317, %dma_wait3A_318] : memref<1024x8xf32, #tpu.memory_space<vmem>> -> memref<128x8xf32, #tpu.memory_space<vmem>>
      %dma_wait3A_320 = arith.constant 0 : i32
      %dma_wait3A_321 = tpu.memref_slice %arg9[%dma_wait3A_316, %dma_wait3A_320] : memref<8x128xi32, #tpu.memory_space<vmem>> -> memref<1x128xi32, #tpu.memory_space<vmem>>
      %dma_wait3A_322 = tpu.memref_squeeze %dma_wait3A_321 : memref<1x128xi32, #tpu.memory_space<vmem>> -> memref<128xi32, #tpu.memory_space<vmem>>
      %dma_wait3A_323 = arith.constant 0 : i32
      %dma_wait3A_324 = arith.constant 0 : i32
      %dma_wait3A_325 = tpu.memref_slice %arg7[%dma_wait3A_323, %dma_wait3A_324] : memref<100352x8xf32, #tpu.memory_space<vmem_shared>> -> memref<100352x8xf32, #tpu.memory_space<vmem_shared>>
      tpu.wait_indirect_dma semaphore(%arg12 : memref<!tpu.dma_semaphore, #tpu.memory_space<semaphore_mem>>) src(%dma_wait3A_319 : memref<128x8xf32, #tpu.memory_space<vmem>>) dst(%dma_wait3A_325 : memref<100352x8xf32, #tpu.memory_space<vmem_shared>>)
      %dma_wait3A_326 = arith.constant 7 : i32
      %dma_wait3A_327 = arith.constant 896 : i32
      %dma_wait3A_328 = arith.constant 0 : i32
      %dma_wait3A_329 = tpu.memref_slice %arg10[%dma_wait3A_327, %dma_wait3A_328] : memref<1024x8xf32, #tpu.memory_space<vmem>> -> memref<128x8xf32, #tpu.memory_space<vmem>>
      %dma_wait3A_330 = arith.constant 0 : i32
      %dma_wait3A_331 = tpu.memref_slice %arg9[%dma_wait3A_326, %dma_wait3A_330] : memref<8x128xi32, #tpu.memory_space<vmem>> -> memref<1x128xi32, #tpu.memory_space<vmem>>
      %dma_wait3A_332 = tpu.memref_squeeze %dma_wait3A_331 : memref<1x128xi32, #tpu.memory_space<vmem>> -> memref<128xi32, #tpu.memory_space<vmem>>
      %dma_wait3A_333 = arith.constant 0 : i32
      %dma_wait3A_334 = arith.constant 0 : i32
      %dma_wait3A_335 = tpu.memref_slice %arg7[%dma_wait3A_333, %dma_wait3A_334] : memref<100352x8xf32, #tpu.memory_space<vmem_shared>> -> memref<100352x8xf32, #tpu.memory_space<vmem_shared>>
      tpu.wait_indirect_dma semaphore(%arg12 : memref<!tpu.dma_semaphore, #tpu.memory_space<semaphore_mem>>) src(%dma_wait3A_329 : memref<128x8xf32, #tpu.memory_space<vmem>>) dst(%dma_wait3A_335 : memref<100352x8xf32, #tpu.memory_space<vmem_shared>>)
    }
    %scan3A_8 = arith.constant 98 : i32
    %barrier3A_9 = arith.constant 0 : index
    tpu.barrier barrier_id(%barrier3A_9)
    "tpu.region"() ({
      %run_scoped3A = tpu.sem_alloc : memref<!tpu.dma_semaphore, #tpu.memory_space<semaphore_mem>>
      %dma_start3A = arith.constant 0 : i32
      %dma_start3A_10 = arith.constant 0 : i32
      %dma_start3A_11 = tpu.memref_slice %arg6[%arg0, %dma_start3A, %dma_start3A_10] : memref<2x100352x8xf32, #tpu.memory_space<hbm>> -> memref<1x100352x8xf32, #tpu.memory_space<hbm>>
      %dma_start3A_12 = tpu.memref_squeeze %dma_start3A_11 : memref<1x100352x8xf32, #tpu.memory_space<hbm>> -> memref<100352x8xf32, #tpu.memory_space<hbm>>
      %dma_start3A_13 = arith.constant 0 : i32
      %dma_start3A_14 = tpu.memref_slice %dma_start3A_12[%mul3A_2, %dma_start3A_13] : memref<100352x8xf32, #tpu.memory_space<hbm>> -> memref<6272x8xf32, #tpu.memory_space<hbm>>
      %dma_start3A_15 = arith.constant 0 : i32
      %dma_start3A_16 = tpu.memref_slice %arg7[%mul3A_2, %dma_start3A_15] : memref<100352x8xf32, #tpu.memory_space<vmem_shared>> -> memref<6272x8xf32, #tpu.memory_space<vmem_shared>>
      tpu.enqueue_dma source(%dma_start3A_16 : memref<6272x8xf32, #tpu.memory_space<vmem_shared>>) target(%dma_start3A_14 : memref<6272x8xf32, #tpu.memory_space<hbm>>) target_semaphore(%run_scoped3A : memref<!tpu.dma_semaphore, #tpu.memory_space<semaphore_mem>>)
      %dma_wait3A = arith.constant 0 : i32
      %dma_wait3A_17 = arith.constant 0 : i32
      %dma_wait3A_18 = tpu.memref_slice %arg6[%arg0, %dma_wait3A, %dma_wait3A_17] : memref<2x100352x8xf32, #tpu.memory_space<hbm>> -> memref<1x100352x8xf32, #tpu.memory_space<hbm>>
      %dma_wait3A_19 = tpu.memref_squeeze %dma_wait3A_18 : memref<1x100352x8xf32, #tpu.memory_space<hbm>> -> memref<100352x8xf32, #tpu.memory_space<hbm>>
      %dma_wait3A_20 = arith.constant 0 : i32
      %dma_wait3A_21 = tpu.memref_slice %dma_wait3A_19[%mul3A_2, %dma_wait3A_20] : memref<100352x8xf32, #tpu.memory_space<hbm>> -> memref<6272x8xf32, #tpu.memory_space<hbm>>
      %dma_wait3A_22 = arith.constant 0 : i32
      %dma_wait3A_23 = tpu.memref_slice %arg7[%mul3A_2, %dma_wait3A_22] : memref<100352x8xf32, #tpu.memory_space<vmem_shared>> -> memref<6272x8xf32, #tpu.memory_space<vmem_shared>>
      tpu.wait_dma2 semaphore(%run_scoped3A : memref<!tpu.dma_semaphore, #tpu.memory_space<semaphore_mem>>) src(%dma_wait3A_23 : memref<6272x8xf32, #tpu.memory_space<vmem_shared>>) dst(%dma_wait3A_21 : memref<6272x8xf32, #tpu.memory_space<hbm>>)
      tpu.yield
    }) : () -> ()
    return
  }
}

module attributes {stable_mosaic.version = 14 : i64} {
  func.func @_mid_body(%arg0: i32, %arg1: memref<2x2048xf32, #tpu.memory_space<vmem>>, %arg2: memref<1x2048xf32, #tpu.memory_space<vmem>>) attributes {dimension_semantics = [#tpu.dimension_semantics<arbitrary>], iteration_bounds = array<i64: 98>, scalar_prefetch = 0 : i64, scratch_operands = 0 : i64, tpu.core_type = #tpu.core_type<tc>, window_params = [{transform_indices = @transform_0, window_bounds = array<i64: 2, 2048>}, {transform_indices = @transform_1, window_bounds = array<i64: 1, 2048>}]} {
    %get3A = arith.constant 0 : index
    %get3A_0 = arith.constant 0 : index
    %get3A_1 = vector.load %arg1[%get3A, %get3A_0] : memref<2x2048xf32, #tpu.memory_space<vmem>>, vector<1x2048xf32>
    %get3A_2 = arith.constant 1 : index
    %get3A_3 = arith.constant 0 : index
    %get3A_4 = vector.load %arg1[%get3A_2, %get3A_3] : memref<2x2048xf32, #tpu.memory_space<vmem>>, vector<1x2048xf32>
    %add3A = arith.addf %get3A_1, %get3A_4 : vector<1x2048xf32>
    %swap3A = arith.constant 0 : index
    %swap3A_5 = arith.constant 0 : index
    %swap3A_6 = vector.load %arg2[%swap3A, %swap3A_5] : memref<1x2048xf32, #tpu.memory_space<vmem>>, vector<1x2048xf32>
    tpu.vector_store %arg2[%swap3A, %swap3A_5], %add3A {strides = array<i32>} : memref<1x2048xf32, #tpu.memory_space<vmem>>, vector<1x2048xf32>,
    return
  }
  func.func @transform_0(%arg0: i32) -> (i32, i32) {
    %c0_i32 = arith.constant 0 : i32
    %c0_i32_0 = arith.constant 0 : i32
    return %c0_i32, %arg0 : i32, i32
  }
  func.func @transform_1(%arg0: i32) -> (i32, i32) {
    %c0_i32 = arith.constant 0 : i32
    %c0_i32_0 = arith.constant 0 : i32
    return %c0_i32, %arg0 : i32, i32
  }
}

module attributes {stable_mosaic.version = 14 : i64} {
  func.func @_epi_body(%arg0: i32, %arg1: memref<8x512xf32, #tpu.memory_space<vmem>>, %arg2: memref<3x4xf32, #tpu.memory_space<vmem>>, %arg3: memref<4x512xf32, #tpu.memory_space<vmem>>, %arg4: memref<4x512xf32, #tpu.memory_space<vmem>>, %arg5: memref<1x512xf32, #tpu.memory_space<vmem>>, %arg6: memref<1x512xf32, #tpu.memory_space<vmem>>, %arg7: memref<2x512xf32, #tpu.memory_space<vmem>>) attributes {dimension_semantics = [#tpu.dimension_semantics<arbitrary>], iteration_bounds = array<i64: 196>, scalar_prefetch = 0 : i64, scratch_operands = 0 : i64, tpu.core_type = #tpu.core_type<tc>, window_params = [{transform_indices = @transform_0, window_bounds = array<i64: 8, 512>}, {pipeline_mode = #tpu.pipeline_mode<synchronous>, transform_indices = @transform_1, window_bounds = array<i64: 3, 4>}, {transform_indices = @transform_2, window_bounds = array<i64: 4, 512>}, {transform_indices = @transform_3, window_bounds = array<i64: 4, 512>}, {transform_indices = @transform_4, window_bounds = array<i64: 1, 512>}, {transform_indices = @transform_5, window_bounds = array<i64: 1, 512>}, {transform_indices = @transform_6, window_bounds = array<i64: 2, 512>}]} {
    %get3A = arith.constant 0 : index
    %get3A_0 = arith.constant 0 : index
    %get3A_1 = vector.load %arg2[%get3A, %get3A_0] : memref<3x4xf32, #tpu.memory_space<vmem>>, vector<3x4xf32>
    %get3A_2 = arith.constant 0 : index
    %get3A_3 = arith.constant 0 : index
    %get3A_4 = vector.load %arg1[%get3A_2, %get3A_3] : memref<8x512xf32, #tpu.memory_space<vmem>>, vector<8x512xf32>
    %reshape3A = vector.shape_cast %get3A_4 : vector<8x512xf32> to vector<2x4x512xf32>
    %slice3A = vector.extract_strided_slice %get3A_1 {offsets = [0, 0], sizes = [1, 4], strides = [1, 1]} : vector<3x4xf32> to vector<1x4xf32>
    %squeeze3A = vector.shape_cast %slice3A : vector<1x4xf32> to vector<4xf32>
    %broadcast_in_dim3A = vector.shape_cast %squeeze3A : vector<4xf32> to vector<1x4x1xf32>
    %mul3A = vector.broadcast %broadcast_in_dim3A : vector<1x4x1xf32> to vector<2x4x512xf32>
    %mul3A_5 = arith.mulf %reshape3A, %mul3A : vector<2x4x512xf32>
    %reduce_sum3A = arith.constant dense<0.000000e+00> : vector<2x512xf32>
    %reduce_sum3A_6 = vector.multi_reduction <add>, %mul3A_5, %reduce_sum3A [1] : vector<2x4x512xf32> to vector<2x512xf32>
    %get3A_7 = arith.constant 0 : index
    %get3A_8 = arith.constant 0 : index
    %get3A_9 = vector.load %arg3[%get3A_7, %get3A_8] : memref<4x512xf32, #tpu.memory_space<vmem>>, vector<2x512xf32>
    %add3A = arith.addf %reduce_sum3A_6, %get3A_9 : vector<2x512xf32>
    %get3A_10 = arith.constant 2 : index
    %get3A_11 = arith.constant 0 : index
    %get3A_12 = vector.load %arg3[%get3A_10, %get3A_11] : memref<4x512xf32, #tpu.memory_space<vmem>>, vector<2x512xf32>
    %add3A_13 = arith.addf %add3A, %get3A_12 : vector<2x512xf32>
    %get3A_14 = arith.constant 0 : index
    %get3A_15 = arith.constant 0 : index
    %get3A_16 = vector.load %arg4[%get3A_14, %get3A_15] : memref<4x512xf32, #tpu.memory_space<vmem>>, vector<2x512xf32>
    %add3A_17 = arith.addf %add3A_13, %get3A_16 : vector<2x512xf32>
    %get3A_18 = arith.constant 2 : index
    %get3A_19 = arith.constant 0 : index
    %get3A_20 = vector.load %arg4[%get3A_18, %get3A_19] : memref<4x512xf32, #tpu.memory_space<vmem>>, vector<2x512xf32>
    %add3A_21 = arith.addf %add3A_17, %get3A_20 : vector<2x512xf32>
    %get3A_22 = arith.constant 0 : index
    %get3A_23 = arith.constant 0 : index
    %get3A_24 = vector.load %arg5[%get3A_22, %get3A_23] : memref<1x512xf32, #tpu.memory_space<vmem>>, vector<1x512xf32>
    %get3A_25 = arith.constant 0 : index
    %get3A_26 = arith.constant 0 : index
    %get3A_27 = vector.load %arg6[%get3A_25, %get3A_26] : memref<1x512xf32, #tpu.memory_space<vmem>>, vector<1x512xf32>
    %sin3A = math.sin %get3A_27 : vector<1x512xf32>
    %mul3A_28 = arith.mulf %get3A_24, %sin3A : vector<1x512xf32>
    %tanh3A = math.tanh %add3A_21 : vector<2x512xf32>
    %add3A_29 = vector.broadcast %mul3A_28 : vector<1x512xf32> to vector<2x512xf32>
    %add3A_30 = arith.addf %tanh3A, %add3A_29 : vector<2x512xf32>
    %swap3A = arith.constant 0 : index
    %swap3A_31 = arith.constant 0 : index
    %swap3A_32 = vector.load %arg7[%swap3A, %swap3A_31] : memref<2x512xf32, #tpu.memory_space<vmem>>, vector<2x512xf32>
    tpu.vector_store %arg7[%swap3A, %swap3A_31], %add3A_30 {strides = array<i32>} : memref<2x512xf32, #tpu.memory_space<vmem>>, vector<2x512xf32>,
    return
  }
  func.func @transform_0(%arg0: i32) -> (i32, i32) {
    %c0_i32 = arith.constant 0 : i32
    %c0_i32_0 = arith.constant 0 : i32
    return %c0_i32, %arg0 : i32, i32
  }
  func.func @transform_1(%arg0: i32) -> (i32, i32) {
    %c0_i32 = arith.constant 0 : i32
    %c0_i32_0 = arith.constant 0 : i32
    %c0_i32_1 = arith.constant 0 : i32
    return %c0_i32, %c0_i32_0 : i32, i32
  }
  func.func @transform_2(%arg0: i32) -> (i32, i32) {
    %c0_i32 = arith.constant 0 : i32
    %c0_i32_0 = arith.constant 0 : i32
    return %c0_i32, %arg0 : i32, i32
  }
  func.func @transform_3(%arg0: i32) -> (i32, i32) {
    %c0_i32 = arith.constant 0 : i32
    %c0_i32_0 = arith.constant 0 : i32
    return %c0_i32, %arg0 : i32, i32
  }
  func.func @transform_4(%arg0: i32) -> (i32, i32) {
    %c0_i32 = arith.constant 0 : i32
    %c0_i32_0 = arith.constant 0 : i32
    return %c0_i32, %arg0 : i32, i32
  }
  func.func @transform_5(%arg0: i32) -> (i32, i32) {
    %c0_i32 = arith.constant 0 : i32
    %c0_i32_0 = arith.constant 0 : i32
    return %c0_i32, %arg0 : i32, i32
  }
  func.func @transform_6(%arg0: i32) -> (i32, i32) {
    %c0_i32 = arith.constant 0 : i32
    %c0_i32_0 = arith.constant 0 : i32
    return %c0_i32, %arg0 : i32, i32
  }
}

</mosaic_0001>

<sc_bundles>
// kernel: sine_gpvar_hop8.4.cloned.1.call-start
scs
__scs_entry_jumppad:
0x0: {  	(pc) =	sbr.rel $0x88, $3  }
0x1: {  	(tag) =	ssettag $0x0;
	lr =	simm.s32 $0x1  }
0x2: {  	[smem:$0x3F9C] =	sst lr;
	_ =	strace $0xD0000000  }
0x3: {  	_ = 	snop  }
0x4: {  	_ = 	snop  }
0x5: {  	_ = 	snop  }
0x6: {  	_ = 	snop  }
0x7: {  	_ = 	snop  }
__scs_overlays_trampoline_lowered:
0x8: {  	[smem:$0x3FAB] =	sst s0  }
0x9: {  	[smem:$0x3FAC] =	sst s1  }
0xa: {  	[smem:$0x3FAD] =	sst s2  }
0xb: {  	[smem:$0x3FAE] =	sst s3  }
0xc: {  	[smem:$0x3FAF] =	sst s4  }
0xd: {  	[smem:$0x3FB0] =	sst s5  }
0xe: {  	[smem:$0x3FB1] =	sst s6  }
0xf: {  	[smem:$0x3FB2] =	sst s7  }
0x10: {  	[smem:$0x3FB3] =	sst s8  }
0x11: {  	[smem:$0x3FB4] =	sst s9;
	s0 =	simm.s32 @!p0 $0x0  }
0x12: {  	s1 =	sld [smem:$0x3F9A];
	s0 =	simm.s32 @p0 $0x1  }
0x13: {  	[smem:$0x3FB5] =	sst s0;
	s0 =	simm.s32 @!p1 $0x0  }
0x14: {  	s2 =	sld [smem:$0x3F99];
	s0 =	simm.s32 @p1 $0x1  }
0x15: {  	[smem:$0x3FB6] =	sst s0;
	s0 =	simm.s32 @!p2 $0x0  }
0x16: {  	s3 =	sld [smem:$0x3FDB];
	s0 =	simm.s32 @p2 $0x1  }
0x17: {  	s4 =	simm.s32 $0x1BF5;
	[smem:$0x3FB8] =	sst s0  }
0x18: {  	s0 =	sld [smem:$0x3F9B];
	_ =	swait.ge [sflag:s4], $0x0  }
0x19: {  	s7 =	sld [smem:$0x3F9C]  }
0x1a: {  	s8 =	sadd.s32 $0xFFFFE003, lr  }
0x1b: {  	s9 =	sadd.s32 $0xFFFFFEF7, lr;
	s5 =	simm.s32 $0xFFFFFFFF;
	p2 =	slt.u32 s8, $0xFFFFF086  }
0x1c: {  	p1 =	slt.u32 s9, $0xF7A;
	s5 =	simm.s32 @!p2 $0x0  }
0x1d: {  	s5 =	simm.s32 @p1 $0x1;
	p0 =	seq.s32 s7, s2  }
0x1e: {  	s7 =	smul.u32 @!p0 $0xF7A, s2;
	p2 =	seq.s32 @!p0 s5, $0x0  }
0x1f: {  	s9 =	smul.u32 $0xF7A, s1;
	s8 =	simm.s32 @!p0 $0x1BF5;
	p2 =	por !p2, p0  }
0x20: {  	[sflag:s8] =	ssyncset.s32 @!p0 $0xFFFFF086;
	s6 =	sadd.s32 @!p0 s3, s7;
	s7 =	simm.s32 @!p0 $0x108  }
0x21: {  	s3 =	sadd.s32 s3, s9;
	s6 =	sadd.s32 @!p0 $0x88, s6;
	s7 =	simm.s32 @p2 $0x1082  }
0x22: {  	[simem:s7], [sflag:s8] =	dma.local @!p0 [hbm:s6], $0xF7A  }
0x23: {  	s9 =	sor.u32 $0xD0000000, s2;
	s6 =	simm.s32 $0x108;
	_ =	swait.ge @!p0 [sflag:s8], $0x0  }
0x24: {  	s3 =	sadd.s32 $0x88, s3;
	s6 =	simm.s32 @!p1 $0x1082;
	[sflag:s4] =	ssyncset.s32 $0xFFFFF086  }
0x25: {  	[simem:s6], [sflag:s4] =	dma.local [hbm:s3], $0xF7A  }
0x26: {  	[smem:$0x3F9C] =	sst s1;
	(tag) =	ssettag s2;
	_ =	strace s9  }
0x27: {  	s1 =	sld [smem:$0x3FAC]  }
0x28: {  	s2 =	sld [smem:$0x3FAD]  }
0x29: {  	s4 =	sld [smem:$0x3FAF]  }
0x2a: {  	p0 =	seq.s32 s5, $0x0;
	s5 =	sld [smem:$0x3FB0]  }
0x2b: {  	s6 =	sld [smem:$0x3FB1]  }
0x2c: {  	s7 =	sld [smem:$0x3FB2]  }
0x2d: {  	s3 =	simm.s32 $0x108;
	s8 =	sld [smem:$0x3FB3]  }
0x2e: {  	s3 =	simm.s32 @!p0 $0x1082;
	s9 =	sld [smem:$0x3FB4]  }
0x2f: {  	lr =	sadd.s32 s0, s3;
	s0 =	sld [smem:$0x3FAB]  }
0x30: {  	s3 =	sld [smem:$0x3FAE]  }
0x31: {  	[smem:$0x3FB7] =	sst s10  }
0x32: {  	s10 =	sld [smem:$0x3FB5];
	_ =	sdelay $0x3  }
0x33: {  	p0 =	seq.s32 s10, $0x1;
	s10 =	sld [smem:$0x3FB7];
	_ =	sdelay $0x3  }
0x34: {  	[smem:$0x3FB7] =	sst s10  }
0x35: {  	s10 =	sld [smem:$0x3FB6];
	_ =	sdelay $0x3  }
0x36: {  	p1 =	seq.s32 s10, $0x1;
	s10 =	sld [smem:$0x3FB7];
	_ =	sdelay $0x3  }
0x37: {  	[smem:$0x3FB7] =	sst s10  }
0x38: {  	s10 =	sld [smem:$0x3FB8]  }
0x39: {  	_ = 	snop;
	(pc) =	sbr.ind lr, $3  }
0x3a: {  	_ = 	snop  }
0x3b: {  	_ = 	snop  }
0x3c: {  	p2 =	seq.s32 s10, $0x1;
	s10 =	sld [smem:$0x3FB7]  }
0x3d: {  	_ =	shalt  }
0x3e: {  	_ =	shalt  }
0x3f: {  	_ =	shalt  }
0x40: {  	_ =	shalt  }
0x41: {  	_ =	shalt  }
0x42: {  	_ =	shalt  }
0x43: {  	_ =	shalt  }
0x44: {  	_ =	shalt  }
0x45: {  	_ =	shalt  }
0x46: {  	_ =	shalt  }
0x47: {  	_ =	shalt  }
0x48: {  	_ =	shalt  }
0x49: {  	_ =	shalt  }
0x4a: {  	_ =	shalt  }
0x4b: {  	_ =	shalt  }
0x4c: {  	_ =	shalt  }
0x4d: {  	_ =	shalt  }
0x4e: {  	_ =	shalt  }
0x4f: {  	_ =	shalt  }
0x50: {  	_ =	shalt  }
0x51: {  	_ =	shalt  }
0x52: {  	_ =	shalt  }
0x53: {  	_ =	shalt  }
0x54: {  	_ =	shalt  }
0x55: {  	_ =	shalt  }
0x56: {  	_ =	shalt  }
0x57: {  	_ =	shalt  }
0x58: {  	_ =	shalt  }
0x59: {  	_ =	shalt  }
0x5a: {  	_ =	shalt  }
0x5b: {  	_ =	shalt  }
0x5c: {  	_ =	shalt  }
0x5d: {  	_ =	shalt  }
0x5e: {  	_ =	shalt  }
0x5f: {  	_ =	shalt  }
0x60: {  	_ =	shalt  }
0x61: {  	_ =	shalt  }
0x62: {  	_ =	shalt  }
0x63: {  	_ =	shalt  }
0x64: {  	_ =	shalt  }
0x65: {  	_ =	shalt  }
0x66: {  	_ =	shalt  }
0x67: {  	_ =	shalt  }
0x68: {  	_ =	shalt  }
0x69: {  	_ =	shalt  }
0x6a: {  	_ =	shalt  }
0x6b: {  	_ =	shalt  }
0x6c: {  	_ =	shalt  }
0x6d: {  	_ =	shalt  }
0x6e: {  	_ =	shalt  }
0x6f: {  	_ =	shalt  }
0x70: {  	_ =	shalt  }
0x71: {  	_ =	shalt  }
0x72: {  	_ =	shalt  }
0x73: {  	_ =	shalt  }
0x74: {  	_ =	shalt  }
0x75: {  	_ =	shalt  }
0x76: {  	_ =	shalt  }
0x77: {  	_ =	shalt  }
0x78: {  	_ =	shalt  }
0x79: {  	_ =	shalt  }
0x7a: {  	_ =	shalt  }
0x7b: {  	_ =	shalt  }
0x7c: {  	_ =	shalt  }
0x7d: {  	_ =	shalt  }
0x7e: {  	_ =	shalt  }
0x7f: {  	_ =	shalt  }
0x80: {  	_ =	shalt  }
0x81: {  	_ =	shalt  }
0x82: {  	_ =	shalt  }
0x83: {  	_ =	shalt  }
0x84: {  	_ =	shalt  }
0x85: {  	_ =	shalt  }
0x86: {  	_ =	shalt  }
0x87: {  	_ =	shalt  }
.Lfunc_end0:
.L_simem_size_0:
called_computation.1_lowered:
.L_overlay_start_0:
0x88: {  	s2 =	sld [smem:$0x3FD9]  }
0x89: {  	s3 =	sld [smem:$0x3FFE];
	_ =	sdelay $0x1  }
0x8a: {  	s1 =	srdreg.scid  }
0x8b: {  	s0 =	sand.u32 $0x1, s1  }
0x8c: {  	s17 =	sshll.u32 s0, $0xA;
	s2 =	sadd.s32 s3, s2  }
0x8d: {  	s2 =	sadd.s32 s2, s17  }
0x8e: {  	[smem:$0x3FC3] =	sst s2  }
0x8f: {  	_ = 	snop  }
0x90: {  	s2 =	sld [smem:$0x3FD0];
	(tm) =	ssettm $0x1  }
0x91: {  	s18 =	sld [smem:$0x3FFB];
	_ =	sdelay $0x3  }
0x92: {  	_ =	strace s18  }
0x93: {  	s3 =	sld [smem:$0x3FFC];
	_ =	sdelay $0x3  }
0x94: {  	_ =	strace s3  }
0x95: {  	s3 =	sld [smem:$0x3FFD];
	_ =	sdelay $0x3  }
0x96: {  	_ =	strace s3  }
0x97: {  	_ =	strace $0x8FFFFFFF  }
0x98: {  	s19 =	sld [smem:$0x3FDB];
	_ =	sdelay $0x1  }
0x99: {  	s4 =	simm.s32 $_scs_section_size  }
0x9a: {  	s5 =	simm.s32 $_size__tile_overlayer_lowered;
	s6 =	simm.s32 $_tile_overlayer_lowered  }
0x9b: {  	s22 =	simm.s32 $0x1BFF;
	s21 =	sshll.u32 s6, $0x1;
	s3 =	sadd.s32 s4, s19  }
0x9c: {  	s7 =	simm.s32 $0x0;
	s20 =	sshll.u32 s5, $0x1;
	s5 =	sadd.s32 s21, s3  }
0x9d: {  	[timem:s7], [sflag:s22] =	dma.local [hbm:s5], s20  }
0x9e: {  	_ =	swait.ge [sflag:s22], s20  }
0x9f: {  	s4 =	ssub.s32 $0x0, s20;
	[sflag:s22] =	ssyncset.done $0x0  }
0xa0: {  	[sflag:s22] =	ssyncadd.s32 s4;
	_ =	sdelay $0x1  }
0xa1: {  	s23 =	simm.s32 $0x1B8B  }
0xa2: {  	_ =	swait.ge [sflag:s23], $0x1  }
0xa3: {  	[sflag:s23] =	ssyncset.done $0x0  }
0xa4: {  	s25 =	simm.s32 $0x1B8E;
	s24 =	sld [smem:$0x3FFE];
	[sflag:s23] =	ssyncadd.s32 $0xFFFFFFFF  }
0xa5: {  	s26 =	simm.s32 $execute0_lowered;
	[smem:$0x3FD2] =	sst s25  }
0xa6: {  	s5 =	sshll.u32 s26, $0x1;
	_ =	strace $0x80000049;
	[dreg:$0x1] =	wrdreg $0xFFFFFFFF  }
0xa7: {  	s28 =	simm.s32 $_size_execute0_lowered;
	s3 =	sadd.s32 s3, s5;
	[dreg:$0x0] =	wrdreg $0x0  }
0xa8: {  	s5 =	sshll.u32 s28, $0x1;
	[dreg:$0x2] =	wrdreg s3  }
0xa9: {  	[dreg:$0x3] =	wrdreg s5  }
0xaa: {  	[dreg:$0x4] =	wrdreg $0xC0  }
0xab: {  	_ =	task [dreg:s7], $0x5FFFF  }
0xac: {  	[dreg:$0x1] =	wrdreg $0xFFFFFFFF  }
0xad: {  	[dreg:$0x0] =	wrdreg $0x60  }
0xae: {  	[dreg:$0x2] =	wrdreg s24  }
0xaf: {  	[dreg:$0x3] =	wrdreg s2  }
0xb0: {  	[dreg:$0x4] =	wrdreg $0x0  }
0xb1: {  	[dreg:$0x5] =	wrdreg $0x9  }
0xb2: {  	_ =	task.clear_ibuf [dreg:s7], $0x6FFFF;
	_ =	strace $0x90000049  }
0xb3: {  	s29 =	simm.s32 $0x9;
	_ =	strace $0x8000004B  }
0xb4: {  	_ =	swait.ge [sflag:s29], $0x1  }
0xb5: {  	[sflag:s29] =	ssyncadd.s32 $0xFFFFFFFF  }
0xb6: {  	_ =	strace $0x9000004B  }
0xb7: {  	_ =	sfence  }
0xb8: {  	s30 =	sld [smem:$0x0];
	_ =	sdelay $0x2  }
0xb9: {  	s31 =	sshll.u32 s1, $0xD;
	s1 =	sshrl.u32 s1, $0x2  }
0xba: {  	s3 =	sand.u32 $0x4000, s31;
	s1 =	sadd.s32 s1, s30  }
0xbb: {  	s0 =	sor.u32 s3, s0;
	s1 =	sshll.u32 s1, $0x11  }
0xbc: {  	s0 =	sor.u32 s1, s0  }
0xbd: {  	s0 =	sadd.s32 $0x8F2B, s0  }
0xbe: {  	[sflag:s0] =	ssyncadd.remote.s32 $0x1  }
0xbf: {  	_ =	sfence.sel $0xFFFF  }
0xc0: {  	[dreg:$0x0] =	wrdreg $0xFFFFFFFF;
	(pc) =	sbr.abs _section_cstart, $3  }
0xc1: {  	[dreg:$0x1] =	wrdreg $0xFFFFFFFF  }
0xc2: {  	_ =	task.clear_ibuf [dreg:s7], $0x2FFFF;
	_ =	strace $0x9FFFFFFF  }
0xc3: {  	(tm) =	ssettm $0x7FFFFFFF  }
tec
execute0_lowered:
.L_overlay_start_1:
0x0: {  	(tag) =	ssettag $0x1  }
0x1: {  	s0 =	rddreg [dreg:$0x0];
	s1 =	srdreg.scid  }
0x2: {  	s8 =	stileid.u32;
	s3 =	rddreg [dreg:$0x2];
	s4 =	simm.s32 $0x0  }
0x3: {  	s9 =	simm.s32 $0x3;
	s10 =	simm.s32 $0xC400;
	s11 =	simm.s32 $0xC800  }
0x4: {  	s22 =	simm.s32 $0xC480;
	s12 =	simm.s32 $0x80;
	s23 =	simm.s32 $0xC500  }
0x5: {  	s13 =	simm.s32 $0xCC00;
	s25 =	simm.s32 $0xC580;
	s14 =	simm.s32 $0xD000  }
0x6: {  	s26 =	simm.s32 $0xC600;
	s15 =	simm.s32 $0xD400;
	s16 =	simm.s32 $0xD800  }
0x7: {  	s17 =	simm.s32 $0xDC00;
	s28 =	simm.s32 $0xC900;
	s29 =	simm.s32 $0xC980  }
0x8: {  	s30 =	simm.s32 $0xCA00;
	s31 =	simm.s32 $0xCA80;
	[smem:$0x7FF] =	sst s4  }
0x9: {  	s5 =	smul.u32 $0x31000, s8;
	_ =	strace $0x8000004A;
	[dreg:$0x6] =	wrdreg s22  }
0xa: {  	s1 =	sand.u32 $0x1, s1;
	s7 =	smul.u32 $0xC400, s8;
	[dreg:$0x7] =	wrdreg s23  }
0xb: {  	s8 =	sshll.u32 s8, $0x6;
	s2 =	smul.u32 $0x18800, s1;
	[dreg:$0x8] =	wrdreg s25  }
0xc: {  	s1 =	ssub.s32 $0x2, s1;
	s24 =	sor.u32 $0x1C03, s8;
	[dreg:$0x9] =	wrdreg s26  }
0xd: {  	s22 =	simm.s32 $0xC780;
	s23 =	simm.s32 $0xE800;
	s25 =	simm.s32 $0x1  }
0xe: {  	s26 =	simm.s32 $0xC880;
	s18 =	sshrl.u32 s1, $0x1;
	s19 =	sadd.s32 s7, s3  }
0xf: {  	s7 =	sshrl.u32 s7, $0x3;
	[dreg:$0xa] =	wrdreg s24;
	s6 =	sadd.s32 s2, s5  }
0x10: {  	s5 =	sadd.s32 $0x18E00, s0;
	s1 =	ssub.s32 s1, s18;
	s8 =	sshrl.u32 s19, $0x3  }
0x11: {  	s18 =	simm.s32 $0xC680;
	s19 =	simm.s32 $0xE000;
	s6 =	sshrl.u32 s6, $0x3  }
0x12: {  	s1 =	smax.u32 s1, $0x1;
	[dreg:$0xc] =	wrdreg s8;
	s6 =	sadd.s32 s6, s0  }
0x13: {  	s0 =	sadd.s32 s2, s0;
	[dreg:$0xb] =	wrdreg s1;
	s20 =	sadd.s32 $0x9FA00, s6  }
0x14: {  	s1 =	simm.s32 $0xCB00;
	s21 =	sadd.s32 $0x3DA00, s6;
	[dreg:$0x4] =	wrdreg s20  }
0x15: {  	s2 =	simm.s32 $0x2;
	s0 =	sadd.s32 $0x101A00, s0;
	[dreg:$0x5] =	wrdreg s21  }
0x16: {  	s20 =	simm.s32 $0xC700;
	s21 =	simm.s32 $0xE400;
	s0 =	sadd.s32 s7, s0  }
0x17: {  	s7 =	simm.s32 $0x0;
	[dreg:$0xd] =	wrdreg s0;
	s0 =	simm.s32 $0xCB80  }
.LBB2_1:
0x18: {  	[dreg:$0xe] =	wrdreg s7  }
0x19: {  	s6 =	rddreg [dreg:$0x1]  }
0x1a: {  	[spmem:s8], [sflag:s24] =	dma.local [hbm:s6], $0x1880  }
0x1b: {  	_ =	swait.ge [sflag:s9], $0x1880  }
0x1c: {  	[sflag:s9] =	ssyncset.done $0x0  }
0x1d: {  	[sflag:s9] =	ssyncadd.s32 $0xFFFFE780  }
0x1e: {  	[bflag:$0x0] =	sbarrier.arrive $0xFFFF  }
0x1f: {  	s24 =	rddreg [dreg:$0x5]  }
0x20: {  	s6 =	sadd.s32 $0x0, s24  }
0x21: {  	[tilespmem:s10], [sflag:$0x3] =	stream.linear.gather [hbm4b:s6+s4], $0x400, $0x38;
	[tilespmem:$0xEC00] =	vst v63  }
0x22: {  	_ =	swait.ge [sflag:s9], $0x400  }
0x23: {  	s7 =	rddreg [dreg:$0x4];
	[sflag:s9] =	ssyncset.done $0x0  }
0x24: {  	[sflag:s9] =	ssyncadd.s32 $0xFFFFFC00;
	s6 =	sadd.s32 $0x0, s7  }
0x25: {  	[tilespmem:s11], [sflag:$0x3] =	stream.linear.gather [hbm4b:s6+s4], $0x400, $0x38;
	[tilespmem:$0xEC00] =	vst v63  }
0x26: {  	_ =	swait.ge [sflag:s9], $0x400  }
0x27: {  	[sflag:s9] =	ssyncset.done $0x0  }
0x28: {  	[sflag:s9] =	ssyncadd.s32 $0xFFFFFC00  }
0x29: {  	[tilespmem:s13], [sflag:$0x1] =	stream.indirect.gather [hbm4b:s5+s12], $0x8, s10, s12, $0xb8;
	[tilespmem:$0xEC00] =	vst v63  }
0x2a: {  	s8 =	rddreg [dreg:$0x6]  }
0x2b: {  	[tilespmem:s14], [sflag:$0x1] =	stream.indirect.gather [hbm4b:s5+s12], $0x8, s8, s12, $0xb8;
	[tilespmem:$0xEC00] =	vst v63  }
0x2c: {  	s24 =	rddreg [dreg:$0x7]  }
0x2d: {  	[tilespmem:s15], [sflag:$0x1] =	stream.indirect.gather [hbm4b:s5+s12], $0x8, s24, s12, $0xb8;
	[tilespmem:$0xEC00] =	vst v63  }
0x2e: {  	s7 =	rddreg [dreg:$0x8]  }
0x2f: {  	[tilespmem:s16], [sflag:$0x1] =	stream.indirect.gather [hbm4b:s5+s12], $0x8, s7, s12, $0xb8;
	[tilespmem:$0xEC00] =	vst v63  }
0x30: {  	s24 =	rddreg [dreg:$0x9]  }
0x31: {  	[tilespmem:s17], [sflag:$0x1] =	stream.indirect.gather [hbm4b:s5+s12], $0x8, s24, s12, $0xb8;
	[tilespmem:$0xEC00] =	vst v63  }
0x32: {  	_ = 	snop  }
0x33: {  	[tilespmem:s19], [sflag:$0x1] =	stream.indirect.gather [hbm4b:s5+s12], $0x8, s18, s12, $0xb8;
	[tilespmem:$0xEC00] =	vst v63  }
0x34: {  	_ = 	snop  }
0x35: {  	[tilespmem:s21], [sflag:$0x1] =	stream.indirect.gather [hbm4b:s5+s12], $0x8, s20, s12, $0xb8;
	[tilespmem:$0xEC00] =	vst v63  }
0x36: {  	_ = 	snop  }
0x37: {  	[tilespmem:s23], [sflag:$0x1] =	stream.indirect.gather [hbm4b:s5+s12], $0x8, s22, s12, $0xb8;
	[tilespmem:$0xEC00] =	vst v63  }
0x38: {  	_ =	swait.ge [sflag:s25], $0x400  }
0x39: {  	[sflag:s25] =	ssyncset.done $0x0  }
0x3a: {  	[sflag:s25] =	ssyncadd.s32 $0xFFFFFC00  }
0x3b: {  	_ =	swait.ge [sflag:s25], $0x400  }
0x3c: {  	[sflag:s25] =	ssyncset.done $0x0  }
0x3d: {  	[sflag:s25] =	ssyncadd.s32 $0xFFFFFC00  }
0x3e: {  	_ =	swait.ge [sflag:s25], $0x400  }
0x3f: {  	[sflag:s25] =	ssyncset.done $0x0  }
0x40: {  	[sflag:s25] =	ssyncadd.s32 $0xFFFFFC00  }
0x41: {  	_ =	swait.ge [sflag:s25], $0x400  }
0x42: {  	[sflag:s25] =	ssyncset.done $0x0  }
0x43: {  	[sflag:s25] =	ssyncadd.s32 $0xFFFFFC00  }
0x44: {  	_ =	swait.ge [sflag:s25], $0x400  }
0x45: {  	[sflag:s25] =	ssyncset.done $0x0  }
0x46: {  	[sflag:s25] =	ssyncadd.s32 $0xFFFFFC00  }
0x47: {  	_ =	swait.ge [sflag:s25], $0x400  }
0x48: {  	[sflag:s25] =	ssyncset.done $0x0  }
0x49: {  	[sflag:s25] =	ssyncadd.s32 $0xFFFFFC00  }
0x4a: {  	_ =	swait.ge [sflag:s25], $0x400  }
0x4b: {  	[sflag:s25] =	ssyncset.done $0x0  }
0x4c: {  	[sflag:s25] =	ssyncadd.s32 $0xFFFFFC00  }
0x4d: {  	_ =	swait.ge [sflag:s25], $0x400  }
0x4e: {  	[sflag:s25] =	ssyncset.done $0x0  }
0x4f: {  	[sflag:s25] =	ssyncadd.s32 $0xFFFFFC00  }
0x50: {  	[spmem:s3] =	stream.indirect.scatter.add.f32 [tilespmem:s13], [sflag:$0x2], $0x8, s11, s12, $0xb8;
	[tilespmem:$0xEC00] =	vst v63  }
0x51: {  	_ = 	snop  }
0x52: {  	[spmem:s3] =	stream.indirect.scatter.add.f32 [tilespmem:s14], [sflag:$0x2], $0x8, s26, s12, $0xb8;
	[tilespmem:$0xEC00] =	vst v63  }
0x53: {  	_ = 	snop  }
0x54: {  	[spmem:s3] =	stream.indirect.scatter.add.f32 [tilespmem:s15], [sflag:$0x2], $0x8, s28, s12, $0xb8;
	[tilespmem:$0xEC00] =	vst v63  }
0x55: {  	_ = 	snop  }
0x56: {  	[spmem:s3] =	stream.indirect.scatter.add.f32 [tilespmem:s16], [sflag:$0x2], $0x8, s29, s12, $0xb8;
	[tilespmem:$0xEC00] =	vst v63  }
0x57: {  	_ = 	snop  }
0x58: {  	[spmem:s3] =	stream.indirect.scatter.add.f32 [tilespmem:s17], [sflag:$0x2], $0x8, s30, s12, $0xb8;
	[tilespmem:$0xEC00] =	vst v63  }
0x59: {  	_ = 	snop  }
0x5a: {  	[spmem:s3] =	stream.indirect.scatter.add.f32 [tilespmem:s19], [sflag:$0x2], $0x8, s31, s12, $0xb8;
	[tilespmem:$0xEC00] =	vst v63  }
0x5b: {  	_ = 	snop  }
0x5c: {  	[spmem:s3] =	stream.indirect.scatter.add.f32 [tilespmem:s21], [sflag:$0x2], $0x8, s1, s12, $0xb8;
	[tilespmem:$0xEC00] =	vst v63  }
0x5d: {  	_ = 	snop  }
0x5e: {  	[spmem:s3] =	stream.indirect.scatter.add.f32 [tilespmem:s23], [sflag:$0x2], $0x8, s0, s12, $0xb8;
	[tilespmem:$0xEC00] =	vst v63  }
0x5f: {  	_ =	swait.ge [sflag:s2], $0x400  }
0x60: {  	[sflag:s2] =	ssyncset.done $0x0  }
0x61: {  	[sflag:s2] =	ssyncadd.s32 $0xFFFFFC00  }
0x62: {  	_ =	swait.ge [sflag:s2], $0x400  }
0x63: {  	[sflag:s2] =	ssyncset.done $0x0  }
0x64: {  	[sflag:s2] =	ssyncadd.s32 $0xFFFFFC00  }
0x65: {  	_ =	swait.ge [sflag:s2], $0x400  }
0x66: {  	[sflag:s2] =	ssyncset.done $0x0  }
0x67: {  	[sflag:s2] =	ssyncadd.s32 $0xFFFFFC00  }
0x68: {  	_ =	swait.ge [sflag:s2], $0x400  }
0x69: {  	[sflag:s2] =	ssyncset.done $0x0  }
0x6a: {  	[sflag:s2] =	ssyncadd.s32 $0xFFFFFC00  }
0x6b: {  	_ =	swait.ge [sflag:s2], $0x400  }
0x6c: {  	[sflag:s2] =	ssyncset.done $0x0  }
0x6d: {  	[sflag:s2] =	ssyncadd.s32 $0xFFFFFC00  }
0x6e: {  	_ =	swait.ge [sflag:s2], $0x400  }
0x6f: {  	[sflag:s2] =	ssyncset.done $0x0  }
0x70: {  	[sflag:s2] =	ssyncadd.s32 $0xFFFFFC00  }
0x71: {  	_ =	swait.ge [sflag:s2], $0x400  }
0x72: {  	[sflag:s2] =	ssyncset.done $0x0  }
0x73: {  	[sflag:s2] =	ssyncadd.s32 $0xFFFFFC00  }
0x74: {  	s6 =	simm.s32 $0x100;
	_ =	swait.ge [sflag:s2], $0x400  }
0x75: {  	s24 =	simm.s32 $0x80;
	s8 =	rddreg [dreg:$0x5];
	[sflag:s2] =	ssyncset.done $0x0  }
.LBB2_2:
0x76: {  	[sflag:s2] =	ssyncadd.s32 $0xFFFFFC00;
	s8 =	sadd.s32 s24, s8  }
0x77: {  	[tilespmem:s10], [sflag:$0x3] =	stream.linear.gather [hbm4b:s8+s4], $0x400, $0x38;
	[tilespmem:$0xEC00] =	vst v63  }
0x78: {  	_ =	swait.ge [sflag:s9], $0x400  }
0x79: {  	s8 =	rddreg [dreg:$0x4];
	[sflag:s9] =	ssyncset.done $0x0  }
0x7a: {  	[sflag:s9] =	ssyncadd.s32 $0xFFFFFC00;
	s8 =	sadd.s32 s24, s8  }
0x7b: {  	[tilespmem:s11], [sflag:$0x3] =	stream.linear.gather [hbm4b:s8+s4], $0x400, $0x38;
	[tilespmem:$0xEC00] =	vst v63  }
0x7c: {  	_ =	swait.ge [sflag:s9], $0x400  }
0x7d: {  	[sflag:s9] =	ssyncset.done $0x0  }
0x7e: {  	s7 =	smov.u32 s6;
	[sflag:s9] =	ssyncadd.s32 $0xFFFFFC00  }
0x7f: {  	[tilespmem:s13], [sflag:$0x1] =	stream.indirect.gather [hbm4b:s5+s12], $0x8, s10, s12, $0xb8;
	[tilespmem:$0xEC00] =	vst v63  }
0x80: {  	s24 =	smov.u32 s7;
	s7 =	rddreg [dreg:$0x6]  }
0x81: {  	[tilespmem:s14], [sflag:$0x1] =	stream.indirect.gather [hbm4b:s5+s12], $0x8, s7, s12, $0xb8;
	[tilespmem:$0xEC00] =	vst v63  }
0x82: {  	s8 =	rddreg [dreg:$0x7]  }
0x83: {  	[tilespmem:s15], [sflag:$0x1] =	stream.indirect.gather [hbm4b:s5+s12], $0x8, s8, s12, $0xb8;
	[tilespmem:$0xEC00] =	vst v63  }
0x84: {  	s7 =	rddreg [dreg:$0x8]  }
0x85: {  	[tilespmem:s16], [sflag:$0x1] =	stream.indirect.gather [hbm4b:s5+s12], $0x8, s7, s12, $0xb8;
	[tilespmem:$0xEC00] =	vst v63  }
0x86: {  	s8 =	rddreg [dreg:$0x9]  }
0x87: {  	[tilespmem:s17], [sflag:$0x1] =	stream.indirect.gather [hbm4b:s5+s12], $0x8, s8, s12, $0xb8;
	[tilespmem:$0xEC00] =	vst v63  }
0x88: {  	_ = 	snop  }
0x89: {  	[tilespmem:s19], [sflag:$0x1] =	stream.indirect.gather [hbm4b:s5+s12], $0x8, s18, s12, $0xb8;
	[tilespmem:$0xEC00] =	vst v63  }
0x8a: {  	_ = 	snop  }
0x8b: {  	[tilespmem:s21], [sflag:$0x1] =	stream.indirect.gather [hbm4b:s5+s12], $0x8, s20, s12, $0xb8;
	[tilespmem:$0xEC00] =	vst v63  }
0x8c: {  	_ = 	snop  }
0x8d: {  	[tilespmem:s23], [sflag:$0x1] =	stream.indirect.gather [hbm4b:s5+s12], $0x8, s22, s12, $0xb8;
	[tilespmem:$0xEC00] =	vst v63  }
0x8e: {  	_ =	swait.ge [sflag:s25], $0x400  }
0x8f: {  	[sflag:s25] =	ssyncset.done $0x0  }
0x90: {  	[sflag:s25] =	ssyncadd.s32 $0xFFFFFC00  }
0x91: {  	_ =	swait.ge [sflag:s25], $0x400  }
0x92: {  	[sflag:s25] =	ssyncset.done $0x0  }
0x93: {  	[sflag:s25] =	ssyncadd.s32 $0xFFFFFC00  }
0x94: {  	_ =	swait.ge [sflag:s25], $0x400  }
0x95: {  	[sflag:s25] =	ssyncset.done $0x0  }
0x96: {  	[sflag:s25] =	ssyncadd.s32 $0xFFFFFC00  }
0x97: {  	_ =	swait.ge [sflag:s25], $0x400  }
0x98: {  	[sflag:s25] =	ssyncset.done $0x0  }
0x99: {  	[sflag:s25] =	ssyncadd.s32 $0xFFFFFC00  }
0x9a: {  	_ =	swait.ge [sflag:s25], $0x400  }
0x9b: {  	[sflag:s25] =	ssyncset.done $0x0  }
0x9c: {  	[sflag:s25] =	ssyncadd.s32 $0xFFFFFC00  }
0x9d: {  	_ =	swait.ge [sflag:s25], $0x400  }
0x9e: {  	[sflag:s25] =	ssyncset.done $0x0  }
0x9f: {  	[sflag:s25] =	ssyncadd.s32 $0xFFFFFC00  }
0xa0: {  	_ =	swait.ge [sflag:s25], $0x400  }
0xa1: {  	[sflag:s25] =	ssyncset.done $0x0  }
0xa2: {  	[sflag:s25] =	ssyncadd.s32 $0xFFFFFC00  }
0xa3: {  	_ =	swait.ge [sflag:s25], $0x400  }
0xa4: {  	[sflag:s25] =	ssyncset.done $0x0  }
0xa5: {  	[sflag:s25] =	ssyncadd.s32 $0xFFFFFC00  }
0xa6: {  	[spmem:s3] =	stream.indirect.scatter.add.f32 [tilespmem:s13], [sflag:$0x2], $0x8, s11, s12, $0xb8;
	[tilespmem:$0xEC00] =	vst v63  }
0xa7: {  	_ = 	snop  }
0xa8: {  	[spmem:s3] =	stream.indirect.scatter.add.f32 [tilespmem:s14], [sflag:$0x2], $0x8, s26, s12, $0xb8;
	[tilespmem:$0xEC00] =	vst v63  }
0xa9: {  	_ = 	snop  }
0xaa: {  	[spmem:s3] =	stream.indirect.scatter.add.f32 [tilespmem:s15], [sflag:$0x2], $0x8, s28, s12, $0xb8;
	[tilespmem:$0xEC00] =	vst v63  }
0xab: {  	_ = 	snop  }
0xac: {  	[spmem:s3] =	stream.indirect.scatter.add.f32 [tilespmem:s16], [sflag:$0x2], $0x8, s29, s12, $0xb8;
	[tilespmem:$0xEC00] =	vst v63  }
0xad: {  	_ = 	snop  }
0xae: {  	[spmem:s3] =	stream.indirect.scatter.add.f32 [tilespmem:s17], [sflag:$0x2], $0x8, s30, s12, $0xb8;
	[tilespmem:$0xEC00] =	vst v63  }
0xaf: {  	_ = 	snop  }
0xb0: {  	[spmem:s3] =	stream.indirect.scatter.add.f32 [tilespmem:s19], [sflag:$0x2], $0x8, s31, s12, $0xb8;
	[tilespmem:$0xEC00] =	vst v63  }
0xb1: {  	_ = 	snop  }
0xb2: {  	[spmem:s3] =	stream.indirect.scatter.add.f32 [tilespmem:s21], [sflag:$0x2], $0x8, s1, s12, $0xb8;
	[tilespmem:$0xEC00] =	vst v63  }
0xb3: {  	_ = 	snop  }
0xb4: {  	[spmem:s3] =	stream.indirect.scatter.add.f32 [tilespmem:s23], [sflag:$0x2], $0x8, s0, s12, $0xb8;
	[tilespmem:$0xEC00] =	vst v63  }
0xb5: {  	_ =	swait.ge [sflag:s2], $0x400  }
0xb6: {  	[sflag:s2] =	ssyncset.done $0x0  }
0xb7: {  	[sflag:s2] =	ssyncadd.s32 $0xFFFFFC00  }
0xb8: {  	_ =	swait.ge [sflag:s2], $0x400  }
0xb9: {  	[sflag:s2] =	ssyncset.done $0x0  }
0xba: {  	[sflag:s2] =	ssyncadd.s32 $0xFFFFFC00  }
0xbb: {  	_ =	swait.ge [sflag:s2], $0x400  }
0xbc: {  	[sflag:s2] =	ssyncset.done $0x0  }
0xbd: {  	[sflag:s2] =	ssyncadd.s32 $0xFFFFFC00  }
0xbe: {  	_ =	swait.ge [sflag:s2], $0x400  }
0xbf: {  	[sflag:s2] =	ssyncset.done $0x0  }
0xc0: {  	[sflag:s2] =	ssyncadd.s32 $0xFFFFFC00  }
0xc1: {  	_ =	swait.ge [sflag:s2], $0x400  }
0xc2: {  	[sflag:s2] =	ssyncset.done $0x0  }
0xc3: {  	[sflag:s2] =	ssyncadd.s32 $0xFFFFFC00  }
0xc4: {  	_ =	swait.ge [sflag:s2], $0x400  }
0xc5: {  	[sflag:s2] =	ssyncset.done $0x0  }
0xc6: {  	p0 =	sne.s32 s6, $0x3080;
	[sflag:s2] =	ssyncadd.s32 $0xFFFFFC00  }
.Ltmp0:
0xc7: {  	_ =	swait.ge [sflag:s2], $0x400;
	(pc) =	sbr.rel @p0 .LBB2_2-.Ltmp0, $4  }
0xc8: {  	[sflag:s2] =	ssyncset.done $0x0  }
0xc9: {  	[sflag:s2] =	ssyncadd.s32 $0xFFFFFC00  }
0xca: {  	_ =	swait.ge [sflag:s2], $0x400  }
0xcb: {  	s6 =	sadd.s32 $0x80, s6;
	s8 =	rddreg [dreg:$0x5];
	[sflag:s2] =	ssyncset.done $0x0  }
0xcc: {  	[sflag:s2] =	ssyncadd.s32 $0xFFFFFC00;
	s6 =	sadd.s32 s24, s8  }
0xcd: {  	[tilespmem:s10], [sflag:$0x3] =	stream.linear.gather [hbm4b:s6+s4], $0x400, $0x38;
	[tilespmem:$0xEC00] =	vst v63  }
0xce: {  	_ =	swait.ge [sflag:s9], $0x400  }
0xcf: {  	s8 =	rddreg [dreg:$0x4];
	[sflag:s9] =	ssyncset.done $0x0  }
0xd0: {  	[sflag:s9] =	ssyncadd.s32 $0xFFFFFC00;
	s6 =	sadd.s32 s24, s8  }
0xd1: {  	[tilespmem:s11], [sflag:$0x3] =	stream.linear.gather [hbm4b:s6+s4], $0x400, $0x38;
	[tilespmem:$0xEC00] =	vst v63  }
0xd2: {  	_ =	swait.ge [sflag:s9], $0x400  }
0xd3: {  	[sflag:s9] =	ssyncset.done $0x0  }
0xd4: {  	[sflag:s9] =	ssyncadd.s32 $0xFFFFFC00  }
0xd5: {  	[tilespmem:s13], [sflag:$0x1] =	stream.indirect.gather [hbm4b:s5+s12], $0x8, s10, s12, $0xb8;
	[tilespmem:$0xEC00] =	vst v63  }
0xd6: {  	s24 =	rddreg [dreg:$0x6]  }
0xd7: {  	[tilespmem:s14], [sflag:$0x1] =	stream.indirect.gather [hbm4b:s5+s12], $0x8, s24, s12, $0xb8;
	[tilespmem:$0xEC00] =	vst v63  }
0xd8: {  	s7 =	rddreg [dreg:$0x7]  }
0xd9: {  	[tilespmem:s15], [sflag:$0x1] =	stream.indirect.gather [hbm4b:s5+s12], $0x8, s7, s12, $0xb8;
	[tilespmem:$0xEC00] =	vst v63  }
0xda: {  	s8 =	rddreg [dreg:$0x8]  }
0xdb: {  	[tilespmem:s16], [sflag:$0x1] =	stream.indirect.gather [hbm4b:s5+s12], $0x8, s8, s12, $0xb8;
	[tilespmem:$0xEC00] =	vst v63  }
0xdc: {  	s24 =	rddreg [dreg:$0x9]  }
0xdd: {  	[tilespmem:s17], [sflag:$0x1] =	stream.indirect.gather [hbm4b:s5+s12], $0x8, s24, s12, $0xb8;
	[tilespmem:$0xEC00] =	vst v63  }
0xde: {  	_ = 	snop  }
0xdf: {  	[tilespmem:s19], [sflag:$0x1] =	stream.indirect.gather [hbm4b:s5+s12], $0x8, s18, s12, $0xb8;
	[tilespmem:$0xEC00] =	vst v63  }
0xe0: {  	_ = 	snop  }
0xe1: {  	[tilespmem:s21], [sflag:$0x1] =	stream.indirect.gather [hbm4b:s5+s12], $0x8, s20, s12, $0xb8;
	[tilespmem:$0xEC00] =	vst v63  }
0xe2: {  	_ = 	snop  }
0xe3: {  	[tilespmem:s23], [sflag:$0x1] =	stream.indirect.gather [hbm4b:s5+s12], $0x8, s22, s12, $0xb8;
	[tilespmem:$0xEC00] =	vst v63  }
0xe4: {  	_ =	swait.ge [sflag:s25], $0x400  }
0xe5: {  	[sflag:s25] =	ssyncset.done $0x0  }
0xe6: {  	[sflag:s25] =	ssyncadd.s32 $0xFFFFFC00  }
0xe7: {  	_ =	swait.ge [sflag:s25], $0x400  }
0xe8: {  	[sflag:s25] =	ssyncset.done $0x0  }
0xe9: {  	[sflag:s25] =	ssyncadd.s32 $0xFFFFFC00  }
0xea: {  	_ =	swait.ge [sflag:s25], $0x400  }
0xeb: {  	[sflag:s25] =	ssyncset.done $0x0  }
0xec: {  	[sflag:s25] =	ssyncadd.s32 $0xFFFFFC00  }
0xed: {  	_ =	swait.ge [sflag:s25], $0x400  }
0xee: {  	[sflag:s25] =	ssyncset.done $0x0  }
0xef: {  	[sflag:s25] =	ssyncadd.s32 $0xFFFFFC00  }
0xf0: {  	_ =	swait.ge [sflag:s25], $0x400  }
0xf1: {  	[sflag:s25] =	ssyncset.done $0x0  }
0xf2: {  	[sflag:s25] =	ssyncadd.s32 $0xFFFFFC00  }
0xf3: {  	_ =	swait.ge [sflag:s25], $0x400  }
0xf4: {  	[sflag:s25] =	ssyncset.done $0x0  }
0xf5: {  	[sflag:s25] =	ssyncadd.s32 $0xFFFFFC00  }
0xf6: {  	_ =	swait.ge [sflag:s25], $0x400  }
0xf7: {  	[sflag:s25] =	ssyncset.done $0x0  }
0xf8: {  	[sflag:s25] =	ssyncadd.s32 $0xFFFFFC00  }
0xf9: {  	_ =	swait.ge [sflag:s25], $0x400  }
0xfa: {  	[sflag:s25] =	ssyncset.done $0x0  }
0xfb: {  	[sflag:s25] =	ssyncadd.s32 $0xFFFFFC00  }
0xfc: {  	[spmem:s3] =	stream.indirect.scatter.add.f32 [tilespmem:s13], [sflag:$0x2], $0x8, s11, s12, $0xb8;
	[tilespmem:$0xEC00] =	vst v63  }
0xfd: {  	_ = 	snop  }
0xfe: {  	[spmem:s3] =	stream.indirect.scatter.add.f32 [tilespmem:s14], [sflag:$0x2], $0x8, s26, s12, $0xb8;
	[tilespmem:$0xEC00] =	vst v63  }
0xff: {  	_ = 	snop  }
0x100: {  	[spmem:s3] =	stream.indirect.scatter.add.f32 [tilespmem:s15], [sflag:$0x2], $0x8, s28, s12, $0xb8;
	[tilespmem:$0xEC00] =	vst v63  }
0x101: {  	_ = 	snop  }
0x102: {  	[spmem:s3] =	stream.indirect.scatter.add.f32 [tilespmem:s16], [sflag:$0x2], $0x8, s29, s12, $0xb8;
	[tilespmem:$0xEC00] =	vst v63  }
0x103: {  	_ = 	snop  }
0x104: {  	[spmem:s3] =	stream.indirect.scatter.add.f32 [tilespmem:s17], [sflag:$0x2], $0x8, s30, s12, $0xb8;
	[tilespmem:$0xEC00] =	vst v63  }
0x105: {  	_ = 	snop  }
0x106: {  	[spmem:s3] =	stream.indirect.scatter.add.f32 [tilespmem:s19], [sflag:$0x2], $0x8, s31, s12, $0xb8;
	[tilespmem:$0xEC00] =	vst v63  }
0x107: {  	_ = 	snop  }
0x108: {  	[spmem:s3] =	stream.indirect.scatter.add.f32 [tilespmem:s21], [sflag:$0x2], $0x8, s1, s12, $0xb8;
	[tilespmem:$0xEC00] =	vst v63  }
0x109: {  	_ = 	snop  }
0x10a: {  	[spmem:s3] =	stream.indirect.scatter.add.f32 [tilespmem:s23], [sflag:$0x2], $0x8, s0, s12, $0xb8;
	[tilespmem:$0xEC00] =	vst v63  }
0x10b: {  	_ =	swait.ge [sflag:s2], $0x400  }
0x10c: {  	[sflag:s2] =	ssyncset.done $0x0  }
0x10d: {  	[sflag:s2] =	ssyncadd.s32 $0xFFFFFC00  }
0x10e: {  	_ =	swait.ge [sflag:s2], $0x400  }
0x10f: {  	[sflag:s2] =	ssyncset.done $0x0  }
0x110: {  	[sflag:s2] =	ssyncadd.s32 $0xFFFFFC00  }
0x111: {  	_ =	swait.ge [sflag:s2], $0x400  }
0x112: {  	[sflag:s2] =	ssyncset.done $0x0  }
0x113: {  	[sflag:s2] =	ssyncadd.s32 $0xFFFFFC00  }
0x114: {  	_ =	swait.ge [sflag:s2], $0x400  }
0x115: {  	[sflag:s2] =	ssyncset.done $0x0  }
0x116: {  	[sflag:s2] =	ssyncadd.s32 $0xFFFFFC00  }
0x117: {  	_ =	swait.ge [sflag:s2], $0x400  }
0x118: {  	[sflag:s2] =	ssyncset.done $0x0  }
0x119: {  	[sflag:s2] =	ssyncadd.s32 $0xFFFFFC00  }
0x11a: {  	_ =	swait.ge [sflag:s2], $0x400  }
0x11b: {  	[sflag:s2] =	ssyncset.done $0x0  }
0x11c: {  	[sflag:s2] =	ssyncadd.s32 $0xFFFFFC00  }
0x11d: {  	_ =	swait.ge [sflag:s2], $0x400  }
0x11e: {  	[sflag:s2] =	ssyncset.done $0x0  }
0x11f: {  	[sflag:s2] =	ssyncadd.s32 $0xFFFFFC00  }
0x120: {  	_ =	swait.ge [sflag:s2], $0x400  }
0x121: {  	[sflag:s2] =	ssyncset.done $0x0  }
0x122: {  	[sflag:s2] =	ssyncadd.s32 $0xFFFFFC00  }
0x123: {  	[bflag:$0x0] =	sbarrier.arrive $0xFFFF  }
0x124: {  	s24 =	rddreg [dreg:$0xa]  }
0x125: {  	s8 =	rddreg [dreg:$0xc]  }
0x126: {  	s7 =	rddreg [dreg:$0xd]  }
0x127: {  	[hbm:s7], [sflag:s24] =	dma.local [spmem:s8], $0x1880  }
0x128: {  	_ =	swait.ge [sflag:s9], $0x1880  }
0x129: {  	s6 =	rddreg [dreg:$0xe]  }
0x12a: {  	s7 =	sadd.s32 $0x1, s6;
	s6 =	rddreg [dreg:$0xb]  }
0x12b: {  	p0 =	sne.s32 s7, s6  }
.Ltmp1:
0x12c: {  	_ = 	snop;
	(pc) =	sbr.rel @p0 .LBB2_1-.Ltmp1, $3  }
0x12d: {  	_ =	sdelay $0x1  }
0x12e: {  	[sflag:s9] =	ssyncset.done $0x0  }
0x12f: {  	[sflag:s9] =	ssyncadd.s32 $0xFFFFE780  }
0x130: {  	_ =	sfence.sel $0x180000  }
0x131: {  	[bflag:$0x0] =	sbarrier.arrive $0xFFFF  }
0x132: {  	_ =	strace $0x9000004A  }
0x133: {  	s0 =	stileid.u32;
	[bflag:$0x2] =	sbarrier.arrive $0xFFFF  }
0x134: {  	p0 =	sne.s32 s0, $0x0;
	s0 =	rddreg [dreg:$0x3]  }
0x135: {  	s0 =	sadd.s32 @!p0 $0x100000, s0  }
0x136: {  	[sflag:s0] =	ssyncadd.tile.s32 @!p0 $0x1;
	_ =	shalt  }
.Lfunc_end2:
_tile_overlayer_lowered:
.L_overlay_start_2:
0x137: {  	(tag) =	ssettag $0x2  }
0x138: {  	s0 =	rddreg [dreg:$0x0];
	s2 =	stileid.u32  }
0x139: {  	s1 =	rddreg [dreg:$0x1];
	p0 =	sne.s32 s2, $0x0  }
0x13a: {  	s3 =	rddreg [dreg:$0x2];
	[bflag:$0x3] =	sbarrier.arrive $0xFFFF;
	s2 =	simm.s32 @!p0 $0x1C03  }
0x13b: {  	[timem:s3], [sflag:s2] =	dma.local @!p0 [hbm:s0], s1  }
0x13c: {  	s0 =	simm.s32 @!p0 $0x3  }
0x13d: {  	_ =	swait.ge @!p0 [sflag:s0], s1  }
0x13e: {  	s1 =	ssub.s32 @!p0 $0x0, s1;
	[sflag:s0] =	ssyncset.done @!p0 $0x0  }
0x13f: {  	[sflag:s0] =	ssyncadd.s32 @!p0 s1  }
0x140: {  	[bflag:$0x3] =	sbarrier.arrive $0xFFFF  }
0x141: {  	_ =	shalt  }

// kernel: sine_gpvar_hop8.7.cloned.1.call-start
scs
__scs_entry_jumppad:
0x0: {  	(pc) =	sbr.rel $0x88, $3  }
0x1: {  	(tag) =	ssettag $0x0;
	lr =	simm.s32 $0x1  }
0x2: {  	[smem:$0x3F9C] =	sst lr;
	_ =	strace $0xD0000000  }
0x3: {  	_ = 	snop  }
0x4: {  	_ = 	snop  }
0x5: {  	_ = 	snop  }
0x6: {  	_ = 	snop  }
0x7: {  	_ = 	snop  }
__scs_overlays_trampoline_lowered:
0x8: {  	[smem:$0x3FAB] =	sst s0  }
0x9: {  	[smem:$0x3FAC] =	sst s1  }
0xa: {  	[smem:$0x3FAD] =	sst s2  }
0xb: {  	[smem:$0x3FAE] =	sst s3  }
0xc: {  	[smem:$0x3FAF] =	sst s4  }
0xd: {  	[smem:$0x3FB0] =	sst s5  }
0xe: {  	[smem:$0x3FB1] =	sst s6  }
0xf: {  	[smem:$0x3FB2] =	sst s7  }
0x10: {  	[smem:$0x3FB3] =	sst s8  }
0x11: {  	[smem:$0x3FB4] =	sst s9;
	s0 =	simm.s32 @!p0 $0x0  }
0x12: {  	s1 =	sld [smem:$0x3F9A];
	s0 =	simm.s32 @p0 $0x1  }
0x13: {  	[smem:$0x3FB5] =	sst s0;
	s0 =	simm.s32 @!p1 $0x0  }
0x14: {  	s2 =	sld [smem:$0x3F99];
	s0 =	simm.s32 @p1 $0x1  }
0x15: {  	[smem:$0x3FB6] =	sst s0;
	s0 =	simm.s32 @!p2 $0x0  }
0x16: {  	s3 =	sld [smem:$0x3FDB];
	s0 =	simm.s32 @p2 $0x1  }
0x17: {  	s4 =	simm.s32 $0x1BF5;
	[smem:$0x3FB8] =	sst s0  }
0x18: {  	s0 =	sld [smem:$0x3F9B];
	_ =	swait.ge [sflag:s4], $0x0  }
0x19: {  	s7 =	sld [smem:$0x3F9C]  }
0x1a: {  	s8 =	sadd.s32 $0xFFFFE003, lr  }
0x1b: {  	s9 =	sadd.s32 $0xFFFFFEF7, lr;
	s5 =	simm.s32 $0xFFFFFFFF;
	p2 =	slt.u32 s8, $0xFFFFF086  }
0x1c: {  	p1 =	slt.u32 s9, $0xF7A;
	s5 =	simm.s32 @!p2 $0x0  }
0x1d: {  	s5 =	simm.s32 @p1 $0x1;
	p0 =	seq.s32 s7, s2  }
0x1e: {  	s7 =	smul.u32 @!p0 $0xF7A, s2;
	p2 =	seq.s32 @!p0 s5, $0x0  }
0x1f: {  	s9 =	smul.u32 $0xF7A, s1;
	s8 =	simm.s32 @!p0 $0x1BF5;
	p2 =	por !p2, p0  }
0x20: {  	[sflag:s8] =	ssyncset.s32 @!p0 $0xFFFFF086;
	s6 =	sadd.s32 @!p0 s3, s7;
	s7 =	simm.s32 @!p0 $0x108  }
0x21: {  	s3 =	sadd.s32 s3, s9;
	s6 =	sadd.s32 @!p0 $0x88, s6;
	s7 =	simm.s32 @p2 $0x1082  }
0x22: {  	[simem:s7], [sflag:s8] =	dma.local @!p0 [hbm:s6], $0xF7A  }
0x23: {  	s9 =	sor.u32 $0xD0000000, s2;
	s6 =	simm.s32 $0x108;
	_ =	swait.ge @!p0 [sflag:s8], $0x0  }
0x24: {  	s3 =	sadd.s32 $0x88, s3;
	s6 =	simm.s32 @!p1 $0x1082;
	[sflag:s4] =	ssyncset.s32 $0xFFFFF086  }
0x25: {  	[simem:s6], [sflag:s4] =	dma.local [hbm:s3], $0xF7A  }
0x26: {  	[smem:$0x3F9C] =	sst s1;
	(tag) =	ssettag s2;
	_ =	strace s9  }
0x27: {  	s1 =	sld [smem:$0x3FAC]  }
0x28: {  	s2 =	sld [smem:$0x3FAD]  }
0x29: {  	s4 =	sld [smem:$0x3FAF]  }
0x2a: {  	p0 =	seq.s32 s5, $0x0;
	s5 =	sld [smem:$0x3FB0]  }
0x2b: {  	s6 =	sld [smem:$0x3FB1]  }
0x2c: {  	s7 =	sld [smem:$0x3FB2]  }
0x2d: {  	s3 =	simm.s32 $0x108;
	s8 =	sld [smem:$0x3FB3]  }
0x2e: {  	s3 =	simm.s32 @!p0 $0x1082;
	s9 =	sld [smem:$0x3FB4]  }
0x2f: {  	lr =	sadd.s32 s0, s3;
	s0 =	sld [smem:$0x3FAB]  }
0x30: {  	s3 =	sld [smem:$0x3FAE]  }
0x31: {  	[smem:$0x3FB7] =	sst s10  }
0x32: {  	s10 =	sld [smem:$0x3FB5];
	_ =	sdelay $0x3  }
0x33: {  	p0 =	seq.s32 s10, $0x1;
	s10 =	sld [smem:$0x3FB7];
	_ =	sdelay $0x3  }
0x34: {  	[smem:$0x3FB7] =	sst s10  }
0x35: {  	s10 =	sld [smem:$0x3FB6];
	_ =	sdelay $0x3  }
0x36: {  	p1 =	seq.s32 s10, $0x1;
	s10 =	sld [smem:$0x3FB7];
	_ =	sdelay $0x3  }
0x37: {  	[smem:$0x3FB7] =	sst s10  }
0x38: {  	s10 =	sld [smem:$0x3FB8]  }
0x39: {  	_ = 	snop;
	(pc) =	sbr.ind lr, $3  }
0x3a: {  	_ = 	snop  }
0x3b: {  	_ = 	snop  }
0x3c: {  	p2 =	seq.s32 s10, $0x1;
	s10 =	sld [smem:$0x3FB7]  }
0x3d: {  	_ =	shalt  }
0x3e: {  	_ =	shalt  }
0x3f: {  	_ =	shalt  }
0x40: {  	_ =	shalt  }
0x41: {  	_ =	shalt  }
0x42: {  	_ =	shalt  }
0x43: {  	_ =	shalt  }
0x44: {  	_ =	shalt  }
0x45: {  	_ =	shalt  }
0x46: {  	_ =	shalt  }
0x47: {  	_ =	shalt  }
0x48: {  	_ =	shalt  }
0x49: {  	_ =	shalt  }
0x4a: {  	_ =	shalt  }
0x4b: {  	_ =	shalt  }
0x4c: {  	_ =	shalt  }
0x4d: {  	_ =	shalt  }
0x4e: {  	_ =	shalt  }
0x4f: {  	_ =	shalt  }
0x50: {  	_ =	shalt  }
0x51: {  	_ =	shalt  }
0x52: {  	_ =	shalt  }
0x53: {  	_ =	shalt  }
0x54: {  	_ =	shalt  }
0x55: {  	_ =	shalt  }
0x56: {  	_ =	shalt  }
0x57: {  	_ =	shalt  }
0x58: {  	_ =	shalt  }
0x59: {  	_ =	shalt  }
0x5a: {  	_ =	shalt  }
0x5b: {  	_ =	shalt  }
0x5c: {  	_ =	shalt  }
0x5d: {  	_ =	shalt  }
0x5e: {  	_ =	shalt  }
0x5f: {  	_ =	shalt  }
0x60: {  	_ =	shalt  }
0x61: {  	_ =	shalt  }
0x62: {  	_ =	shalt  }
0x63: {  	_ =	shalt  }
0x64: {  	_ =	shalt  }
0x65: {  	_ =	shalt  }
0x66: {  	_ =	shalt  }
0x67: {  	_ =	shalt  }
0x68: {  	_ =	shalt  }
0x69: {  	_ =	shalt  }
0x6a: {  	_ =	shalt  }
0x6b: {  	_ =	shalt  }
0x6c: {  	_ =	shalt  }
0x6d: {  	_ =	shalt  }
0x6e: {  	_ =	shalt  }
0x6f: {  	_ =	shalt  }
0x70: {  	_ =	shalt  }
0x71: {  	_ =	shalt  }
0x72: {  	_ =	shalt  }
0x73: {  	_ =	shalt  }
0x74: {  	_ =	shalt  }
0x75: {  	_ =	shalt  }
0x76: {  	_ =	shalt  }
0x77: {  	_ =	shalt  }
0x78: {  	_ =	shalt  }
0x79: {  	_ =	shalt  }
0x7a: {  	_ =	shalt  }
0x7b: {  	_ =	shalt  }
0x7c: {  	_ =	shalt  }
0x7d: {  	_ =	shalt  }
0x7e: {  	_ =	shalt  }
0x7f: {  	_ =	shalt  }
0x80: {  	_ =	shalt  }
0x81: {  	_ =	shalt  }
0x82: {  	_ =	shalt  }
0x83: {  	_ =	shalt  }
0x84: {  	_ =	shalt  }
0x85: {  	_ =	shalt  }
0x86: {  	_ =	shalt  }
0x87: {  	_ =	shalt  }
.Lfunc_end0:
.L_simem_size_0:
called_computation.2_lowered:
.L_overlay_start_0:
0x88: {  	s2 =	sld [smem:$0x3FD9]  }
0x89: {  	s3 =	sld [smem:$0x3FFE];
	_ =	sdelay $0x1  }
0x8a: {  	s1 =	srdreg.scid  }
0x8b: {  	s0 =	sand.u32 $0x1, s1  }
0x8c: {  	s17 =	sshll.u32 s0, $0xA;
	s2 =	sadd.s32 s3, s2  }
0x8d: {  	s2 =	sadd.s32 s2, s17  }
0x8e: {  	[smem:$0x3FC3] =	sst s2  }
0x8f: {  	_ = 	snop  }
0x90: {  	s2 =	sld [smem:$0x3FD0];
	(tm) =	ssettm $0x1  }
0x91: {  	s18 =	sld [smem:$0x3FFB];
	_ =	sdelay $0x3  }
0x92: {  	_ =	strace s18  }
0x93: {  	s3 =	sld [smem:$0x3FFC];
	_ =	sdelay $0x3  }
0x94: {  	_ =	strace s3  }
0x95: {  	s3 =	sld [smem:$0x3FFD];
	_ =	sdelay $0x3  }
0x96: {  	_ =	strace s3  }
0x97: {  	_ =	strace $0x8FFFFFFF  }
0x98: {  	s19 =	sld [smem:$0x3FDB];
	_ =	sdelay $0x1  }
0x99: {  	s4 =	simm.s32 $_scs_section_size  }
0x9a: {  	s5 =	simm.s32 $_size__tile_overlayer_lowered;
	s6 =	simm.s32 $_tile_overlayer_lowered  }
0x9b: {  	s22 =	simm.s32 $0x1BFF;
	s21 =	sshll.u32 s6, $0x1;
	s3 =	sadd.s32 s4, s19  }
0x9c: {  	s7 =	simm.s32 $0x0;
	s20 =	sshll.u32 s5, $0x1;
	s5 =	sadd.s32 s21, s3  }
0x9d: {  	[timem:s7], [sflag:s22] =	dma.local [hbm:s5], s20  }
0x9e: {  	_ =	swait.ge [sflag:s22], s20  }
0x9f: {  	s4 =	ssub.s32 $0x0, s20;
	[sflag:s22] =	ssyncset.done $0x0  }
0xa0: {  	[sflag:s22] =	ssyncadd.s32 s4;
	_ =	sdelay $0x1  }
0xa1: {  	s23 =	simm.s32 $0x1B8B  }
0xa2: {  	_ =	swait.ge [sflag:s23], $0x1  }
0xa3: {  	[sflag:s23] =	ssyncset.done $0x0  }
0xa4: {  	s25 =	simm.s32 $0x1B8E;
	s24 =	sld [smem:$0x3FFE];
	[sflag:s23] =	ssyncadd.s32 $0xFFFFFFFF  }
0xa5: {  	s26 =	simm.s32 $execute0_lowered;
	[smem:$0x3FD2] =	sst s25  }
0xa6: {  	s5 =	sshll.u32 s26, $0x1;
	_ =	strace $0x8000004C;
	[dreg:$0x1] =	wrdreg $0xFFFFFFFF  }
0xa7: {  	s28 =	simm.s32 $_size_execute0_lowered;
	s3 =	sadd.s32 s3, s5;
	[dreg:$0x0] =	wrdreg $0x0  }
0xa8: {  	s5 =	sshll.u32 s28, $0x1;
	[dreg:$0x2] =	wrdreg s3  }
0xa9: {  	[dreg:$0x3] =	wrdreg s5  }
0xaa: {  	[dreg:$0x4] =	wrdreg $0xC0  }
0xab: {  	_ =	task [dreg:s7], $0x5FFFF  }
0xac: {  	[dreg:$0x1] =	wrdreg $0xFFFFFFFF  }
0xad: {  	[dreg:$0x0] =	wrdreg $0x60  }
0xae: {  	[dreg:$0x2] =	wrdreg s24  }
0xaf: {  	[dreg:$0x3] =	wrdreg s2  }
0xb0: {  	[dreg:$0x4] =	wrdreg $0x0  }
0xb1: {  	[dreg:$0x5] =	wrdreg $0x9  }
0xb2: {  	_ =	task.clear_ibuf [dreg:s7], $0x6FFFF;
	_ =	strace $0x9000004C  }
0xb3: {  	s29 =	simm.s32 $0x9;
	_ =	strace $0x8000004E  }
0xb4: {  	_ =	swait.ge [sflag:s29], $0x1  }
0xb5: {  	[sflag:s29] =	ssyncadd.s32 $0xFFFFFFFF  }
0xb6: {  	_ =	strace $0x9000004E  }
0xb7: {  	_ =	sfence  }
0xb8: {  	s30 =	sld [smem:$0x0];
	_ =	sdelay $0x2  }
0xb9: {  	s31 =	sshll.u32 s1, $0xD;
	s1 =	sshrl.u32 s1, $0x2  }
0xba: {  	s3 =	sand.u32 $0x4000, s31;
	s1 =	sadd.s32 s1, s30  }
0xbb: {  	s0 =	sor.u32 s3, s0;
	s1 =	sshll.u32 s1, $0x11  }
0xbc: {  	s0 =	sor.u32 s1, s0  }
0xbd: {  	s0 =	sadd.s32 $0x8F2B, s0  }
0xbe: {  	[sflag:s0] =	ssyncadd.remote.s32 $0x1  }
0xbf: {  	_ =	sfence.sel $0xFFFF  }
0xc0: {  	[dreg:$0x0] =	wrdreg $0xFFFFFFFF;
	(pc) =	sbr.abs _section_cstart, $3  }
0xc1: {  	[dreg:$0x1] =	wrdreg $0xFFFFFFFF  }
0xc2: {  	_ =	task.clear_ibuf [dreg:s7], $0x2FFFF;
	_ =	strace $0x9FFFFFFF  }
0xc3: {  	(tm) =	ssettm $0x7FFFFFFF  }
tec
execute0_lowered:
.L_overlay_start_1:
0x0: {  	(tag) =	ssettag $0x1  }
0x1: {  	s0 =	rddreg [dreg:$0x0];
	s1 =	srdreg.scid  }
0x2: {  	s8 =	stileid.u32;
	s3 =	rddreg [dreg:$0x2];
	s4 =	simm.s32 $0x0  }
0x3: {  	s9 =	simm.s32 $0x3;
	s10 =	simm.s32 $0xC400;
	s11 =	simm.s32 $0xC800  }
0x4: {  	s22 =	simm.s32 $0xC480;
	s12 =	simm.s32 $0x80;
	s23 =	simm.s32 $0xC500  }
0x5: {  	s13 =	simm.s32 $0xCC00;
	s25 =	simm.s32 $0xC580;
	s14 =	simm.s32 $0xD000  }
0x6: {  	s26 =	simm.s32 $0xC600;
	s15 =	simm.s32 $0xD400;
	s16 =	simm.s32 $0xD800  }
0x7: {  	s17 =	simm.s32 $0xDC00;
	s28 =	simm.s32 $0xC900;
	s29 =	simm.s32 $0xC980  }
0x8: {  	s30 =	simm.s32 $0xCA00;
	s31 =	simm.s32 $0xCA80;
	[smem:$0x7FF] =	sst s4  }
0x9: {  	s5 =	smul.u32 $0x31000, s8;
	_ =	strace $0x8000004D;
	[dreg:$0x6] =	wrdreg s22  }
0xa: {  	s1 =	sand.u32 $0x1, s1;
	s7 =	smul.u32 $0xC400, s8;
	[dreg:$0x7] =	wrdreg s23  }
0xb: {  	s8 =	sshll.u32 s8, $0x6;
	s2 =	smul.u32 $0x18800, s1;
	[dreg:$0x8] =	wrdreg s25  }
0xc: {  	s1 =	ssub.s32 $0x2, s1;
	s24 =	sor.u32 $0x1C03, s8;
	[dreg:$0x9] =	wrdreg s26  }
0xd: {  	s22 =	simm.s32 $0xC780;
	s23 =	simm.s32 $0xE800;
	s25 =	simm.s32 $0x1  }
0xe: {  	s26 =	simm.s32 $0xC880;
	s18 =	sshrl.u32 s1, $0x1;
	s19 =	sadd.s32 s7, s3  }
0xf: {  	s7 =	sshrl.u32 s7, $0x3;
	[dreg:$0xa] =	wrdreg s24;
	s6 =	sadd.s32 s2, s5  }
0x10: {  	s5 =	sadd.s32 $0x18E00, s0;
	s1 =	ssub.s32 s1, s18;
	s8 =	sshrl.u32 s19, $0x3  }
0x11: {  	s18 =	simm.s32 $0xC680;
	s19 =	simm.s32 $0xE000;
	s6 =	sshrl.u32 s6, $0x3  }
0x12: {  	s1 =	smax.u32 s1, $0x1;
	[dreg:$0xc] =	wrdreg s8;
	s6 =	sadd.s32 s6, s0  }
0x13: {  	s0 =	sadd.s32 s2, s0;
	[dreg:$0xb] =	wrdreg s1;
	s20 =	sadd.s32 $0x9FA00, s6  }
0x14: {  	s1 =	simm.s32 $0xCB00;
	s21 =	sadd.s32 $0x3DA00, s6;
	[dreg:$0x4] =	wrdreg s20  }
0x15: {  	s2 =	simm.s32 $0x2;
	s0 =	sadd.s32 $0x101A00, s0;
	[dreg:$0x5] =	wrdreg s21  }
0x16: {  	s20 =	simm.s32 $0xC700;
	s21 =	simm.s32 $0xE400;
	s0 =	sadd.s32 s7, s0  }
0x17: {  	s7 =	simm.s32 $0x0;
	[dreg:$0xd] =	wrdreg s0;
	s0 =	simm.s32 $0xCB80  }
.LBB2_1:
0x18: {  	[dreg:$0xe] =	wrdreg s7  }
0x19: {  	s6 =	rddreg [dreg:$0x1]  }
0x1a: {  	[spmem:s8], [sflag:s24] =	dma.local [hbm:s6], $0x1880  }
0x1b: {  	_ =	swait.ge [sflag:s9], $0x1880  }
0x1c: {  	[sflag:s9] =	ssyncset.done $0x0  }
0x1d: {  	[sflag:s9] =	ssyncadd.s32 $0xFFFFE780  }
0x1e: {  	[bflag:$0x0] =	sbarrier.arrive $0xFFFF  }
0x1f: {  	s24 =	rddreg [dreg:$0x5]  }
0x20: {  	s6 =	sadd.s32 $0x0, s24  }
0x21: {  	[tilespmem:s10], [sflag:$0x3] =	stream.linear.gather [hbm4b:s6+s4], $0x400, $0x38;
	[tilespmem:$0xEC00] =	vst v63  }
0x22: {  	_ =	swait.ge [sflag:s9], $0x400  }
0x23: {  	s7 =	rddreg [dreg:$0x4];
	[sflag:s9] =	ssyncset.done $0x0  }
0x24: {  	[sflag:s9] =	ssyncadd.s32 $0xFFFFFC00;
	s6 =	sadd.s32 $0x0, s7  }
0x25: {  	[tilespmem:s11], [sflag:$0x3] =	stream.linear.gather [hbm4b:s6+s4], $0x400, $0x38;
	[tilespmem:$0xEC00] =	vst v63  }
0x26: {  	_ =	swait.ge [sflag:s9], $0x400  }
0x27: {  	[sflag:s9] =	ssyncset.done $0x0  }
0x28: {  	[sflag:s9] =	ssyncadd.s32 $0xFFFFFC00  }
0x29: {  	[tilespmem:s13], [sflag:$0x1] =	stream.indirect.gather [hbm4b:s5+s12], $0x8, s10, s12, $0xb8;
	[tilespmem:$0xEC00] =	vst v63  }
0x2a: {  	s8 =	rddreg [dreg:$0x6]  }
0x2b: {  	[tilespmem:s14], [sflag:$0x1] =	stream.indirect.gather [hbm4b:s5+s12], $0x8, s8, s12, $0xb8;
	[tilespmem:$0xEC00] =	vst v63  }
0x2c: {  	s24 =	rddreg [dreg:$0x7]  }
0x2d: {  	[tilespmem:s15], [sflag:$0x1] =	stream.indirect.gather [hbm4b:s5+s12], $0x8, s24, s12, $0xb8;
	[tilespmem:$0xEC00] =	vst v63  }
0x2e: {  	s7 =	rddreg [dreg:$0x8]  }
0x2f: {  	[tilespmem:s16], [sflag:$0x1] =	stream.indirect.gather [hbm4b:s5+s12], $0x8, s7, s12, $0xb8;
	[tilespmem:$0xEC00] =	vst v63  }
0x30: {  	s24 =	rddreg [dreg:$0x9]  }
0x31: {  	[tilespmem:s17], [sflag:$0x1] =	stream.indirect.gather [hbm4b:s5+s12], $0x8, s24, s12, $0xb8;
	[tilespmem:$0xEC00] =	vst v63  }
0x32: {  	_ = 	snop  }
0x33: {  	[tilespmem:s19], [sflag:$0x1] =	stream.indirect.gather [hbm4b:s5+s12], $0x8, s18, s12, $0xb8;
	[tilespmem:$0xEC00] =	vst v63  }
0x34: {  	_ = 	snop  }
0x35: {  	[tilespmem:s21], [sflag:$0x1] =	stream.indirect.gather [hbm4b:s5+s12], $0x8, s20, s12, $0xb8;
	[tilespmem:$0xEC00] =	vst v63  }
0x36: {  	_ = 	snop  }
0x37: {  	[tilespmem:s23], [sflag:$0x1] =	stream.indirect.gather [hbm4b:s5+s12], $0x8, s22, s12, $0xb8;
	[tilespmem:$0xEC00] =	vst v63  }
0x38: {  	_ =	swait.ge [sflag:s25], $0x400  }
0x39: {  	[sflag:s25] =	ssyncset.done $0x0  }
0x3a: {  	[sflag:s25] =	ssyncadd.s32 $0xFFFFFC00  }
0x3b: {  	_ =	swait.ge [sflag:s25], $0x400  }
0x3c: {  	[sflag:s25] =	ssyncset.done $0x0  }
0x3d: {  	[sflag:s25] =	ssyncadd.s32 $0xFFFFFC00  }
0x3e: {  	_ =	swait.ge [sflag:s25], $0x400  }
0x3f: {  	[sflag:s25] =	ssyncset.done $0x0  }
0x40: {  	[sflag:s25] =	ssyncadd.s32 $0xFFFFFC00  }
0x41: {  	_ =	swait.ge [sflag:s25], $0x400  }
0x42: {  	[sflag:s25] =	ssyncset.done $0x0  }
0x43: {  	[sflag:s25] =	ssyncadd.s32 $0xFFFFFC00  }
0x44: {  	_ =	swait.ge [sflag:s25], $0x400  }
0x45: {  	[sflag:s25] =	ssyncset.done $0x0  }
0x46: {  	[sflag:s25] =	ssyncadd.s32 $0xFFFFFC00  }
0x47: {  	_ =	swait.ge [sflag:s25], $0x400  }
0x48: {  	[sflag:s25] =	ssyncset.done $0x0  }
0x49: {  	[sflag:s25] =	ssyncadd.s32 $0xFFFFFC00  }
0x4a: {  	_ =	swait.ge [sflag:s25], $0x400  }
0x4b: {  	[sflag:s25] =	ssyncset.done $0x0  }
0x4c: {  	[sflag:s25] =	ssyncadd.s32 $0xFFFFFC00  }
0x4d: {  	_ =	swait.ge [sflag:s25], $0x400  }
0x4e: {  	[sflag:s25] =	ssyncset.done $0x0  }
0x4f: {  	[sflag:s25] =	ssyncadd.s32 $0xFFFFFC00  }
0x50: {  	[spmem:s3] =	stream.indirect.scatter.add.f32 [tilespmem:s13], [sflag:$0x2], $0x8, s11, s12, $0xb8;
	[tilespmem:$0xEC00] =	vst v63  }
0x51: {  	_ = 	snop  }
0x52: {  	[spmem:s3] =	stream.indirect.scatter.add.f32 [tilespmem:s14], [sflag:$0x2], $0x8, s26, s12, $0xb8;
	[tilespmem:$0xEC00] =	vst v63  }
0x53: {  	_ = 	snop  }
0x54: {  	[spmem:s3] =	stream.indirect.scatter.add.f32 [tilespmem:s15], [sflag:$0x2], $0x8, s28, s12, $0xb8;
	[tilespmem:$0xEC00] =	vst v63  }
0x55: {  	_ = 	snop  }
0x56: {  	[spmem:s3] =	stream.indirect.scatter.add.f32 [tilespmem:s16], [sflag:$0x2], $0x8, s29, s12, $0xb8;
	[tilespmem:$0xEC00] =	vst v63  }
0x57: {  	_ = 	snop  }
0x58: {  	[spmem:s3] =	stream.indirect.scatter.add.f32 [tilespmem:s17], [sflag:$0x2], $0x8, s30, s12, $0xb8;
	[tilespmem:$0xEC00] =	vst v63  }
0x59: {  	_ = 	snop  }
0x5a: {  	[spmem:s3] =	stream.indirect.scatter.add.f32 [tilespmem:s19], [sflag:$0x2], $0x8, s31, s12, $0xb8;
	[tilespmem:$0xEC00] =	vst v63  }
0x5b: {  	_ = 	snop  }
0x5c: {  	[spmem:s3] =	stream.indirect.scatter.add.f32 [tilespmem:s21], [sflag:$0x2], $0x8, s1, s12, $0xb8;
	[tilespmem:$0xEC00] =	vst v63  }
0x5d: {  	_ = 	snop  }
0x5e: {  	[spmem:s3] =	stream.indirect.scatter.add.f32 [tilespmem:s23], [sflag:$0x2], $0x8, s0, s12, $0xb8;
	[tilespmem:$0xEC00] =	vst v63  }
0x5f: {  	_ =	swait.ge [sflag:s2], $0x400  }
0x60: {  	[sflag:s2] =	ssyncset.done $0x0  }
0x61: {  	[sflag:s2] =	ssyncadd.s32 $0xFFFFFC00  }
0x62: {  	_ =	swait.ge [sflag:s2], $0x400  }
0x63: {  	[sflag:s2] =	ssyncset.done $0x0  }
0x64: {  	[sflag:s2] =	ssyncadd.s32 $0xFFFFFC00  }
0x65: {  	_ =	swait.ge [sflag:s2], $0x400  }
0x66: {  	[sflag:s2] =	ssyncset.done $0x0  }
0x67: {  	[sflag:s2] =	ssyncadd.s32 $0xFFFFFC00  }
0x68: {  	_ =	swait.ge [sflag:s2], $0x400  }
0x69: {  	[sflag:s2] =	ssyncset.done $0x0  }
0x6a: {  	[sflag:s2] =	ssyncadd.s32 $0xFFFFFC00  }
0x6b: {  	_ =	swait.ge [sflag:s2], $0x400  }
0x6c: {  	[sflag:s2] =	ssyncset.done $0x0  }
0x6d: {  	[sflag:s2] =	ssyncadd.s32 $0xFFFFFC00  }
0x6e: {  	_ =	swait.ge [sflag:s2], $0x400  }
0x6f: {  	[sflag:s2] =	ssyncset.done $0x0  }
0x70: {  	[sflag:s2] =	ssyncadd.s32 $0xFFFFFC00  }
0x71: {  	_ =	swait.ge [sflag:s2], $0x400  }
0x72: {  	[sflag:s2] =	ssyncset.done $0x0  }
0x73: {  	[sflag:s2] =	ssyncadd.s32 $0xFFFFFC00  }
0x74: {  	s6 =	simm.s32 $0x100;
	_ =	swait.ge [sflag:s2], $0x400  }
0x75: {  	s24 =	simm.s32 $0x80;
	s8 =	rddreg [dreg:$0x5];
	[sflag:s2] =	ssyncset.done $0x0  }
.LBB2_2:
0x76: {  	[sflag:s2] =	ssyncadd.s32 $0xFFFFFC00;
	s8 =	sadd.s32 s24, s8  }
0x77: {  	[tilespmem:s10], [sflag:$0x3] =	stream.linear.gather [hbm4b:s8+s4], $0x400, $0x38;
	[tilespmem:$0xEC00] =	vst v63  }
0x78: {  	_ =	swait.ge [sflag:s9], $0x400  }
0x79: {  	s8 =	rddreg [dreg:$0x4];
	[sflag:s9] =	ssyncset.done $0x0  }
0x7a: {  	[sflag:s9] =	ssyncadd.s32 $0xFFFFFC00;
	s8 =	sadd.s32 s24, s8  }
0x7b: {  	[tilespmem:s11], [sflag:$0x3] =	stream.linear.gather [hbm4b:s8+s4], $0x400, $0x38;
	[tilespmem:$0xEC00] =	vst v63  }
0x7c: {  	_ =	swait.ge [sflag:s9], $0x400  }
0x7d: {  	[sflag:s9] =	ssyncset.done $0x0  }
0x7e: {  	s7 =	smov.u32 s6;
	[sflag:s9] =	ssyncadd.s32 $0xFFFFFC00  }
0x7f: {  	[tilespmem:s13], [sflag:$0x1] =	stream.indirect.gather [hbm4b:s5+s12], $0x8, s10, s12, $0xb8;
	[tilespmem:$0xEC00] =	vst v63  }
0x80: {  	s24 =	smov.u32 s7;
	s7 =	rddreg [dreg:$0x6]  }
0x81: {  	[tilespmem:s14], [sflag:$0x1] =	stream.indirect.gather [hbm4b:s5+s12], $0x8, s7, s12, $0xb8;
	[tilespmem:$0xEC00] =	vst v63  }
0x82: {  	s8 =	rddreg [dreg:$0x7]  }
0x83: {  	[tilespmem:s15], [sflag:$0x1] =	stream.indirect.gather [hbm4b:s5+s12], $0x8, s8, s12, $0xb8;
	[tilespmem:$0xEC00] =	vst v63  }
0x84: {  	s7 =	rddreg [dreg:$0x8]  }
0x85: {  	[tilespmem:s16], [sflag:$0x1] =	stream.indirect.gather [hbm4b:s5+s12], $0x8, s7, s12, $0xb8;
	[tilespmem:$0xEC00] =	vst v63  }
0x86: {  	s8 =	rddreg [dreg:$0x9]  }
0x87: {  	[tilespmem:s17], [sflag:$0x1] =	stream.indirect.gather [hbm4b:s5+s12], $0x8, s8, s12, $0xb8;
	[tilespmem:$0xEC00] =	vst v63  }
0x88: {  	_ = 	snop  }
0x89: {  	[tilespmem:s19], [sflag:$0x1] =	stream.indirect.gather [hbm4b:s5+s12], $0x8, s18, s12, $0xb8;
	[tilespmem:$0xEC00] =	vst v63  }
0x8a: {  	_ = 	snop  }
0x8b: {  	[tilespmem:s21], [sflag:$0x1] =	stream.indirect.gather [hbm4b:s5+s12], $0x8, s20, s12, $0xb8;
	[tilespmem:$0xEC00] =	vst v63  }
0x8c: {  	_ = 	snop  }
0x8d: {  	[tilespmem:s23], [sflag:$0x1] =	stream.indirect.gather [hbm4b:s5+s12], $0x8, s22, s12, $0xb8;
	[tilespmem:$0xEC00] =	vst v63  }
0x8e: {  	_ =	swait.ge [sflag:s25], $0x400  }
0x8f: {  	[sflag:s25] =	ssyncset.done $0x0  }
0x90: {  	[sflag:s25] =	ssyncadd.s32 $0xFFFFFC00  }
0x91: {  	_ =	swait.ge [sflag:s25], $0x400  }
0x92: {  	[sflag:s25] =	ssyncset.done $0x0  }
0x93: {  	[sflag:s25] =	ssyncadd.s32 $0xFFFFFC00  }
0x94: {  	_ =	swait.ge [sflag:s25], $0x400  }
0x95: {  	[sflag:s25] =	ssyncset.done $0x0  }
0x96: {  	[sflag:s25] =	ssyncadd.s32 $0xFFFFFC00  }
0x97: {  	_ =	swait.ge [sflag:s25], $0x400  }
0x98: {  	[sflag:s25] =	ssyncset.done $0x0  }
0x99: {  	[sflag:s25] =	ssyncadd.s32 $0xFFFFFC00  }
0x9a: {  	_ =	swait.ge [sflag:s25], $0x400  }
0x9b: {  	[sflag:s25] =	ssyncset.done $0x0  }
0x9c: {  	[sflag:s25] =	ssyncadd.s32 $0xFFFFFC00  }
0x9d: {  	_ =	swait.ge [sflag:s25], $0x400  }
0x9e: {  	[sflag:s25] =	ssyncset.done $0x0  }
0x9f: {  	[sflag:s25] =	ssyncadd.s32 $0xFFFFFC00  }
0xa0: {  	_ =	swait.ge [sflag:s25], $0x400  }
0xa1: {  	[sflag:s25] =	ssyncset.done $0x0  }
0xa2: {  	[sflag:s25] =	ssyncadd.s32 $0xFFFFFC00  }
0xa3: {  	_ =	swait.ge [sflag:s25], $0x400  }
0xa4: {  	[sflag:s25] =	ssyncset.done $0x0  }
0xa5: {  	[sflag:s25] =	ssyncadd.s32 $0xFFFFFC00  }
0xa6: {  	[spmem:s3] =	stream.indirect.scatter.add.f32 [tilespmem:s13], [sflag:$0x2], $0x8, s11, s12, $0xb8;
	[tilespmem:$0xEC00] =	vst v63  }
0xa7: {  	_ = 	snop  }
0xa8: {  	[spmem:s3] =	stream.indirect.scatter.add.f32 [tilespmem:s14], [sflag:$0x2], $0x8, s26, s12, $0xb8;
	[tilespmem:$0xEC00] =	vst v63  }
0xa9: {  	_ = 	snop  }
0xaa: {  	[spmem:s3] =	stream.indirect.scatter.add.f32 [tilespmem:s15], [sflag:$0x2], $0x8, s28, s12, $0xb8;
	[tilespmem:$0xEC00] =	vst v63  }
0xab: {  	_ = 	snop  }
0xac: {  	[spmem:s3] =	stream.indirect.scatter.add.f32 [tilespmem:s16], [sflag:$0x2], $0x8, s29, s12, $0xb8;
	[tilespmem:$0xEC00] =	vst v63  }
0xad: {  	_ = 	snop  }
0xae: {  	[spmem:s3] =	stream.indirect.scatter.add.f32 [tilespmem:s17], [sflag:$0x2], $0x8, s30, s12, $0xb8;
	[tilespmem:$0xEC00] =	vst v63  }
0xaf: {  	_ = 	snop  }
0xb0: {  	[spmem:s3] =	stream.indirect.scatter.add.f32 [tilespmem:s19], [sflag:$0x2], $0x8, s31, s12, $0xb8;
	[tilespmem:$0xEC00] =	vst v63  }
0xb1: {  	_ = 	snop  }
0xb2: {  	[spmem:s3] =	stream.indirect.scatter.add.f32 [tilespmem:s21], [sflag:$0x2], $0x8, s1, s12, $0xb8;
	[tilespmem:$0xEC00] =	vst v63  }
0xb3: {  	_ = 	snop  }
0xb4: {  	[spmem:s3] =	stream.indirect.scatter.add.f32 [tilespmem:s23], [sflag:$0x2], $0x8, s0, s12, $0xb8;
	[tilespmem:$0xEC00] =	vst v63  }
0xb5: {  	_ =	swait.ge [sflag:s2], $0x400  }
0xb6: {  	[sflag:s2] =	ssyncset.done $0x0  }
0xb7: {  	[sflag:s2] =	ssyncadd.s32 $0xFFFFFC00  }
0xb8: {  	_ =	swait.ge [sflag:s2], $0x400  }
0xb9: {  	[sflag:s2] =	ssyncset.done $0x0  }
0xba: {  	[sflag:s2] =	ssyncadd.s32 $0xFFFFFC00  }
0xbb: {  	_ =	swait.ge [sflag:s2], $0x400  }
0xbc: {  	[sflag:s2] =	ssyncset.done $0x0  }
0xbd: {  	[sflag:s2] =	ssyncadd.s32 $0xFFFFFC00  }
0xbe: {  	_ =	swait.ge [sflag:s2], $0x400  }
0xbf: {  	[sflag:s2] =	ssyncset.done $0x0  }
0xc0: {  	[sflag:s2] =	ssyncadd.s32 $0xFFFFFC00  }
0xc1: {  	_ =	swait.ge [sflag:s2], $0x400  }
0xc2: {  	[sflag:s2] =	ssyncset.done $0x0  }
0xc3: {  	[sflag:s2] =	ssyncadd.s32 $0xFFFFFC00  }
0xc4: {  	_ =	swait.ge [sflag:s2], $0x400  }
0xc5: {  	[sflag:s2] =	ssyncset.done $0x0  }
0xc6: {  	p0 =	sne.s32 s6, $0x3080;
	[sflag:s2] =	ssyncadd.s32 $0xFFFFFC00  }
.Ltmp0:
0xc7: {  	_ =	swait.ge [sflag:s2], $0x400;
	(pc) =	sbr.rel @p0 .LBB2_2-.Ltmp0, $4  }
0xc8: {  	[sflag:s2] =	ssyncset.done $0x0  }
0xc9: {  	[sflag:s2] =	ssyncadd.s32 $0xFFFFFC00  }
0xca: {  	_ =	swait.ge [sflag:s2], $0x400  }
0xcb: {  	s6 =	sadd.s32 $0x80, s6;
	s8 =	rddreg [dreg:$0x5];
	[sflag:s2] =	ssyncset.done $0x0  }
0xcc: {  	[sflag:s2] =	ssyncadd.s32 $0xFFFFFC00;
	s6 =	sadd.s32 s24, s8  }
0xcd: {  	[tilespmem:s10], [sflag:$0x3] =	stream.linear.gather [hbm4b:s6+s4], $0x400, $0x38;
	[tilespmem:$0xEC00] =	vst v63  }
0xce: {  	_ =	swait.ge [sflag:s9], $0x400  }
0xcf: {  	s8 =	rddreg [dreg:$0x4];
	[sflag:s9] =	ssyncset.done $0x0  }
0xd0: {  	[sflag:s9] =	ssyncadd.s32 $0xFFFFFC00;
	s6 =	sadd.s32 s24, s8  }
0xd1: {  	[tilespmem:s11], [sflag:$0x3] =	stream.linear.gather [hbm4b:s6+s4], $0x400, $0x38;
	[tilespmem:$0xEC00] =	vst v63  }
0xd2: {  	_ =	swait.ge [sflag:s9], $0x400  }
0xd3: {  	[sflag:s9] =	ssyncset.done $0x0  }
0xd4: {  	[sflag:s9] =	ssyncadd.s32 $0xFFFFFC00  }
0xd5: {  	[tilespmem:s13], [sflag:$0x1] =	stream.indirect.gather [hbm4b:s5+s12], $0x8, s10, s12, $0xb8;
	[tilespmem:$0xEC00] =	vst v63  }
0xd6: {  	s24 =	rddreg [dreg:$0x6]  }
0xd7: {  	[tilespmem:s14], [sflag:$0x1] =	stream.indirect.gather [hbm4b:s5+s12], $0x8, s24, s12, $0xb8;
	[tilespmem:$0xEC00] =	vst v63  }
0xd8: {  	s7 =	rddreg [dreg:$0x7]  }
0xd9: {  	[tilespmem:s15], [sflag:$0x1] =	stream.indirect.gather [hbm4b:s5+s12], $0x8, s7, s12, $0xb8;
	[tilespmem:$0xEC00] =	vst v63  }
0xda: {  	s8 =	rddreg [dreg:$0x8]  }
0xdb: {  	[tilespmem:s16], [sflag:$0x1] =	stream.indirect.gather [hbm4b:s5+s12], $0x8, s8, s12, $0xb8;
	[tilespmem:$0xEC00] =	vst v63  }
0xdc: {  	s24 =	rddreg [dreg:$0x9]  }
0xdd: {  	[tilespmem:s17], [sflag:$0x1] =	stream.indirect.gather [hbm4b:s5+s12], $0x8, s24, s12, $0xb8;
	[tilespmem:$0xEC00] =	vst v63  }
0xde: {  	_ = 	snop  }
0xdf: {  	[tilespmem:s19], [sflag:$0x1] =	stream.indirect.gather [hbm4b:s5+s12], $0x8, s18, s12, $0xb8;
	[tilespmem:$0xEC00] =	vst v63  }
0xe0: {  	_ = 	snop  }
0xe1: {  	[tilespmem:s21], [sflag:$0x1] =	stream.indirect.gather [hbm4b:s5+s12], $0x8, s20, s12, $0xb8;
	[tilespmem:$0xEC00] =	vst v63  }
0xe2: {  	_ = 	snop  }
0xe3: {  	[tilespmem:s23], [sflag:$0x1] =	stream.indirect.gather [hbm4b:s5+s12], $0x8, s22, s12, $0xb8;
	[tilespmem:$0xEC00] =	vst v63  }
0xe4: {  	_ =	swait.ge [sflag:s25], $0x400  }
0xe5: {  	[sflag:s25] =	ssyncset.done $0x0  }
0xe6: {  	[sflag:s25] =	ssyncadd.s32 $0xFFFFFC00  }
0xe7: {  	_ =	swait.ge [sflag:s25], $0x400  }
0xe8: {  	[sflag:s25] =	ssyncset.done $0x0  }
0xe9: {  	[sflag:s25] =	ssyncadd.s32 $0xFFFFFC00  }
0xea: {  	_ =	swait.ge [sflag:s25], $0x400  }
0xeb: {  	[sflag:s25] =	ssyncset.done $0x0  }
0xec: {  	[sflag:s25] =	ssyncadd.s32 $0xFFFFFC00  }
0xed: {  	_ =	swait.ge [sflag:s25], $0x400  }
0xee: {  	[sflag:s25] =	ssyncset.done $0x0  }
0xef: {  	[sflag:s25] =	ssyncadd.s32 $0xFFFFFC00  }
0xf0: {  	_ =	swait.ge [sflag:s25], $0x400  }
0xf1: {  	[sflag:s25] =	ssyncset.done $0x0  }
0xf2: {  	[sflag:s25] =	ssyncadd.s32 $0xFFFFFC00  }
0xf3: {  	_ =	swait.ge [sflag:s25], $0x400  }
0xf4: {  	[sflag:s25] =	ssyncset.done $0x0  }
0xf5: {  	[sflag:s25] =	ssyncadd.s32 $0xFFFFFC00  }
0xf6: {  	_ =	swait.ge [sflag:s25], $0x400  }
0xf7: {  	[sflag:s25] =	ssyncset.done $0x0  }
0xf8: {  	[sflag:s25] =	ssyncadd.s32 $0xFFFFFC00  }
0xf9: {  	_ =	swait.ge [sflag:s25], $0x400  }
0xfa: {  	[sflag:s25] =	ssyncset.done $0x0  }
0xfb: {  	[sflag:s25] =	ssyncadd.s32 $0xFFFFFC00  }
0xfc: {  	[spmem:s3] =	stream.indirect.scatter.add.f32 [tilespmem:s13], [sflag:$0x2], $0x8, s11, s12, $0xb8;
	[tilespmem:$0xEC00] =	vst v63  }
0xfd: {  	_ = 	snop  }
0xfe: {  	[spmem:s3] =	stream.indirect.scatter.add.f32 [tilespmem:s14], [sflag:$0x2], $0x8, s26, s12, $0xb8;
	[tilespmem:$0xEC00] =	vst v63  }
0xff: {  	_ = 	snop  }
0x100: {  	[spmem:s3] =	stream.indirect.scatter.add.f32 [tilespmem:s15], [sflag:$0x2], $0x8, s28, s12, $0xb8;
	[tilespmem:$0xEC00] =	vst v63  }
0x101: {  	_ = 	snop  }
0x102: {  	[spmem:s3] =	stream.indirect.scatter.add.f32 [tilespmem:s16], [sflag:$0x2], $0x8, s29, s12, $0xb8;
	[tilespmem:$0xEC00] =	vst v63  }
0x103: {  	_ = 	snop  }
0x104: {  	[spmem:s3] =	stream.indirect.scatter.add.f32 [tilespmem:s17], [sflag:$0x2], $0x8, s30, s12, $0xb8;
	[tilespmem:$0xEC00] =	vst v63  }
0x105: {  	_ = 	snop  }
0x106: {  	[spmem:s3] =	stream.indirect.scatter.add.f32 [tilespmem:s19], [sflag:$0x2], $0x8, s31, s12, $0xb8;
	[tilespmem:$0xEC00] =	vst v63  }
0x107: {  	_ = 	snop  }
0x108: {  	[spmem:s3] =	stream.indirect.scatter.add.f32 [tilespmem:s21], [sflag:$0x2], $0x8, s1, s12, $0xb8;
	[tilespmem:$0xEC00] =	vst v63  }
0x109: {  	_ = 	snop  }
0x10a: {  	[spmem:s3] =	stream.indirect.scatter.add.f32 [tilespmem:s23], [sflag:$0x2], $0x8, s0, s12, $0xb8;
	[tilespmem:$0xEC00] =	vst v63  }
0x10b: {  	_ =	swait.ge [sflag:s2], $0x400  }
0x10c: {  	[sflag:s2] =	ssyncset.done $0x0  }
0x10d: {  	[sflag:s2] =	ssyncadd.s32 $0xFFFFFC00  }
0x10e: {  	_ =	swait.ge [sflag:s2], $0x400  }
0x10f: {  	[sflag:s2] =	ssyncset.done $0x0  }
0x110: {  	[sflag:s2] =	ssyncadd.s32 $0xFFFFFC00  }
0x111: {  	_ =	swait.ge [sflag:s2], $0x400  }
0x112: {  	[sflag:s2] =	ssyncset.done $0x0  }
0x113: {  	[sflag:s2] =	ssyncadd.s32 $0xFFFFFC00  }
0x114: {  	_ =	swait.ge [sflag:s2], $0x400  }
0x115: {  	[sflag:s2] =	ssyncset.done $0x0  }
0x116: {  	[sflag:s2] =	ssyncadd.s32 $0xFFFFFC00  }
0x117: {  	_ =	swait.ge [sflag:s2], $0x400  }
0x118: {  	[sflag:s2] =	ssyncset.done $0x0  }
0x119: {  	[sflag:s2] =	ssyncadd.s32 $0xFFFFFC00  }
0x11a: {  	_ =	swait.ge [sflag:s2], $0x400  }
0x11b: {  	[sflag:s2] =	ssyncset.done $0x0  }
0x11c: {  	[sflag:s2] =	ssyncadd.s32 $0xFFFFFC00  }
0x11d: {  	_ =	swait.ge [sflag:s2], $0x400  }
0x11e: {  	[sflag:s2] =	ssyncset.done $0x0  }
0x11f: {  	[sflag:s2] =	ssyncadd.s32 $0xFFFFFC00  }
0x120: {  	_ =	swait.ge [sflag:s2], $0x400  }
0x121: {  	[sflag:s2] =	ssyncset.done $0x0  }
0x122: {  	[sflag:s2] =	ssyncadd.s32 $0xFFFFFC00  }
0x123: {  	[bflag:$0x0] =	sbarrier.arrive $0xFFFF  }
0x124: {  	s24 =	rddreg [dreg:$0xa]  }
0x125: {  	s8 =	rddreg [dreg:$0xc]  }
0x126: {  	s7 =	rddreg [dreg:$0xd]  }
0x127: {  	[hbm:s7], [sflag:s24] =	dma.local [spmem:s8], $0x1880  }
0x128: {  	_ =	swait.ge [sflag:s9], $0x1880  }
0x129: {  	s6 =	rddreg [dreg:$0xe]  }
0x12a: {  	s7 =	sadd.s32 $0x1, s6;
	s6 =	rddreg [dreg:$0xb]  }
0x12b: {  	p0 =	sne.s32 s7, s6  }
.Ltmp1:
0x12c: {  	_ = 	snop;
	(pc) =	sbr.rel @p0 .LBB2_1-.Ltmp1, $3  }
0x12d: {  	_ =	sdelay $0x1  }
0x12e: {  	[sflag:s9] =	ssyncset.done $0x0  }
0x12f: {  	[sflag:s9] =	ssyncadd.s32 $0xFFFFE780  }
0x130: {  	_ =	sfence.sel $0x180000  }
0x131: {  	[bflag:$0x0] =	sbarrier.arrive $0xFFFF  }
0x132: {  	_ =	strace $0x9000004D  }
0x133: {  	s0 =	stileid.u32;
	[bflag:$0x2] =	sbarrier.arrive $0xFFFF  }
0x134: {  	p0 =	sne.s32 s0, $0x0;
	s0 =	rddreg [dreg:$0x3]  }
0x135: {  	s0 =	sadd.s32 @!p0 $0x100000, s0  }
0x136: {  	[sflag:s0] =	ssyncadd.tile.s32 @!p0 $0x1;
	_ =	shalt  }
.Lfunc_end2:
_tile_overlayer_lowered:
.L_overlay_start_2:
0x137: {  	(tag) =	ssettag $0x2  }
0x138: {  	s0 =	rddreg [dreg:$0x0];
	s2 =	stileid.u32  }
0x139: {  	s1 =	rddreg [dreg:$0x1];
	p0 =	sne.s32 s2, $0x0  }
0x13a: {  	s3 =	rddreg [dreg:$0x2];
	[bflag:$0x3] =	sbarrier.arrive $0xFFFF;
	s2 =	simm.s32 @!p0 $0x1C03  }
0x13b: {  	[timem:s3], [sflag:s2] =	dma.local @!p0 [hbm:s0], s1  }
0x13c: {  	s0 =	simm.s32 @!p0 $0x3  }
0x13d: {  	_ =	swait.ge @!p0 [sflag:s0], s1  }
0x13e: {  	s1 =	ssub.s32 @!p0 $0x0, s1;
	[sflag:s0] =	ssyncset.done @!p0 $0x0  }
0x13f: {  	[sflag:s0] =	ssyncadd.s32 @!p0 s1  }
0x140: {  	[bflag:$0x3] =	sbarrier.arrive $0xFFFF  }
0x141: {  	_ =	shalt  }

// kernel: sine_gpvar_prep.3.cloned.1.call-start
scs
__scs_entry_jumppad:
0x0: {  	(pc) =	sbr.rel $0x88, $3  }
0x1: {  	(tag) =	ssettag $0x0;
	lr =	simm.s32 $0x1  }
0x2: {  	[smem:$0x3F9C] =	sst lr;
	_ =	strace $0xD0000000  }
0x3: {  	_ = 	snop  }
0x4: {  	_ = 	snop  }
0x5: {  	_ = 	snop  }
0x6: {  	_ = 	snop  }
0x7: {  	_ = 	snop  }
__scs_overlays_trampoline_lowered:
0x8: {  	[smem:$0x3FAB] =	sst s0  }
0x9: {  	[smem:$0x3FAC] =	sst s1  }
0xa: {  	[smem:$0x3FAD] =	sst s2  }
0xb: {  	[smem:$0x3FAE] =	sst s3  }
0xc: {  	[smem:$0x3FAF] =	sst s4  }
0xd: {  	[smem:$0x3FB0] =	sst s5  }
0xe: {  	[smem:$0x3FB1] =	sst s6  }
0xf: {  	[smem:$0x3FB2] =	sst s7  }
0x10: {  	[smem:$0x3FB3] =	sst s8  }
0x11: {  	[smem:$0x3FB4] =	sst s9;
	s0 =	simm.s32 @!p0 $0x0  }
0x12: {  	s1 =	sld [smem:$0x3F9A];
	s0 =	simm.s32 @p0 $0x1  }
0x13: {  	[smem:$0x3FB5] =	sst s0;
	s0 =	simm.s32 @!p1 $0x0  }
0x14: {  	s2 =	sld [smem:$0x3F99];
	s0 =	simm.s32 @p1 $0x1  }
0x15: {  	[smem:$0x3FB6] =	sst s0;
	s0 =	simm.s32 @!p2 $0x0  }
0x16: {  	s3 =	sld [smem:$0x3FDB];
	s0 =	simm.s32 @p2 $0x1  }
0x17: {  	s4 =	simm.s32 $0x1BF5;
	[smem:$0x3FB8] =	sst s0  }
0x18: {  	s0 =	sld [smem:$0x3F9B];
	_ =	swait.ge [sflag:s4], $0x0  }
0x19: {  	s7 =	sld [smem:$0x3F9C]  }
0x1a: {  	s8 =	sadd.s32 $0xFFFFE003, lr  }
0x1b: {  	s9 =	sadd.s32 $0xFFFFFEF7, lr;
	s5 =	simm.s32 $0xFFFFFFFF;
	p2 =	slt.u32 s8, $0xFFFFF086  }
0x1c: {  	p1 =	slt.u32 s9, $0xF7A;
	s5 =	simm.s32 @!p2 $0x0  }
0x1d: {  	s5 =	simm.s32 @p1 $0x1;
	p0 =	seq.s32 s7, s2  }
0x1e: {  	s7 =	smul.u32 @!p0 $0xF7A, s2;
	p2 =	seq.s32 @!p0 s5, $0x0  }
0x1f: {  	s9 =	smul.u32 $0xF7A, s1;
	s8 =	simm.s32 @!p0 $0x1BF5;
	p2 =	por !p2, p0  }
0x20: {  	[sflag:s8] =	ssyncset.s32 @!p0 $0xFFFFF086;
	s6 =	sadd.s32 @!p0 s3, s7;
	s7 =	simm.s32 @!p0 $0x108  }
0x21: {  	s3 =	sadd.s32 s3, s9;
	s6 =	sadd.s32 @!p0 $0x88, s6;
	s7 =	simm.s32 @p2 $0x1082  }
0x22: {  	[simem:s7], [sflag:s8] =	dma.local @!p0 [hbm:s6], $0xF7A  }
0x23: {  	s9 =	sor.u32 $0xD0000000, s2;
	s6 =	simm.s32 $0x108;
	_ =	swait.ge @!p0 [sflag:s8], $0x0  }
0x24: {  	s3 =	sadd.s32 $0x88, s3;
	s6 =	simm.s32 @!p1 $0x1082;
	[sflag:s4] =	ssyncset.s32 $0xFFFFF086  }
0x25: {  	[simem:s6], [sflag:s4] =	dma.local [hbm:s3], $0xF7A  }
0x26: {  	[smem:$0x3F9C] =	sst s1;
	(tag) =	ssettag s2;
	_ =	strace s9  }
0x27: {  	s1 =	sld [smem:$0x3FAC]  }
0x28: {  	s2 =	sld [smem:$0x3FAD]  }
0x29: {  	s4 =	sld [smem:$0x3FAF]  }
0x2a: {  	p0 =	seq.s32 s5, $0x0;
	s5 =	sld [smem:$0x3FB0]  }
0x2b: {  	s6 =	sld [smem:$0x3FB1]  }
0x2c: {  	s7 =	sld [smem:$0x3FB2]  }
0x2d: {  	s3 =	simm.s32 $0x108;
	s8 =	sld [smem:$0x3FB3]  }
0x2e: {  	s3 =	simm.s32 @!p0 $0x1082;
	s9 =	sld [smem:$0x3FB4]  }
0x2f: {  	lr =	sadd.s32 s0, s3;
	s0 =	sld [smem:$0x3FAB]  }
0x30: {  	s3 =	sld [smem:$0x3FAE]  }
0x31: {  	[smem:$0x3FB7] =	sst s10  }
0x32: {  	s10 =	sld [smem:$0x3FB5];
	_ =	sdelay $0x3  }
0x33: {  	p0 =	seq.s32 s10, $0x1;
	s10 =	sld [smem:$0x3FB7];
	_ =	sdelay $0x3  }
0x34: {  	[smem:$0x3FB7] =	sst s10  }
0x35: {  	s10 =	sld [smem:$0x3FB6];
	_ =	sdelay $0x3  }
0x36: {  	p1 =	seq.s32 s10, $0x1;
	s10 =	sld [smem:$0x3FB7];
	_ =	sdelay $0x3  }
0x37: {  	[smem:$0x3FB7] =	sst s10  }
0x38: {  	s10 =	sld [smem:$0x3FB8]  }
0x39: {  	_ = 	snop;
	(pc) =	sbr.ind lr, $3  }
0x3a: {  	_ = 	snop  }
0x3b: {  	_ = 	snop  }
0x3c: {  	p2 =	seq.s32 s10, $0x1;
	s10 =	sld [smem:$0x3FB7]  }
0x3d: {  	_ =	shalt  }
0x3e: {  	_ =	shalt  }
0x3f: {  	_ =	shalt  }
0x40: {  	_ =	shalt  }
0x41: {  	_ =	shalt  }
0x42: {  	_ =	shalt  }
0x43: {  	_ =	shalt  }
0x44: {  	_ =	shalt  }
0x45: {  	_ =	shalt  }
0x46: {  	_ =	shalt  }
0x47: {  	_ =	shalt  }
0x48: {  	_ =	shalt  }
0x49: {  	_ =	shalt  }
0x4a: {  	_ =	shalt  }
0x4b: {  	_ =	shalt  }
0x4c: {  	_ =	shalt  }
0x4d: {  	_ =	shalt  }
0x4e: {  	_ =	shalt  }
0x4f: {  	_ =	shalt  }
0x50: {  	_ =	shalt  }
0x51: {  	_ =	shalt  }
0x52: {  	_ =	shalt  }
0x53: {  	_ =	shalt  }
0x54: {  	_ =	shalt  }
0x55: {  	_ =	shalt  }
0x56: {  	_ =	shalt  }
0x57: {  	_ =	shalt  }
0x58: {  	_ =	shalt  }
0x59: {  	_ =	shalt  }
0x5a: {  	_ =	shalt  }
0x5b: {  	_ =	shalt  }
0x5c: {  	_ =	shalt  }
0x5d: {  	_ =	shalt  }
0x5e: {  	_ =	shalt  }
0x5f: {  	_ =	shalt  }
0x60: {  	_ =	shalt  }
0x61: {  	_ =	shalt  }
0x62: {  	_ =	shalt  }
0x63: {  	_ =	shalt  }
0x64: {  	_ =	shalt  }
0x65: {  	_ =	shalt  }
0x66: {  	_ =	shalt  }
0x67: {  	_ =	shalt  }
0x68: {  	_ =	shalt  }
0x69: {  	_ =	shalt  }
0x6a: {  	_ =	shalt  }
0x6b: {  	_ =	shalt  }
0x6c: {  	_ =	shalt  }
0x6d: {  	_ =	shalt  }
0x6e: {  	_ =	shalt  }
0x6f: {  	_ =	shalt  }
0x70: {  	_ =	shalt  }
0x71: {  	_ =	shalt  }
0x72: {  	_ =	shalt  }
0x73: {  	_ =	shalt  }
0x74: {  	_ =	shalt  }
0x75: {  	_ =	shalt  }
0x76: {  	_ =	shalt  }
0x77: {  	_ =	shalt  }
0x78: {  	_ =	shalt  }
0x79: {  	_ =	shalt  }
0x7a: {  	_ =	shalt  }
0x7b: {  	_ =	shalt  }
0x7c: {  	_ =	shalt  }
0x7d: {  	_ =	shalt  }
0x7e: {  	_ =	shalt  }
0x7f: {  	_ =	shalt  }
0x80: {  	_ =	shalt  }
0x81: {  	_ =	shalt  }
0x82: {  	_ =	shalt  }
0x83: {  	_ =	shalt  }
0x84: {  	_ =	shalt  }
0x85: {  	_ =	shalt  }
0x86: {  	_ =	shalt  }
0x87: {  	_ =	shalt  }
.Lfunc_end0:
.L_simem_size_0:
called_computation_lowered:
.L_overlay_start_0:
0x88: {  	s2 =	sld [smem:$0x3FD9]  }
0x89: {  	s3 =	sld [smem:$0x3FFE];
	_ =	sdelay $0x1  }
0x8a: {  	s1 =	srdreg.scid  }
0x8b: {  	s0 =	sand.u32 $0x1, s1  }
0x8c: {  	s17 =	sshll.u32 s0, $0xA;
	s2 =	sadd.s32 s3, s2  }
0x8d: {  	s2 =	sadd.s32 s2, s17  }
0x8e: {  	[smem:$0x3FC3] =	sst s2  }
0x8f: {  	_ = 	snop  }
0x90: {  	s2 =	sld [smem:$0x3FD0];
	(tm) =	ssettm $0x1  }
0x91: {  	s18 =	sld [smem:$0x3FFB];
	_ =	sdelay $0x3  }
0x92: {  	_ =	strace s18  }
0x93: {  	s3 =	sld [smem:$0x3FFC];
	_ =	sdelay $0x3  }
0x94: {  	_ =	strace s3  }
0x95: {  	s3 =	sld [smem:$0x3FFD];
	_ =	sdelay $0x3  }
0x96: {  	_ =	strace s3  }
0x97: {  	_ =	strace $0x8FFFFFFF  }
0x98: {  	s19 =	sld [smem:$0x3FDB];
	_ =	sdelay $0x1  }
0x99: {  	s4 =	simm.s32 $_scs_section_size  }
0x9a: {  	s5 =	simm.s32 $_size__tile_overlayer_lowered;
	s6 =	simm.s32 $_tile_overlayer_lowered  }
0x9b: {  	s22 =	simm.s32 $0x1BFF;
	s21 =	sshll.u32 s6, $0x1;
	s3 =	sadd.s32 s4, s19  }
0x9c: {  	s7 =	simm.s32 $0x0;
	s20 =	sshll.u32 s5, $0x1;
	s5 =	sadd.s32 s21, s3  }
0x9d: {  	[timem:s7], [sflag:s22] =	dma.local [hbm:s5], s20  }
0x9e: {  	_ =	swait.ge [sflag:s22], s20  }
0x9f: {  	s4 =	ssub.s32 $0x0, s20;
	[sflag:s22] =	ssyncset.done $0x0  }
0xa0: {  	[sflag:s22] =	ssyncadd.s32 s4;
	_ =	sdelay $0x1  }
0xa1: {  	s23 =	simm.s32 $0x1B8B  }
0xa2: {  	_ =	swait.ge [sflag:s23], $0x1  }
0xa3: {  	[sflag:s23] =	ssyncset.done $0x0  }
0xa4: {  	s25 =	simm.s32 $0x1B8E;
	s24 =	sld [smem:$0x3FFE];
	[sflag:s23] =	ssyncadd.s32 $0xFFFFFFFF  }
0xa5: {  	s26 =	simm.s32 $execute0_lowered;
	[smem:$0x3FD2] =	sst s25  }
0xa6: {  	s5 =	sshll.u32 s26, $0x1;
	_ =	strace $0x80000046;
	[dreg:$0x1] =	wrdreg $0xFFFFFFFF  }
0xa7: {  	s28 =	simm.s32 $_size_execute0_lowered;
	s3 =	sadd.s32 s3, s5;
	[dreg:$0x0] =	wrdreg $0x0  }
0xa8: {  	s5 =	sshll.u32 s28, $0x1;
	[dreg:$0x2] =	wrdreg s3  }
0xa9: {  	[dreg:$0x3] =	wrdreg s5  }
0xaa: {  	[dreg:$0x4] =	wrdreg $0xC0  }
0xab: {  	_ =	task [dreg:s7], $0x5FFFF  }
0xac: {  	[dreg:$0x1] =	wrdreg $0xFFFFFFFF  }
0xad: {  	[dreg:$0x0] =	wrdreg $0x60  }
0xae: {  	[dreg:$0x2] =	wrdreg s24  }
0xaf: {  	[dreg:$0x3] =	wrdreg s2  }
0xb0: {  	[dreg:$0x4] =	wrdreg $0x9  }
0xb1: {  	_ =	task.clear_ibuf [dreg:s7], $0x5FFFF;
	_ =	strace $0x90000046  }
0xb2: {  	s29 =	simm.s32 $0x9;
	_ =	strace $0x80000048  }
0xb3: {  	_ =	swait.ge [sflag:s29], $0x1  }
0xb4: {  	[sflag:s29] =	ssyncadd.s32 $0xFFFFFFFF  }
0xb5: {  	_ =	strace $0x90000048  }
0xb6: {  	_ =	sfence  }
0xb7: {  	s30 =	sld [smem:$0x0];
	_ =	sdelay $0x2  }
0xb8: {  	s31 =	sshll.u32 s1, $0xD;
	s1 =	sshrl.u32 s1, $0x2  }
0xb9: {  	s3 =	sand.u32 $0x4000, s31;
	s1 =	sadd.s32 s1, s30  }
0xba: {  	s0 =	sor.u32 s3, s0;
	s1 =	sshll.u32 s1, $0x11  }
0xbb: {  	s0 =	sor.u32 s1, s0  }
0xbc: {  	s0 =	sadd.s32 $0x8F2B, s0  }
0xbd: {  	[sflag:s0] =	ssyncadd.remote.s32 $0x1  }
0xbe: {  	_ =	sfence.sel $0xFFFF  }
0xbf: {  	[dreg:$0x0] =	wrdreg $0xFFFFFFFF;
	(pc) =	sbr.abs _section_cstart, $3  }
0xc0: {  	[dreg:$0x1] =	wrdreg $0xFFFFFFFF  }
0xc1: {  	_ =	task.clear_ibuf [dreg:s7], $0x2FFFF;
	_ =	strace $0x9FFFFFFF  }
0xc2: {  	(tm) =	ssettm $0x7FFFFFFF  }
0xc3: {  	_ =	shalt  }
tec
execute0_lowered:
.L_overlay_start_1:
0x0: {  	(tag) =	ssettag $0x1  }
0x1: {  	s5 =	rddreg [dreg:$0x0]  }
0x2: {  	s1 =	rddreg [dreg:$0x1]  }
0x3: {  	s0 =	rddreg [dreg:$0x2];
	s2 =	simm.s32 $0x0  }
0x4: {  	s3 =	srdreg.scid;
	s10 =	simm.s32 $0x630;
	s11 =	simm.s32 $0xC50  }
0x5: {  	s12 =	simm.s32 $0x1270;
	s13 =	simm.s32 $0x1EB0;
	s14 =	simm.s32 $0x24D0  }
0x6: {  	s15 =	simm.s32 $0x2AF0;
	s16 =	simm.s32 $0x3110;
	s17 =	simm.s32 $0x0  }
0x7: {  	[smem:$0x7FF] =	sst s2;
	s6 =	sand.u32 $0x1, s3;
	s3 =	stileid.u32  }
0x8: {  	s4 =	sadd.s32 $0x18E00, s5;
	s5 =	sadd.s32 $0x31600, s5;
	s7 =	ssub.s32 $0x2, s6  }
0x9: {  	_ =	strace $0x80000047;
	s9 =	sshll.u32 s3, $0x1;
	s8 =	sshrl.u32 s7, $0x1  }
0xa: {  	v0 =	vlaneseq.u32;
	s6 =	sor.u32 s6, s9;
	s9 =	simm.s32 $0x10;
	s7 =	ssub.s32 s7, s8  }
0xb: {  	v0 =	vmul.u32 $0x4, v0;
	s6 =	smul.u32 $0xC40, s6;
	s8 =	simm.s32 $0x1;
	s7 =	smax.u32 s7, $0x1  }
.LBB2_1:
0xc: {  	[tilespmem:s2], [sflag:$0x1] =	stream.linear.gather [hbm4b:s1+s2], $0x10, $0x38;
	[tilespmem:$0x4990] =	vst v63  }
0xd: {  	_ =	swait.ge [sflag:s8], $0x10  }
0xe: {  	[sflag:s8] =	ssyncset.done $0x0  }
0xf: {  	[sflag:s8] =	ssyncadd.s32 $0xFFFFFFF0  }
0x10: {  	v8 =	vld [tilespmem:$0x0];
	_ =	sdelay $0x4  }
0x11: {  	v1 =	vbroadcast v8, $0x4;
	v2 =	vbroadcast v8, $0x5  }
0x12: {  	v3 =	vbroadcast v8, $0x6;
	v4 =	vbroadcast v8, $0x7  }
0x13: {  	v5 =	vbroadcast v8, $0x8;
	v6 =	vbroadcast v8, $0x9  }
0x14: {  	p1 =	por $0x1, $0x1;
	s18 =	simm.s32 $0x0;
	v7 =	vbroadcast v8, $0xA;
	v8 =	vbroadcast v8, $0xB  }
.LBB2_2:
0x15: {  	s18 =	sadd.s32 s6, s18  }
0x16: {  	s19 =	sshrl.u32 s18, $0x3  }
0x17: {  	s21 =	simm.s32 $0x0;
	s20 =	sadd.s32 s4, s19  }
0x18: {  	[tilespmem:s9], [sflag:$0x1] =	stream.linear.gather [hbm4b:s20+s21], $0x620, $0x38;
	[tilespmem:$0x4990] =	vst v63  }
0x19: {  	_ =	swait.ge [sflag:s8], $0x620  }
0x1a: {  	[sflag:s8] =	ssyncset.done $0x0  }
0x1b: {  	s19 =	sadd.s32 $0x3100, s20;
	[sflag:s8] =	ssyncadd.s32 $0xFFFFF9E0  }
0x1c: {  	[tilespmem:s10], [sflag:$0x1] =	stream.linear.gather [hbm4b:s19+s21], $0x620, $0x38;
	[tilespmem:$0x4990] =	vst v63  }
0x1d: {  	_ =	swait.ge [sflag:s8], $0x620  }
0x1e: {  	[sflag:s8] =	ssyncset.done $0x0  }
0x1f: {  	s28 =	sadd.s32 $0x6200, s20;
	[sflag:s8] =	ssyncadd.s32 $0xFFFFF9E0  }
0x20: {  	[tilespmem:s11], [sflag:$0x1] =	stream.linear.gather [hbm4b:s28+s21], $0x620, $0x38;
	[tilespmem:$0x4990] =	vst v63  }
0x21: {  	_ =	swait.ge [sflag:s8], $0x620  }
0x22: {  	[sflag:s8] =	ssyncset.done $0x0  }
0x23: {  	s29 =	sadd.s32 $0x9300, s20;
	[sflag:s8] =	ssyncadd.s32 $0xFFFFF9E0  }
0x24: {  	[tilespmem:s12], [sflag:$0x1] =	stream.linear.gather [hbm4b:s29+s21], $0x620, $0x38;
	[tilespmem:$0x4990] =	vst v63  }
0x25: {  	_ =	swait.ge [sflag:s8], $0x620  }
0x26: {  	[sflag:s8] =	ssyncset.done $0x0  }
0x27: {  	s22 =	sadd.s32 $0xC400, s20;
	s19 =	simm.s32 $0x1890;
	[sflag:s8] =	ssyncadd.s32 $0xFFFFF9E0  }
0x28: {  	[tilespmem:s19], [sflag:$0x1] =	stream.linear.gather [hbm4b:s22+s21], $0x620, $0x38;
	[tilespmem:$0x4990] =	vst v63  }
0x29: {  	_ =	swait.ge [sflag:s8], $0x620  }
0x2a: {  	[sflag:s8] =	ssyncset.done $0x0  }
0x2b: {  	s30 =	sadd.s32 $0xF500, s20;
	[sflag:s8] =	ssyncadd.s32 $0xFFFFF9E0  }
0x2c: {  	[tilespmem:s13], [sflag:$0x1] =	stream.linear.gather [hbm4b:s30+s21], $0x620, $0x38;
	[tilespmem:$0x4990] =	vst v63  }
0x2d: {  	_ =	swait.ge [sflag:s8], $0x620  }
0x2e: {  	[sflag:s8] =	ssyncset.done $0x0  }
0x2f: {  	s31 =	sadd.s32 $0x12600, s20;
	[sflag:s8] =	ssyncadd.s32 $0xFFFFF9E0  }
0x30: {  	[tilespmem:s14], [sflag:$0x1] =	stream.linear.gather [hbm4b:s31+s21], $0x620, $0x38;
	[tilespmem:$0x4990] =	vst v63  }
0x31: {  	_ =	swait.ge [sflag:s8], $0x620  }
0x32: {  	[sflag:s8] =	ssyncset.done $0x0  }
0x33: {  	s20 =	sadd.s32 $0x15700, s20;
	[sflag:s8] =	ssyncadd.s32 $0xFFFFF9E0  }
0x34: {  	[tilespmem:s15], [sflag:$0x1] =	stream.linear.gather [hbm4b:s20+s21], $0x620, $0x38;
	[tilespmem:$0x4990] =	vst v63  }
0x35: {  	_ =	swait.ge [sflag:s8], $0x620  }
0x36: {  	[sflag:s8] =	ssyncset.done $0x0  }
0x37: {  	[sflag:s8] =	ssyncadd.s32 $0xFFFFF9E0  }
0x38: {  	v9 =	vld [tilespmem:s19+$0xFFFFEDA0]  }
0x39: {  	v10 =	vld [tilespmem:s19+$0xFFFFE780];
	_ =	sdelay $0x1  }
0x3a: {  	v11 =	vld [tilespmem:s19+$0xFFFFF3C0];
	_ =	sdelay $0x1  }
0x3b: {  	v12 =	vld [tilespmem:s19+$0xFFFFF9E0]  }
0x3c: {  	v13 =	vmul.f32 v10, v1;
	v14 =	vmul.f32 v9, v2  }
0x3d: {  	v15 =	vmov s21;
	v10 =	vmul.f32 v10, v5;
	v9 =	vmul.f32 v9, v6  }
0x3e: {  	v15 =	vshll.u32 v15, $0x2;
	v13 =	vadd.f32 v14, v13;
	v14 =	vmul.f32 v11, v3  }
0x3f: {  	v15 =	vor.u32 v0, v15;
	v9 =	vadd.f32 v9, v10;
	v10 =	vmul.f32 v11, v7  }
0x40: {  	v11 =	vadd.f32 v14, v13;
	v13 =	vmul.f32 v12, v4;
	v14 =	vor.u32 $0x2, v15  }
0x41: {  	v9 =	vadd.f32 v10, v9;
	v10 =	vmul.f32 v12, v8  }
0x42: {  	v11 =	vadd.f32 v13, v11  }
0x43: {  	v9 =	vadd.f32 v10, v9  }
0x44: {  	[tilespmem:v15+s16+$0x0] =	vst.idx.msk $0xffff, v11  }
0x45: {  	[tilespmem:v14+s16+$0x0] =	vst.idx.msk $0xffff, v9  }
0x46: {  	v9 =	vld [tilespmem:s19+$0x0]  }
0x47: {  	v10 =	vld [tilespmem:s19+$0x620];
	_ =	sdelay $0x1  }
0x48: {  	v11 =	vld [tilespmem:s19+$0xC40];
	_ =	sdelay $0x1  }
0x49: {  	v12 =	vld [tilespmem:s19+$0x1260];
	v13 =	vmul.f32 v9, v1;
	v9 =	vmul.f32 v9, v5  }
0x4a: {  	v14 =	vmul.f32 v10, v2;
	v10 =	vmul.f32 v10, v6;
	_ =	sdelay $0x1  }
0x4b: {  	v9 =	vadd.f32 v10, v9;
	v10 =	vmul.f32 v11, v7  }
0x4c: {  	v16 =	vmul.f32 v11, v3;
	v13 =	vadd.f32 v14, v13  }
0x4d: {  	v63 =	vmul.f32 v12, v8;
	v14 =	vadd.f32 v10, v9;
	v9 =	vor.u32 $0x1, v15  }
0x4e: {  	v11 =	vmul.f32 v12, v4;
	v13 =	vadd.f32 v16, v13;
	v10 =	vor.u32 $0x3, v15;
	_ =	sdelay $0x1  }
0x4f: {  	p0 =	por p1, p1;
	s20 =	simm.s32 $0x10;
	v12 =	vadd.f32 v11, v13;
	v11 =	vadd.f32 v63, v14  }
.LBB2_3:
0x50: {  	p1 =	sne.s32 s20, $0x610  }
0x51: {  	s19 =	sadd.s32 $0x10, s19;
	s21 =	smov.u32 s20;
	s20 =	sadd.s32 $0x10, s20;
	[tilespmem:v9+s16+$0x0] =	vst.idx.msk $0xffff, v12  }
0x52: {  	[tilespmem:v10+s16+$0x0] =	vst.idx.msk $0xffff, v11  }
0x53: {  	v9 =	vld [tilespmem:s19+$0xFFFFEDA0]  }
0x54: {  	v10 =	vld [tilespmem:s19+$0xFFFFE780];
	_ =	sdelay $0x1  }
0x55: {  	v11 =	vld [tilespmem:s19+$0xFFFFF3C0];
	_ =	sdelay $0x1  }
0x56: {  	v12 =	vld [tilespmem:s19+$0xFFFFF9E0]  }
0x57: {  	v14 =	vmul.f32 v9, v2;
	v13 =	vmul.f32 v10, v1  }
0x58: {  	v15 =	vmov s21;
	v9 =	vmul.f32 v9, v6;
	v10 =	vmul.f32 v10, v5  }
0x59: {  	v15 =	vshll.u32 v15, $0x2;
	v13 =	vadd.f32 v14, v13;
	v14 =	vmul.f32 v11, v3  }
0x5a: {  	v15 =	vor.u32 v0, v15;
	v9 =	vadd.f32 v9, v10;
	v10 =	vmul.f32 v11, v7  }
0x5b: {  	v11 =	vadd.f32 v14, v13;
	v13 =	vmul.f32 v12, v4;
	v14 =	vor.u32 $0x2, v15  }
0x5c: {  	v9 =	vadd.f32 v10, v9;
	v10 =	vmul.f32 v12, v8  }
0x5d: {  	v11 =	vadd.f32 v13, v11  }
0x5e: {  	v9 =	vadd.f32 v10, v9  }
0x5f: {  	[tilespmem:v15+s16+$0x0] =	vst.idx.msk $0xffff, v11  }
0x60: {  	[tilespmem:v14+s16+$0x0] =	vst.idx.msk $0xffff, v9  }
0x61: {  	v9 =	vld [tilespmem:s19+$0x0]  }
0x62: {  	v10 =	vld [tilespmem:s19+$0x620]  }
0x63: {  	v11 =	vld [tilespmem:s19+$0xC40];
	_ =	sdelay $0x1  }
0x64: {  	v12 =	vld [tilespmem:s19+$0x1260]  }
0x65: {  	v13 =	vmul.f32 v9, v1;
	v14 =	vmul.f32 v9, v5  }
0x66: {  	v16 =	vmul.f32 v10, v2;
	v10 =	vmul.f32 v10, v6  }
0x67: {  	v9 =	vor.u32 $0x1, v15;
	v17 =	vmul.f32 v11, v3  }
.Ltmp0:
0x68: {  	v11 =	vmul.f32 v11, v7;
	v13 =	vadd.f32 v16, v13;
	v14 =	vadd.f32 v10, v14;
	(pc) =	sbr.rel @p1 .LBB2_3-.Ltmp0, $3  }
0x69: {  	v10 =	vor.u32 $0x3, v15;
	v16 =	vmul.f32 v12, v4  }
0x6a: {  	v13 =	vadd.f32 v17, v13;
	v11 =	vadd.f32 v11, v14;
	v14 =	vmul.f32 v12, v8;
	_ =	sdelay $0x1  }
0x6b: {  	v12 =	vadd.f32 v16, v13;
	v11 =	vadd.f32 v14, v11  }
0x6c: {  	_ =	sdelay $0x3  }
0x6d: {  	s18 =	sshrl.u32 s18, $0x1;
	[tilespmem:v9+s16+$0x0] =	vst.idx.msk $0xffff, v12  }
.Ltmp1:
0x6e: {  	s18 =	sadd.s32 s5, s18;
	[tilespmem:v10+s16+$0x0] =	vst.idx.msk $0xffff, v11;
	(pc) =	sbr.rel @p0 .LBB2_2-.Ltmp1, $4  }
0x6f: {  	[hbm4b:s18+s2] =	stream.linear.scatter [tilespmem:s16], [sflag:$0x1], $0x1880, $0x38;
	[tilespmem:$0x4990] =	vst v63  }
0x70: {  	_ =	swait.ge [sflag:s8], $0x1880  }
0x71: {  	[sflag:s8] =	ssyncset.done $0x0  }
0x72: {  	p1 =	por $0x0, $0x0;
	s18 =	simm.s32 $0x620;
	[sflag:s8] =	ssyncadd.s32 $0xFFFFE780  }
0x73: {  	s17 =	sadd.s32 $0x1, s17  }
0x74: {  	p0 =	sne.s32 s17, s7  }
.Ltmp2:
0x75: {  	_ = 	snop;
	(pc) =	sbr.rel @p0 .LBB2_1-.Ltmp2, $1  }
0x76: {  	_ =	sdelay $0x3  }
0x77: {  	_ =	sfence.sel $0x180000  }
0x78: {  	[bflag:$0x0] =	sbarrier.arrive $0xFFFF  }
0x79: {  	p0 =	sne.s32 s3, $0x0;
	_ =	strace $0x90000047  }
0x7a: {  	s0 =	sadd.s32 @!p0 $0x100000, s0;
	[bflag:$0x2] =	sbarrier.arrive $0xFFFF  }
0x7b: {  	[sflag:s0] =	ssyncadd.tile.s32 @!p0 $0x1;
	_ =	shalt  }
.Lfunc_end2:
_tile_overlayer_lowered:
.L_overlay_start_2:
0x7c: {  	(tag) =	ssettag $0x2  }
0x7d: {  	s0 =	rddreg [dreg:$0x0];
	s2 =	stileid.u32  }
0x7e: {  	s1 =	rddreg [dreg:$0x1];
	p0 =	sne.s32 s2, $0x0  }
0x7f: {  	s3 =	rddreg [dreg:$0x2];
	[bflag:$0x3] =	sbarrier.arrive $0xFFFF;
	s2 =	simm.s32 @!p0 $0x1C01  }
0x80: {  	[timem:s3], [sflag:s2] =	dma.local @!p0 [hbm:s0], s1  }
0x81: {  	s0 =	simm.s32 @!p0 $0x1  }
0x82: {  	_ =	swait.ge @!p0 [sflag:s0], s1  }
0x83: {  	s1 =	ssub.s32 @!p0 $0x0, s1;
	[sflag:s0] =	ssyncset.done @!p0 $0x0  }
0x84: {  	[sflag:s0] =	ssyncadd.s32 @!p0 s1  }
0x85: {  	[bflag:$0x3] =	sbarrier.arrive $0xFFFF  }
0x86: {  	_ =	shalt  }

</sc_bundles>
